<compile_context>
chip_gen: v7x
topology: tpu7x:2x2x1
jax: 0.10.2.dev20260603
libtpu: 0.0.44.dev20260713+nightly
codegen_flags: <defaults>
</compile_context>

<pallas_src>
import functools
import math

import jax
import jax.numpy as jnp
from jax import lax
from jax.experimental import pallas as pl
from jax.experimental.pallas import tpu as pltpu
from jax.experimental.pallas import tpu_sc as plsc

EMB = 32
SCALE = math.sqrt(float(EMB))

NC = 2
NS = 16
NW = NC * NS

B = 4096 * 200
BPW = B // NW
G = 128
NG = BPW // G
K = 4
GR = K * G
NGRP = NG // K
NBUF = 5

_mesh = plsc.VectorSubcoreMesh(core_axis_name="c", subcore_axis_name="s")


@functools.partial(
    pl.kernel,
    mesh=_mesh,
    compiler_params=pltpu.CompilerParams(use_tc_tiling_on_sc=False),
    out_type=jax.ShapeDtypeStruct((B, 128), jnp.float32),
    scratch_types=[
        pltpu.VMEM((NG, G), jnp.int32),
        pltpu.VMEM((GR, EMB), jnp.float32),
        pltpu.VMEM((GR, EMB), jnp.float32),
        pltpu.VMEM((GR, EMB), jnp.float32),
        pltpu.VMEM((GR, EMB), jnp.float32),
        pltpu.VMEM((GR, EMB), jnp.float32),
        pltpu.SemaphoreType.DMA,
        pltpu.SemaphoreType.DMA,
        pltpu.SemaphoreType.DMA,
        pltpu.SemaphoreType.DMA,
        pltpu.SemaphoreType.DMA,
        pltpu.SemaphoreType.DMA,
        pltpu.SemaphoreType.DMA,
        pltpu.SemaphoreType.DMA,
        pltpu.SemaphoreType.DMA,
        pltpu.SemaphoreType.DMA,
    ],
)
def _embed(tok_hbm, table_hbm, out_hbm, idx_v,
           rb0, rb1, rb2, rb3, rb4, sg0, sg1, sg2, sg3, sg4,
           so0, so1, so2, so3, so4):
    rows = [rb0, rb1, rb2, rb3, rb4]
    sg = [sg0, sg1, sg2, sg3, sg4]
    so = [so0, so1, so2, so3, so4]
    wid = lax.axis_index("s") * NC + lax.axis_index("c")
    base = wid * BPW

    pltpu.sync_copy(tok_hbm.at[wid], idx_v)

    def fire(g, b):
        for j in range(K):
            pltpu.make_async_copy(
                table_hbm.at[idx_v.at[g * K + j]],
                rows[b].at[pl.ds(j * G, G)],
                sg[b],
            ).start()

    def drain_gathers(b):
        pltpu.make_async_copy(out_hbm.at[pl.ds(0, GR), pl.ds(0, EMB)],
                              rows[b], sg[b]).wait()

    def wait_out(b):
        pltpu.make_async_copy(out_hbm.at[pl.ds(0, GR), pl.ds(0, EMB)],
                              rows[b], so[b]).wait()

    for b in range(NBUF - 1):
        fire(b, b)

    def outer(t, carry):
        for b in range(NBUF):
            g = t * NBUF + b
            drain_gathers(b)

            def scale_row(r, c):
                for h in range(2):
                    sl = (r, pl.ds(h * 16, 16))
                    rows[b][sl] = rows[b][sl] * SCALE
                return c

            lax.fori_loop(0, GR, scale_row, 0, unroll=8)

            pltpu.make_async_copy(
                rows[b],
                out_hbm.at[pl.ds(base + g * GR, GR), pl.ds(0, EMB)],
                so[b],
            ).start()

            bp = (b - 1) % NBUF

            @pl.when(g >= 1)
            def _():
                wait_out(bp)

            @pl.when(g + NBUF - 1 < NGRP)
            def _():
                fire(g + NBUF - 1, bp)
        return carry

    lax.fori_loop(0, NGRP // NBUF, outer, 0)
    wait_out(NBUF - 1)


def kernel(tokens, table):
    flat = tokens.reshape(NW, NG, G).astype(jnp.int32)
    out = _embed(flat, table)
    return out[:, :EMB].reshape(tokens.shape + (EMB,))

# --- scband reference (transcript-rebuilt; emitter-appended) ---
"""Pipeline reference for scband-token-embedding-58772332478501 (READ-ONLY COPY).

The authoritative reference and input builder live on the scoring server;
editing this copy changes nothing except your own understanding.
"""

import jax, jax.numpy as jnp
import numpy as np
import math

VOCAB = 1000000
EMB = 32
PAD_IDX = 34

def setup_inputs(seed: int = 0) -> dict:
    key = jax.random.key(seed)
    k1, k2 = jax.random.split(key)
    tokens = jax.random.randint(k1, (4096, 200), 0, VOCAB)
    table = jax.random.normal(k2, (VOCAB, EMB), dtype=jnp.float32)
    table = table.at[PAD_IDX].set(0.0)  # padding_idx row is zero in nn.Embedding
    return {"tokens": tokens, "table": table}

def reference(tokens, table):
    # torch squeeze(dim=-1) is a no-op here since last dim (200) != 1
    emb = jnp.take(table, tokens, axis=0)
    return emb * math.sqrt(float(EMB))

if __name__ == "__main__":
    import jax
    _d = setup_inputs()
    print(jax.jit(kernel)(*tuple(_d.values())))

</pallas_src>

<mosaic_0001>
#map = affine_map<(d0, d1) -> (0, 0, 0)>
#map1 = affine_map<(d0, d1) -> (0, 0)>
module attributes {stable_mosaic.version = 14 : i64} {
  func.func @_embed(%arg0: i32, %arg1: i32, %arg2: memref<32x200x128xi32, #tpu.memory_space<hbm>>, %arg3: memref<1000000x32xf32, #tpu.memory_space<hbm>>, %arg4: memref<819200x128xf32, #tpu.memory_space<hbm>>, %arg5: memref<200x128xi32, #tpu.memory_space<vmem>>, %arg6: memref<512x32xf32, #tpu.memory_space<vmem>>, %arg7: memref<512x32xf32, #tpu.memory_space<vmem>>, %arg8: memref<512x32xf32, #tpu.memory_space<vmem>>, %arg9: memref<512x32xf32, #tpu.memory_space<vmem>>, %arg10: memref<512x32xf32, #tpu.memory_space<vmem>>, %arg11: memref<!tpu.dma_semaphore, #tpu.memory_space<semaphore_mem>>, %arg12: memref<!tpu.dma_semaphore, #tpu.memory_space<semaphore_mem>>, %arg13: memref<!tpu.dma_semaphore, #tpu.memory_space<semaphore_mem>>, %arg14: memref<!tpu.dma_semaphore, #tpu.memory_space<semaphore_mem>>, %arg15: memref<!tpu.dma_semaphore, #tpu.memory_space<semaphore_mem>>, %arg16: memref<!tpu.dma_semaphore, #tpu.memory_space<semaphore_mem>>, %arg17: memref<!tpu.dma_semaphore, #tpu.memory_space<semaphore_mem>>, %arg18: memref<!tpu.dma_semaphore, #tpu.memory_space<semaphore_mem>>, %arg19: memref<!tpu.dma_semaphore, #tpu.memory_space<semaphore_mem>>, %arg20: memref<!tpu.dma_semaphore, #tpu.memory_space<semaphore_mem>>) attributes {dimension_semantics = [#tpu.dimension_semantics<core_parallel>, #tpu.dimension_semantics<subcore_parallel>], iteration_bounds = array<i64: 2, 16>, scalar_prefetch = 0 : i64, scratch_operands = 16 : i64, tpu.core_type = #tpu.core_type<sc_vector_subcore>, window_params = [{transform_indices = #map}, {transform_indices = #map1}, {transform_indices = #map1}]} {
    %mul3A = arith.constant 2 : i32
    %mul3A_0 = arith.muli %arg1, %mul3A : i32
    %add3A = arith.addi %mul3A_0, %arg0 : i32
    %mul3A_1 = arith.constant 25600 : i32
    %mul3A_2 = arith.muli %add3A, %mul3A_1 : i32
    "tpu.region"() ({
      %run_scoped3A = tpu.sem_alloc : memref<!tpu.dma_semaphore, #tpu.memory_space<semaphore_mem>>
      %dma_start3A_172 = arith.constant 0 : i32
      %dma_start3A_173 = arith.constant 0 : i32
      %dma_start3A_174 = tpu.memref_slice %arg2[%add3A, %dma_start3A_172, %dma_start3A_173] : memref<32x200x128xi32, #tpu.memory_space<hbm>> -> memref<1x200x128xi32, #tpu.memory_space<hbm>>
      %dma_start3A_175 = tpu.memref_squeeze %dma_start3A_174 : memref<1x200x128xi32, #tpu.memory_space<hbm>> -> memref<200x128xi32, #tpu.memory_space<hbm>>
      %dma_start3A_176 = arith.constant 0 : i32
      %dma_start3A_177 = arith.constant 0 : i32
      %dma_start3A_178 = tpu.memref_slice %arg2[%add3A, %dma_start3A_176, %dma_start3A_177] : memref<32x200x128xi32, #tpu.memory_space<hbm>> -> memref<1x200x128xi32, #tpu.memory_space<hbm>>
      %dma_start3A_179 = tpu.memref_squeeze %dma_start3A_178 : memref<1x200x128xi32, #tpu.memory_space<hbm>> -> memref<200x128xi32, #tpu.memory_space<hbm>>
      tpu.enqueue_dma source(%dma_start3A_179 : memref<200x128xi32, #tpu.memory_space<hbm>>) target(%arg5 : memref<200x128xi32, #tpu.memory_space<vmem>>) target_semaphore(%run_scoped3A : memref<!tpu.dma_semaphore, #tpu.memory_space<semaphore_mem>>)
      %dma_wait3A_180 = arith.constant 0 : i32
      %dma_wait3A_181 = arith.constant 0 : i32
      %dma_wait3A_182 = tpu.memref_slice %arg2[%add3A, %dma_wait3A_180, %dma_wait3A_181] : memref<32x200x128xi32, #tpu.memory_space<hbm>> -> memref<1x200x128xi32, #tpu.memory_space<hbm>>
      %dma_wait3A_183 = tpu.memref_squeeze %dma_wait3A_182 : memref<1x200x128xi32, #tpu.memory_space<hbm>> -> memref<200x128xi32, #tpu.memory_space<hbm>>
      %dma_wait3A_184 = arith.constant 0 : i32
      %dma_wait3A_185 = arith.constant 0 : i32
      %dma_wait3A_186 = tpu.memref_slice %arg2[%add3A, %dma_wait3A_184, %dma_wait3A_185] : memref<32x200x128xi32, #tpu.memory_space<hbm>> -> memref<1x200x128xi32, #tpu.memory_space<hbm>>
      %dma_wait3A_187 = tpu.memref_squeeze %dma_wait3A_186 : memref<1x200x128xi32, #tpu.memory_space<hbm>> -> memref<200x128xi32, #tpu.memory_space<hbm>>
      tpu.wait_dma2 semaphore(%run_scoped3A : memref<!tpu.dma_semaphore, #tpu.memory_space<semaphore_mem>>) src(%dma_wait3A_187 : memref<200x128xi32, #tpu.memory_space<hbm>>) dst(%arg5 : memref<200x128xi32, #tpu.memory_space<vmem>>)
      tpu.yield
    }) : () -> ()
    %dma_start3A = arith.constant 0 : i32
    %dma_start3A_3 = arith.constant 0 : i32
    %dma_start3A_4 = arith.constant 0 : i32
    %dma_start3A_5 = tpu.memref_slice %arg6[%dma_start3A_3, %dma_start3A_4] : memref<512x32xf32, #tpu.memory_space<vmem>> -> memref<128x32xf32, #tpu.memory_space<vmem>>
    %dma_start3A_6 = arith.constant 0 : i32
    %dma_start3A_7 = tpu.memref_slice %arg5[%dma_start3A, %dma_start3A_6] : memref<200x128xi32, #tpu.memory_space<vmem>> -> memref<1x128xi32, #tpu.memory_space<vmem>>
    %dma_start3A_8 = tpu.memref_squeeze %dma_start3A_7 : memref<1x128xi32, #tpu.memory_space<vmem>> -> memref<128xi32, #tpu.memory_space<vmem>>
    %dma_start3A_9 = arith.constant 0 : i32
    %dma_start3A_10 = arith.constant 0 : i32
    %dma_start3A_11 = tpu.memref_slice %arg3[%dma_start3A_9, %dma_start3A_10] : memref<1000000x32xf32, #tpu.memory_space<hbm>> -> memref<1000000x32xf32, #tpu.memory_space<hbm>>
    tpu.enqueue_indirect_dma source(%dma_start3A_11 : memref<1000000x32xf32, #tpu.memory_space<hbm>>) target(%dma_start3A_5 : memref<128x32xf32, #tpu.memory_space<vmem>>) offsets(%dma_start3A_8 : memref<128xi32, #tpu.memory_space<vmem>>) semaphore(%arg11 : memref<!tpu.dma_semaphore, #tpu.memory_space<semaphore_mem>>)
    %dma_start3A_12 = arith.constant 1 : i32
    %dma_start3A_13 = arith.constant 128 : i32
    %dma_start3A_14 = arith.constant 0 : i32
    %dma_start3A_15 = tpu.memref_slice %arg6[%dma_start3A_13, %dma_start3A_14] : memref<512x32xf32, #tpu.memory_space<vmem>> -> memref<128x32xf32, #tpu.memory_space<vmem>>
    %dma_start3A_16 = arith.constant 0 : i32
    %dma_start3A_17 = tpu.memref_slice %arg5[%dma_start3A_12, %dma_start3A_16] : memref<200x128xi32, #tpu.memory_space<vmem>> -> memref<1x128xi32, #tpu.memory_space<vmem>>
    %dma_start3A_18 = tpu.memref_squeeze %dma_start3A_17 : memref<1x128xi32, #tpu.memory_space<vmem>> -> memref<128xi32, #tpu.memory_space<vmem>>
    %dma_start3A_19 = arith.constant 0 : i32
    %dma_start3A_20 = arith.constant 0 : i32
    %dma_start3A_21 = tpu.memref_slice %arg3[%dma_start3A_19, %dma_start3A_20] : memref<1000000x32xf32, #tpu.memory_space<hbm>> -> memref<1000000x32xf32, #tpu.memory_space<hbm>>
    tpu.enqueue_indirect_dma source(%dma_start3A_21 : memref<1000000x32xf32, #tpu.memory_space<hbm>>) target(%dma_start3A_15 : memref<128x32xf32, #tpu.memory_space<vmem>>) offsets(%dma_start3A_18 : memref<128xi32, #tpu.memory_space<vmem>>) semaphore(%arg11 : memref<!tpu.dma_semaphore, #tpu.memory_space<semaphore_mem>>)
    %dma_start3A_22 = arith.constant 2 : i32
    %dma_start3A_23 = arith.constant 256 : i32
    %dma_start3A_24 = arith.constant 0 : i32
    %dma_start3A_25 = tpu.memref_slice %arg6[%dma_start3A_23, %dma_start3A_24] : memref<512x32xf32, #tpu.memory_space<vmem>> -> memref<128x32xf32, #tpu.memory_space<vmem>>
    %dma_start3A_26 = arith.constant 0 : i32
    %dma_start3A_27 = tpu.memref_slice %arg5[%dma_start3A_22, %dma_start3A_26] : memref<200x128xi32, #tpu.memory_space<vmem>> -> memref<1x128xi32, #tpu.memory_space<vmem>>
    %dma_start3A_28 = tpu.memref_squeeze %dma_start3A_27 : memref<1x128xi32, #tpu.memory_space<vmem>> -> memref<128xi32, #tpu.memory_space<vmem>>
    %dma_start3A_29 = arith.constant 0 : i32
    %dma_start3A_30 = arith.constant 0 : i32
    %dma_start3A_31 = tpu.memref_slice %arg3[%dma_start3A_29, %dma_start3A_30] : memref<1000000x32xf32, #tpu.memory_space<hbm>> -> memref<1000000x32xf32, #tpu.memory_space<hbm>>
    tpu.enqueue_indirect_dma source(%dma_start3A_31 : memref<1000000x32xf32, #tpu.memory_space<hbm>>) target(%dma_start3A_25 : memref<128x32xf32, #tpu.memory_space<vmem>>) offsets(%dma_start3A_28 : memref<128xi32, #tpu.memory_space<vmem>>) semaphore(%arg11 : memref<!tpu.dma_semaphore, #tpu.memory_space<semaphore_mem>>)
    %dma_start3A_32 = arith.constant 3 : i32
    %dma_start3A_33 = arith.constant 384 : i32
    %dma_start3A_34 = arith.constant 0 : i32
    %dma_start3A_35 = tpu.memref_slice %arg6[%dma_start3A_33, %dma_start3A_34] : memref<512x32xf32, #tpu.memory_space<vmem>> -> memref<128x32xf32, #tpu.memory_space<vmem>>
    %dma_start3A_36 = arith.constant 0 : i32
    %dma_start3A_37 = tpu.memref_slice %arg5[%dma_start3A_32, %dma_start3A_36] : memref<200x128xi32, #tpu.memory_space<vmem>> -> memref<1x128xi32, #tpu.memory_space<vmem>>
    %dma_start3A_38 = tpu.memref_squeeze %dma_start3A_37 : memref<1x128xi32, #tpu.memory_space<vmem>> -> memref<128xi32, #tpu.memory_space<vmem>>
    %dma_start3A_39 = arith.constant 0 : i32
    %dma_start3A_40 = arith.constant 0 : i32
    %dma_start3A_41 = tpu.memref_slice %arg3[%dma_start3A_39, %dma_start3A_40] : memref<1000000x32xf32, #tpu.memory_space<hbm>> -> memref<1000000x32xf32, #tpu.memory_space<hbm>>
    tpu.enqueue_indirect_dma source(%dma_start3A_41 : memref<1000000x32xf32, #tpu.memory_space<hbm>>) target(%dma_start3A_35 : memref<128x32xf32, #tpu.memory_space<vmem>>) offsets(%dma_start3A_38 : memref<128xi32, #tpu.memory_space<vmem>>) semaphore(%arg11 : memref<!tpu.dma_semaphore, #tpu.memory_space<semaphore_mem>>)
    %dma_start3A_42 = arith.constant 4 : i32
    %dma_start3A_43 = arith.constant 0 : i32
    %dma_start3A_44 = arith.constant 0 : i32
    %dma_start3A_45 = tpu.memref_slice %arg7[%dma_start3A_43, %dma_start3A_44] : memref<512x32xf32, #tpu.memory_space<vmem>> -> memref<128x32xf32, #tpu.memory_space<vmem>>
    %dma_start3A_46 = arith.constant 0 : i32
    %dma_start3A_47 = tpu.memref_slice %arg5[%dma_start3A_42, %dma_start3A_46] : memref<200x128xi32, #tpu.memory_space<vmem>> -> memref<1x128xi32, #tpu.memory_space<vmem>>
    %dma_start3A_48 = tpu.memref_squeeze %dma_start3A_47 : memref<1x128xi32, #tpu.memory_space<vmem>> -> memref<128xi32, #tpu.memory_space<vmem>>
    %dma_start3A_49 = arith.constant 0 : i32
    %dma_start3A_50 = arith.constant 0 : i32
    %dma_start3A_51 = tpu.memref_slice %arg3[%dma_start3A_49, %dma_start3A_50] : memref<1000000x32xf32, #tpu.memory_space<hbm>> -> memref<1000000x32xf32, #tpu.memory_space<hbm>>
    tpu.enqueue_indirect_dma source(%dma_start3A_51 : memref<1000000x32xf32, #tpu.memory_space<hbm>>) target(%dma_start3A_45 : memref<128x32xf32, #tpu.memory_space<vmem>>) offsets(%dma_start3A_48 : memref<128xi32, #tpu.memory_space<vmem>>) semaphore(%arg12 : memref<!tpu.dma_semaphore, #tpu.memory_space<semaphore_mem>>)
    %dma_start3A_52 = arith.constant 5 : i32
    %dma_start3A_53 = arith.constant 128 : i32
    %dma_start3A_54 = arith.constant 0 : i32
    %dma_start3A_55 = tpu.memref_slice %arg7[%dma_start3A_53, %dma_start3A_54] : memref<512x32xf32, #tpu.memory_space<vmem>> -> memref<128x32xf32, #tpu.memory_space<vmem>>
    %dma_start3A_56 = arith.constant 0 : i32
    %dma_start3A_57 = tpu.memref_slice %arg5[%dma_start3A_52, %dma_start3A_56] : memref<200x128xi32, #tpu.memory_space<vmem>> -> memref<1x128xi32, #tpu.memory_space<vmem>>
    %dma_start3A_58 = tpu.memref_squeeze %dma_start3A_57 : memref<1x128xi32, #tpu.memory_space<vmem>> -> memref<128xi32, #tpu.memory_space<vmem>>
    %dma_start3A_59 = arith.constant 0 : i32
    %dma_start3A_60 = arith.constant 0 : i32
    %dma_start3A_61 = tpu.memref_slice %arg3[%dma_start3A_59, %dma_start3A_60] : memref<1000000x32xf32, #tpu.memory_space<hbm>> -> memref<1000000x32xf32, #tpu.memory_space<hbm>>
    tpu.enqueue_indirect_dma source(%dma_start3A_61 : memref<1000000x32xf32, #tpu.memory_space<hbm>>) target(%dma_start3A_55 : memref<128x32xf32, #tpu.memory_space<vmem>>) offsets(%dma_start3A_58 : memref<128xi32, #tpu.memory_space<vmem>>) semaphore(%arg12 : memref<!tpu.dma_semaphore, #tpu.memory_space<semaphore_mem>>)
    %dma_start3A_62 = arith.constant 6 : i32
    %dma_start3A_63 = arith.constant 256 : i32
    %dma_start3A_64 = arith.constant 0 : i32
    %dma_start3A_65 = tpu.memref_slice %arg7[%dma_start3A_63, %dma_start3A_64] : memref<512x32xf32, #tpu.memory_space<vmem>> -> memref<128x32xf32, #tpu.memory_space<vmem>>
    %dma_start3A_66 = arith.constant 0 : i32
    %dma_start3A_67 = tpu.memref_slice %arg5[%dma_start3A_62, %dma_start3A_66] : memref<200x128xi32, #tpu.memory_space<vmem>> -> memref<1x128xi32, #tpu.memory_space<vmem>>
    %dma_start3A_68 = tpu.memref_squeeze %dma_start3A_67 : memref<1x128xi32, #tpu.memory_space<vmem>> -> memref<128xi32, #tpu.memory_space<vmem>>
    %dma_start3A_69 = arith.constant 0 : i32
    %dma_start3A_70 = arith.constant 0 : i32
    %dma_start3A_71 = tpu.memref_slice %arg3[%dma_start3A_69, %dma_start3A_70] : memref<1000000x32xf32, #tpu.memory_space<hbm>> -> memref<1000000x32xf32, #tpu.memory_space<hbm>>
    tpu.enqueue_indirect_dma source(%dma_start3A_71 : memref<1000000x32xf32, #tpu.memory_space<hbm>>) target(%dma_start3A_65 : memref<128x32xf32, #tpu.memory_space<vmem>>) offsets(%dma_start3A_68 : memref<128xi32, #tpu.memory_space<vmem>>) semaphore(%arg12 : memref<!tpu.dma_semaphore, #tpu.memory_space<semaphore_mem>>)
    %dma_start3A_72 = arith.constant 7 : i32
    %dma_start3A_73 = arith.constant 384 : i32
    %dma_start3A_74 = arith.constant 0 : i32
    %dma_start3A_75 = tpu.memref_slice %arg7[%dma_start3A_73, %dma_start3A_74] : memref<512x32xf32, #tpu.memory_space<vmem>> -> memref<128x32xf32, #tpu.memory_space<vmem>>
    %dma_start3A_76 = arith.constant 0 : i32
    %dma_start3A_77 = tpu.memref_slice %arg5[%dma_start3A_72, %dma_start3A_76] : memref<200x128xi32, #tpu.memory_space<vmem>> -> memref<1x128xi32, #tpu.memory_space<vmem>>
    %dma_start3A_78 = tpu.memref_squeeze %dma_start3A_77 : memref<1x128xi32, #tpu.memory_space<vmem>> -> memref<128xi32, #tpu.memory_space<vmem>>
    %dma_start3A_79 = arith.constant 0 : i32
    %dma_start3A_80 = arith.constant 0 : i32
    %dma_start3A_81 = tpu.memref_slice %arg3[%dma_start3A_79, %dma_start3A_80] : memref<1000000x32xf32, #tpu.memory_space<hbm>> -> memref<1000000x32xf32, #tpu.memory_space<hbm>>
    tpu.enqueue_indirect_dma source(%dma_start3A_81 : memref<1000000x32xf32, #tpu.memory_space<hbm>>) target(%dma_start3A_75 : memref<128x32xf32, #tpu.memory_space<vmem>>) offsets(%dma_start3A_78 : memref<128xi32, #tpu.memory_space<vmem>>) semaphore(%arg12 : memref<!tpu.dma_semaphore, #tpu.memory_space<semaphore_mem>>)
    %dma_start3A_82 = arith.constant 8 : i32
    %dma_start3A_83 = arith.constant 0 : i32
    %dma_start3A_84 = arith.constant 0 : i32
    %dma_start3A_85 = tpu.memref_slice %arg8[%dma_start3A_83, %dma_start3A_84] : memref<512x32xf32, #tpu.memory_space<vmem>> -> memref<128x32xf32, #tpu.memory_space<vmem>>
    %dma_start3A_86 = arith.constant 0 : i32
    %dma_start3A_87 = tpu.memref_slice %arg5[%dma_start3A_82, %dma_start3A_86] : memref<200x128xi32, #tpu.memory_space<vmem>> -> memref<1x128xi32, #tpu.memory_space<vmem>>
    %dma_start3A_88 = tpu.memref_squeeze %dma_start3A_87 : memref<1x128xi32, #tpu.memory_space<vmem>> -> memref<128xi32, #tpu.memory_space<vmem>>
    %dma_start3A_89 = arith.constant 0 : i32
    %dma_start3A_90 = arith.constant 0 : i32
    %dma_start3A_91 = tpu.memref_slice %arg3[%dma_start3A_89, %dma_start3A_90] : memref<1000000x32xf32, #tpu.memory_space<hbm>> -> memref<1000000x32xf32, #tpu.memory_space<hbm>>
    tpu.enqueue_indirect_dma source(%dma_start3A_91 : memref<1000000x32xf32, #tpu.memory_space<hbm>>) target(%dma_start3A_85 : memref<128x32xf32, #tpu.memory_space<vmem>>) offsets(%dma_start3A_88 : memref<128xi32, #tpu.memory_space<vmem>>) semaphore(%arg13 : memref<!tpu.dma_semaphore, #tpu.memory_space<semaphore_mem>>)
    %dma_start3A_92 = arith.constant 9 : i32
    %dma_start3A_93 = arith.constant 128 : i32
    %dma_start3A_94 = arith.constant 0 : i32
    %dma_start3A_95 = tpu.memref_slice %arg8[%dma_start3A_93, %dma_start3A_94] : memref<512x32xf32, #tpu.memory_space<vmem>> -> memref<128x32xf32, #tpu.memory_space<vmem>>
    %dma_start3A_96 = arith.constant 0 : i32
    %dma_start3A_97 = tpu.memref_slice %arg5[%dma_start3A_92, %dma_start3A_96] : memref<200x128xi32, #tpu.memory_space<vmem>> -> memref<1x128xi32, #tpu.memory_space<vmem>>
    %dma_start3A_98 = tpu.memref_squeeze %dma_start3A_97 : memref<1x128xi32, #tpu.memory_space<vmem>> -> memref<128xi32, #tpu.memory_space<vmem>>
    %dma_start3A_99 = arith.constant 0 : i32
    %dma_start3A_100 = arith.constant 0 : i32
    %dma_start3A_101 = tpu.memref_slice %arg3[%dma_start3A_99, %dma_start3A_100] : memref<1000000x32xf32, #tpu.memory_space<hbm>> -> memref<1000000x32xf32, #tpu.memory_space<hbm>>
    tpu.enqueue_indirect_dma source(%dma_start3A_101 : memref<1000000x32xf32, #tpu.memory_space<hbm>>) target(%dma_start3A_95 : memref<128x32xf32, #tpu.memory_space<vmem>>) offsets(%dma_start3A_98 : memref<128xi32, #tpu.memory_space<vmem>>) semaphore(%arg13 : memref<!tpu.dma_semaphore, #tpu.memory_space<semaphore_mem>>)
    %dma_start3A_102 = arith.constant 10 : i32
    %dma_start3A_103 = arith.constant 256 : i32
    %dma_start3A_104 = arith.constant 0 : i32
    %dma_start3A_105 = tpu.memref_slice %arg8[%dma_start3A_103, %dma_start3A_104] : memref<512x32xf32, #tpu.memory_space<vmem>> -> memref<128x32xf32, #tpu.memory_space<vmem>>
    %dma_start3A_106 = arith.constant 0 : i32
    %dma_start3A_107 = tpu.memref_slice %arg5[%dma_start3A_102, %dma_start3A_106] : memref<200x128xi32, #tpu.memory_space<vmem>> -> memref<1x128xi32, #tpu.memory_space<vmem>>
    %dma_start3A_108 = tpu.memref_squeeze %dma_start3A_107 : memref<1x128xi32, #tpu.memory_space<vmem>> -> memref<128xi32, #tpu.memory_space<vmem>>
    %dma_start3A_109 = arith.constant 0 : i32
    %dma_start3A_110 = arith.constant 0 : i32
    %dma_start3A_111 = tpu.memref_slice %arg3[%dma_start3A_109, %dma_start3A_110] : memref<1000000x32xf32, #tpu.memory_space<hbm>> -> memref<1000000x32xf32, #tpu.memory_space<hbm>>
    tpu.enqueue_indirect_dma source(%dma_start3A_111 : memref<1000000x32xf32, #tpu.memory_space<hbm>>) target(%dma_start3A_105 : memref<128x32xf32, #tpu.memory_space<vmem>>) offsets(%dma_start3A_108 : memref<128xi32, #tpu.memory_space<vmem>>) semaphore(%arg13 : memref<!tpu.dma_semaphore, #tpu.memory_space<semaphore_mem>>)
    %dma_start3A_112 = arith.constant 11 : i32
    %dma_start3A_113 = arith.constant 384 : i32
    %dma_start3A_114 = arith.constant 0 : i32
    %dma_start3A_115 = tpu.memref_slice %arg8[%dma_start3A_113, %dma_start3A_114] : memref<512x32xf32, #tpu.memory_space<vmem>> -> memref<128x32xf32, #tpu.memory_space<vmem>>
    %dma_start3A_116 = arith.constant 0 : i32
    %dma_start3A_117 = tpu.memref_slice %arg5[%dma_start3A_112, %dma_start3A_116] : memref<200x128xi32, #tpu.memory_space<vmem>> -> memref<1x128xi32, #tpu.memory_space<vmem>>
    %dma_start3A_118 = tpu.memref_squeeze %dma_start3A_117 : memref<1x128xi32, #tpu.memory_space<vmem>> -> memref<128xi32, #tpu.memory_space<vmem>>
    %dma_start3A_119 = arith.constant 0 : i32
    %dma_start3A_120 = arith.constant 0 : i32
    %dma_start3A_121 = tpu.memref_slice %arg3[%dma_start3A_119, %dma_start3A_120] : memref<1000000x32xf32, #tpu.memory_space<hbm>> -> memref<1000000x32xf32, #tpu.memory_space<hbm>>
    tpu.enqueue_indirect_dma source(%dma_start3A_121 : memref<1000000x32xf32, #tpu.memory_space<hbm>>) target(%dma_start3A_115 : memref<128x32xf32, #tpu.memory_space<vmem>>) offsets(%dma_start3A_118 : memref<128xi32, #tpu.memory_space<vmem>>) semaphore(%arg13 : memref<!tpu.dma_semaphore, #tpu.memory_space<semaphore_mem>>)
    %dma_start3A_122 = arith.constant 12 : i32
    %dma_start3A_123 = arith.constant 0 : i32
    %dma_start3A_124 = arith.constant 0 : i32
    %dma_start3A_125 = tpu.memref_slice %arg9[%dma_start3A_123, %dma_start3A_124] : memref<512x32xf32, #tpu.memory_space<vmem>> -> memref<128x32xf32, #tpu.memory_space<vmem>>
    %dma_start3A_126 = arith.constant 0 : i32
    %dma_start3A_127 = tpu.memref_slice %arg5[%dma_start3A_122, %dma_start3A_126] : memref<200x128xi32, #tpu.memory_space<vmem>> -> memref<1x128xi32, #tpu.memory_space<vmem>>
    %dma_start3A_128 = tpu.memref_squeeze %dma_start3A_127 : memref<1x128xi32, #tpu.memory_space<vmem>> -> memref<128xi32, #tpu.memory_space<vmem>>
    %dma_start3A_129 = arith.constant 0 : i32
    %dma_start3A_130 = arith.constant 0 : i32
    %dma_start3A_131 = tpu.memref_slice %arg3[%dma_start3A_129, %dma_start3A_130] : memref<1000000x32xf32, #tpu.memory_space<hbm>> -> memref<1000000x32xf32, #tpu.memory_space<hbm>>
    tpu.enqueue_indirect_dma source(%dma_start3A_131 : memref<1000000x32xf32, #tpu.memory_space<hbm>>) target(%dma_start3A_125 : memref<128x32xf32, #tpu.memory_space<vmem>>) offsets(%dma_start3A_128 : memref<128xi32, #tpu.memory_space<vmem>>) semaphore(%arg14 : memref<!tpu.dma_semaphore, #tpu.memory_space<semaphore_mem>>)
    %dma_start3A_132 = arith.constant 13 : i32
    %dma_start3A_133 = arith.constant 128 : i32
    %dma_start3A_134 = arith.constant 0 : i32
    %dma_start3A_135 = tpu.memref_slice %arg9[%dma_start3A_133, %dma_start3A_134] : memref<512x32xf32, #tpu.memory_space<vmem>> -> memref<128x32xf32, #tpu.memory_space<vmem>>
    %dma_start3A_136 = arith.constant 0 : i32
    %dma_start3A_137 = tpu.memref_slice %arg5[%dma_start3A_132, %dma_start3A_136] : memref<200x128xi32, #tpu.memory_space<vmem>> -> memref<1x128xi32, #tpu.memory_space<vmem>>
    %dma_start3A_138 = tpu.memref_squeeze %dma_start3A_137 : memref<1x128xi32, #tpu.memory_space<vmem>> -> memref<128xi32, #tpu.memory_space<vmem>>
    %dma_start3A_139 = arith.constant 0 : i32
    %dma_start3A_140 = arith.constant 0 : i32
    %dma_start3A_141 = tpu.memref_slice %arg3[%dma_start3A_139, %dma_start3A_140] : memref<1000000x32xf32, #tpu.memory_space<hbm>> -> memref<1000000x32xf32, #tpu.memory_space<hbm>>
    tpu.enqueue_indirect_dma source(%dma_start3A_141 : memref<1000000x32xf32, #tpu.memory_space<hbm>>) target(%dma_start3A_135 : memref<128x32xf32, #tpu.memory_space<vmem>>) offsets(%dma_start3A_138 : memref<128xi32, #tpu.memory_space<vmem>>) semaphore(%arg14 : memref<!tpu.dma_semaphore, #tpu.memory_space<semaphore_mem>>)
    %dma_start3A_142 = arith.constant 14 : i32
    %dma_start3A_143 = arith.constant 256 : i32
    %dma_start3A_144 = arith.constant 0 : i32
    %dma_start3A_145 = tpu.memref_slice %arg9[%dma_start3A_143, %dma_start3A_144] : memref<512x32xf32, #tpu.memory_space<vmem>> -> memref<128x32xf32, #tpu.memory_space<vmem>>
    %dma_start3A_146 = arith.constant 0 : i32
    %dma_start3A_147 = tpu.memref_slice %arg5[%dma_start3A_142, %dma_start3A_146] : memref<200x128xi32, #tpu.memory_space<vmem>> -> memref<1x128xi32, #tpu.memory_space<vmem>>
    %dma_start3A_148 = tpu.memref_squeeze %dma_start3A_147 : memref<1x128xi32, #tpu.memory_space<vmem>> -> memref<128xi32, #tpu.memory_space<vmem>>
    %dma_start3A_149 = arith.constant 0 : i32
    %dma_start3A_150 = arith.constant 0 : i32
    %dma_start3A_151 = tpu.memref_slice %arg3[%dma_start3A_149, %dma_start3A_150] : memref<1000000x32xf32, #tpu.memory_space<hbm>> -> memref<1000000x32xf32, #tpu.memory_space<hbm>>
    tpu.enqueue_indirect_dma source(%dma_start3A_151 : memref<1000000x32xf32, #tpu.memory_space<hbm>>) target(%dma_start3A_145 : memref<128x32xf32, #tpu.memory_space<vmem>>) offsets(%dma_start3A_148 : memref<128xi32, #tpu.memory_space<vmem>>) semaphore(%arg14 : memref<!tpu.dma_semaphore, #tpu.memory_space<semaphore_mem>>)
    %dma_start3A_152 = arith.constant 15 : i32
    %dma_start3A_153 = arith.constant 384 : i32
    %dma_start3A_154 = arith.constant 0 : i32
    %dma_start3A_155 = tpu.memref_slice %arg9[%dma_start3A_153, %dma_start3A_154] : memref<512x32xf32, #tpu.memory_space<vmem>> -> memref<128x32xf32, #tpu.memory_space<vmem>>
    %dma_start3A_156 = arith.constant 0 : i32
    %dma_start3A_157 = tpu.memref_slice %arg5[%dma_start3A_152, %dma_start3A_156] : memref<200x128xi32, #tpu.memory_space<vmem>> -> memref<1x128xi32, #tpu.memory_space<vmem>>
    %dma_start3A_158 = tpu.memref_squeeze %dma_start3A_157 : memref<1x128xi32, #tpu.memory_space<vmem>> -> memref<128xi32, #tpu.memory_space<vmem>>
    %dma_start3A_159 = arith.constant 0 : i32
    %dma_start3A_160 = arith.constant 0 : i32
    %dma_start3A_161 = tpu.memref_slice %arg3[%dma_start3A_159, %dma_start3A_160] : memref<1000000x32xf32, #tpu.memory_space<hbm>> -> memref<1000000x32xf32, #tpu.memory_space<hbm>>
    tpu.enqueue_indirect_dma source(%dma_start3A_161 : memref<1000000x32xf32, #tpu.memory_space<hbm>>) target(%dma_start3A_155 : memref<128x32xf32, #tpu.memory_space<vmem>>) offsets(%dma_start3A_158 : memref<128xi32, #tpu.memory_space<vmem>>) semaphore(%arg14 : memref<!tpu.dma_semaphore, #tpu.memory_space<semaphore_mem>>)
    %scan3A = arith.constant 0 : i32
    %scan3A_162 = arith.constant 0 : i32
    %scan3A_163 = arith.constant 10 : i32
    %scan3A_164 = arith.addi %scan3A_162, %scan3A_163 : i32
    %scan3A_165 = arith.constant 1 : i32
    scf.for %scan3A_172 = %scan3A_162 to %scan3A_164 step %scan3A_165  : i32 {
      %mul3A_173 = arith.constant 5 : i32
      %mul3A_174 = arith.muli %scan3A_172, %mul3A_173 : i32
      %add3A_175 = arith.constant 0 : i32
      %add3A_176 = arith.addi %mul3A_174, %add3A_175 : i32
      %dma_wait3A_177 = arith.constant 0 : i32
      %dma_wait3A_178 = arith.constant 0 : i32
      %dma_wait3A_179 = tpu.memref_slice %arg4[%dma_wait3A_177, %dma_wait3A_178] : memref<819200x128xf32, #tpu.memory_space<hbm>> -> memref<512x32xf32, #tpu.memory_space<hbm>>
      %dma_wait3A_180 = arith.constant 0 : i32
      %dma_wait3A_181 = arith.constant 0 : i32
      %dma_wait3A_182 = tpu.memref_slice %arg4[%dma_wait3A_180, %dma_wait3A_181] : memref<819200x128xf32, #tpu.memory_space<hbm>> -> memref<512x32xf32, #tpu.memory_space<hbm>>
      tpu.wait_dma2 semaphore(%arg11 : memref<!tpu.dma_semaphore, #tpu.memory_space<semaphore_mem>>) src(%dma_wait3A_182 : memref<512x32xf32, #tpu.memory_space<hbm>>) dst(%arg6 : memref<512x32xf32, #tpu.memory_space<vmem>>)
      %scan3A_183 = arith.constant 0 : i32
      %scan3A_184 = arith.constant 0 : i32
      %scan3A_185 = arith.constant 512 : i32
      %scan3A_186 = arith.addi %scan3A_184, %scan3A_185 : i32
      %scan3A_187 = arith.constant 8 : i32
      scf.for %scan3A_353 = %scan3A_184 to %scan3A_186 step %scan3A_187  : i32 {
        %get3A = arith.index_cast %scan3A_353 : i32 to index
        %get3A_354 = arith.constant 0 : index
        %get3A_355 = tpu.vector_load %arg6[%get3A, %get3A_354] {strides = array<i32>} : memref<512x32xf32, #tpu.memory_space<vmem>>, vector<1x16xf32>,
        %get3A_356 = vector.shape_cast %get3A_355 : vector<1x16xf32> to vector<16xf32>
        %mul3A_357 = arith.constant 5.65685415 : f32
        %mul3A_358 = vector.broadcast %mul3A_357 : f32 to vector<16xf32>
        %mul3A_359 = arith.mulf %get3A_356, %mul3A_358 : vector<16xf32>
        %swap3A = arith.index_cast %scan3A_353 : i32 to index
        %swap3A_360 = arith.constant 0 : index
        %swap3A_361 = tpu.vector_load %arg6[%swap3A, %swap3A_360] {strides = array<i32>} : memref<512x32xf32, #tpu.memory_space<vmem>>, vector<1x16xf32>,
        %swap3A_362 = vector.shape_cast %swap3A_361 : vector<1x16xf32> to vector<16xf32>
        %swap3A_363 = vector.shape_cast %mul3A_359 : vector<16xf32> to vector<1x16xf32>
        tpu.vector_store %arg6[%swap3A, %swap3A_360], %swap3A_363 {strides = array<i32>} : memref<512x32xf32, #tpu.memory_space<vmem>>, vector<1x16xf32>,
        %get3A_364 = arith.index_cast %scan3A_353 : i32 to index
        %get3A_365 = arith.constant 16 : index
        %get3A_366 = tpu.vector_load %arg6[%get3A_364, %get3A_365] {strides = array<i32>} : memref<512x32xf32, #tpu.memory_space<vmem>>, vector<1x16xf32>,
        %get3A_367 = vector.shape_cast %get3A_366 : vector<1x16xf32> to vector<16xf32>
        %mul3A_368 = arith.constant 5.65685415 : f32
        %mul3A_369 = vector.broadcast %mul3A_368 : f32 to vector<16xf32>
        %mul3A_370 = arith.mulf %get3A_367, %mul3A_369 : vector<16xf32>
        %swap3A_371 = arith.index_cast %scan3A_353 : i32 to index
        %swap3A_372 = arith.constant 16 : index
        %swap3A_373 = tpu.vector_load %arg6[%swap3A_371, %swap3A_372] {strides = array<i32>} : memref<512x32xf32, #tpu.memory_space<vmem>>, vector<1x16xf32>,
        %swap3A_374 = vector.shape_cast %swap3A_373 : vector<1x16xf32> to vector<16xf32>
        %swap3A_375 = vector.shape_cast %mul3A_370 : vector<16xf32> to vector<1x16xf32>
        tpu.vector_store %arg6[%swap3A_371, %swap3A_372], %swap3A_375 {strides = array<i32>} : memref<512x32xf32, #tpu.memory_space<vmem>>, vector<1x16xf32>,
        %scan3A_376 = arith.constant 1 : i32
        %scan3A_377 = arith.addi %scan3A_353, %scan3A_376 : i32
        %get3A_378 = arith.index_cast %scan3A_377 : i32 to index
        %get3A_379 = arith.constant 0 : index
        %get3A_380 = tpu.vector_load %arg6[%get3A_378, %get3A_379] {strides = array<i32>} : memref<512x32xf32, #tpu.memory_space<vmem>>, vector<1x16xf32>,
        %get3A_381 = vector.shape_cast %get3A_380 : vector<1x16xf32> to vector<16xf32>
        %mul3A_382 = arith.constant 5.65685415 : f32
        %mul3A_383 = vector.broadcast %mul3A_382 : f32 to vector<16xf32>
        %mul3A_384 = arith.mulf %get3A_381, %mul3A_383 : vector<16xf32>
        %swap3A_385 = arith.index_cast %scan3A_377 : i32 to index
        %swap3A_386 = arith.constant 0 : index
        %swap3A_387 = tpu.vector_load %arg6[%swap3A_385, %swap3A_386] {strides = array<i32>} : memref<512x32xf32, #tpu.memory_space<vmem>>, vector<1x16xf32>,
        %swap3A_388 = vector.shape_cast %swap3A_387 : vector<1x16xf32> to vector<16xf32>
        %swap3A_389 = vector.shape_cast %mul3A_384 : vector<16xf32> to vector<1x16xf32>
        tpu.vector_store %arg6[%swap3A_385, %swap3A_386], %swap3A_389 {strides = array<i32>} : memref<512x32xf32, #tpu.memory_space<vmem>>, vector<1x16xf32>,
        %get3A_390 = arith.index_cast %scan3A_377 : i32 to index
        %get3A_391 = arith.constant 16 : index
        %get3A_392 = tpu.vector_load %arg6[%get3A_390, %get3A_391] {strides = array<i32>} : memref<512x32xf32, #tpu.memory_space<vmem>>, vector<1x16xf32>,
        %get3A_393 = vector.shape_cast %get3A_392 : vector<1x16xf32> to vector<16xf32>
        %mul3A_394 = arith.constant 5.65685415 : f32
        %mul3A_395 = vector.broadcast %mul3A_394 : f32 to vector<16xf32>
        %mul3A_396 = arith.mulf %get3A_393, %mul3A_395 : vector<16xf32>
        %swap3A_397 = arith.index_cast %scan3A_377 : i32 to index
        %swap3A_398 = arith.constant 16 : index
        %swap3A_399 = tpu.vector_load %arg6[%swap3A_397, %swap3A_398] {strides = array<i32>} : memref<512x32xf32, #tpu.memory_space<vmem>>, vector<1x16xf32>,
        %swap3A_400 = vector.shape_cast %swap3A_399 : vector<1x16xf32> to vector<16xf32>
        %swap3A_401 = vector.shape_cast %mul3A_396 : vector<16xf32> to vector<1x16xf32>
        tpu.vector_store %arg6[%swap3A_397, %swap3A_398], %swap3A_401 {strides = array<i32>} : memref<512x32xf32, #tpu.memory_space<vmem>>, vector<1x16xf32>,
        %scan3A_402 = arith.constant 2 : i32
        %scan3A_403 = arith.addi %scan3A_353, %scan3A_402 : i32
        %get3A_404 = arith.index_cast %scan3A_403 : i32 to index
        %get3A_405 = arith.constant 0 : index
        %get3A_406 = tpu.vector_load %arg6[%get3A_404, %get3A_405] {strides = array<i32>} : memref<512x32xf32, #tpu.memory_space<vmem>>, vector<1x16xf32>,
        %get3A_407 = vector.shape_cast %get3A_406 : vector<1x16xf32> to vector<16xf32>
        %mul3A_408 = arith.constant 5.65685415 : f32
        %mul3A_409 = vector.broadcast %mul3A_408 : f32 to vector<16xf32>
        %mul3A_410 = arith.mulf %get3A_407, %mul3A_409 : vector<16xf32>
        %swap3A_411 = arith.index_cast %scan3A_403 : i32 to index
        %swap3A_412 = arith.constant 0 : index
        %swap3A_413 = tpu.vector_load %arg6[%swap3A_411, %swap3A_412] {strides = array<i32>} : memref<512x32xf32, #tpu.memory_space<vmem>>, vector<1x16xf32>,
        %swap3A_414 = vector.shape_cast %swap3A_413 : vector<1x16xf32> to vector<16xf32>
        %swap3A_415 = vector.shape_cast %mul3A_410 : vector<16xf32> to vector<1x16xf32>
        tpu.vector_store %arg6[%swap3A_411, %swap3A_412], %swap3A_415 {strides = array<i32>} : memref<512x32xf32, #tpu.memory_space<vmem>>, vector<1x16xf32>,
        %get3A_416 = arith.index_cast %scan3A_403 : i32 to index
        %get3A_417 = arith.constant 16 : index
        %get3A_418 = tpu.vector_load %arg6[%get3A_416, %get3A_417] {strides = array<i32>} : memref<512x32xf32, #tpu.memory_space<vmem>>, vector<1x16xf32>,
        %get3A_419 = vector.shape_cast %get3A_418 : vector<1x16xf32> to vector<16xf32>
        %mul3A_420 = arith.constant 5.65685415 : f32
        %mul3A_421 = vector.broadcast %mul3A_420 : f32 to vector<16xf32>
        %mul3A_422 = arith.mulf %get3A_419, %mul3A_421 : vector<16xf32>
        %swap3A_423 = arith.index_cast %scan3A_403 : i32 to index
        %swap3A_424 = arith.constant 16 : index
        %swap3A_425 = tpu.vector_load %arg6[%swap3A_423, %swap3A_424] {strides = array<i32>} : memref<512x32xf32, #tpu.memory_space<vmem>>, vector<1x16xf32>,
        %swap3A_426 = vector.shape_cast %swap3A_425 : vector<1x16xf32> to vector<16xf32>
        %swap3A_427 = vector.shape_cast %mul3A_422 : vector<16xf32> to vector<1x16xf32>
        tpu.vector_store %arg6[%swap3A_423, %swap3A_424], %swap3A_427 {strides = array<i32>} : memref<512x32xf32, #tpu.memory_space<vmem>>, vector<1x16xf32>,
        %scan3A_428 = arith.constant 3 : i32
        %scan3A_429 = arith.addi %scan3A_353, %scan3A_428 : i32
        %get3A_430 = arith.index_cast %scan3A_429 : i32 to index
        %get3A_431 = arith.constant 0 : index
        %get3A_432 = tpu.vector_load %arg6[%get3A_430, %get3A_431] {strides = array<i32>} : memref<512x32xf32, #tpu.memory_space<vmem>>, vector<1x16xf32>,
        %get3A_433 = vector.shape_cast %get3A_432 : vector<1x16xf32> to vector<16xf32>
        %mul3A_434 = arith.constant 5.65685415 : f32
        %mul3A_435 = vector.broadcast %mul3A_434 : f32 to vector<16xf32>
        %mul3A_436 = arith.mulf %get3A_433, %mul3A_435 : vector<16xf32>
        %swap3A_437 = arith.index_cast %scan3A_429 : i32 to index
        %swap3A_438 = arith.constant 0 : index
        %swap3A_439 = tpu.vector_load %arg6[%swap3A_437, %swap3A_438] {strides = array<i32>} : memref<512x32xf32, #tpu.memory_space<vmem>>, vector<1x16xf32>,
        %swap3A_440 = vector.shape_cast %swap3A_439 : vector<1x16xf32> to vector<16xf32>
        %swap3A_441 = vector.shape_cast %mul3A_436 : vector<16xf32> to vector<1x16xf32>
        tpu.vector_store %arg6[%swap3A_437, %swap3A_438], %swap3A_441 {strides = array<i32>} : memref<512x32xf32, #tpu.memory_space<vmem>>, vector<1x16xf32>,
        %get3A_442 = arith.index_cast %scan3A_429 : i32 to index
        %get3A_443 = arith.constant 16 : index
        %get3A_444 = tpu.vector_load %arg6[%get3A_442, %get3A_443] {strides = array<i32>} : memref<512x32xf32, #tpu.memory_space<vmem>>, vector<1x16xf32>,
        %get3A_445 = vector.shape_cast %get3A_444 : vector<1x16xf32> to vector<16xf32>
        %mul3A_446 = arith.constant 5.65685415 : f32
        %mul3A_447 = vector.broadcast %mul3A_446 : f32 to vector<16xf32>
        %mul3A_448 = arith.mulf %get3A_445, %mul3A_447 : vector<16xf32>
        %swap3A_449 = arith.index_cast %scan3A_429 : i32 to index
        %swap3A_450 = arith.constant 16 : index
        %swap3A_451 = tpu.vector_load %arg6[%swap3A_449, %swap3A_450] {strides = array<i32>} : memref<512x32xf32, #tpu.memory_space<vmem>>, vector<1x16xf32>,
        %swap3A_452 = vector.shape_cast %swap3A_451 : vector<1x16xf32> to vector<16xf32>
        %swap3A_453 = vector.shape_cast %mul3A_448 : vector<16xf32> to vector<1x16xf32>
        tpu.vector_store %arg6[%swap3A_449, %swap3A_450], %swap3A_453 {strides = array<i32>} : memref<512x32xf32, #tpu.memory_space<vmem>>, vector<1x16xf32>,
        %scan3A_454 = arith.constant 4 : i32
        %scan3A_455 = arith.addi %scan3A_353, %scan3A_454 : i32
        %get3A_456 = arith.index_cast %scan3A_455 : i32 to index
        %get3A_457 = arith.constant 0 : index
        %get3A_458 = tpu.vector_load %arg6[%get3A_456, %get3A_457] {strides = array<i32>} : memref<512x32xf32, #tpu.memory_space<vmem>>, vector<1x16xf32>,
        %get3A_459 = vector.shape_cast %get3A_458 : vector<1x16xf32> to vector<16xf32>
        %mul3A_460 = arith.constant 5.65685415 : f32
        %mul3A_461 = vector.broadcast %mul3A_460 : f32 to vector<16xf32>
        %mul3A_462 = arith.mulf %get3A_459, %mul3A_461 : vector<16xf32>
        %swap3A_463 = arith.index_cast %scan3A_455 : i32 to index
        %swap3A_464 = arith.constant 0 : index
        %swap3A_465 = tpu.vector_load %arg6[%swap3A_463, %swap3A_464] {strides = array<i32>} : memref<512x32xf32, #tpu.memory_space<vmem>>, vector<1x16xf32>,
        %swap3A_466 = vector.shape_cast %swap3A_465 : vector<1x16xf32> to vector<16xf32>
        %swap3A_467 = vector.shape_cast %mul3A_462 : vector<16xf32> to vector<1x16xf32>
        tpu.vector_store %arg6[%swap3A_463, %swap3A_464], %swap3A_467 {strides = array<i32>} : memref<512x32xf32, #tpu.memory_space<vmem>>, vector<1x16xf32>,
        %get3A_468 = arith.index_cast %scan3A_455 : i32 to index
        %get3A_469 = arith.constant 16 : index
        %get3A_470 = tpu.vector_load %arg6[%get3A_468, %get3A_469] {strides = array<i32>} : memref<512x32xf32, #tpu.memory_space<vmem>>, vector<1x16xf32>,
        %get3A_471 = vector.shape_cast %get3A_470 : vector<1x16xf32> to vector<16xf32>
        %mul3A_472 = arith.constant 5.65685415 : f32
        %mul3A_473 = vector.broadcast %mul3A_472 : f32 to vector<16xf32>
        %mul3A_474 = arith.mulf %get3A_471, %mul3A_473 : vector<16xf32>
        %swap3A_475 = arith.index_cast %scan3A_455 : i32 to index
        %swap3A_476 = arith.constant 16 : index
        %swap3A_477 = tpu.vector_load %arg6[%swap3A_475, %swap3A_476] {strides = array<i32>} : memref<512x32xf32, #tpu.memory_space<vmem>>, vector<1x16xf32>,
        %swap3A_478 = vector.shape_cast %swap3A_477 : vector<1x16xf32> to vector<16xf32>
        %swap3A_479 = vector.shape_cast %mul3A_474 : vector<16xf32> to vector<1x16xf32>
        tpu.vector_store %arg6[%swap3A_475, %swap3A_476], %swap3A_479 {strides = array<i32>} : memref<512x32xf32, #tpu.memory_space<vmem>>, vector<1x16xf32>,
        %scan3A_480 = arith.constant 5 : i32
        %scan3A_481 = arith.addi %scan3A_353, %scan3A_480 : i32
        %get3A_482 = arith.index_cast %scan3A_481 : i32 to index
        %get3A_483 = arith.constant 0 : index
        %get3A_484 = tpu.vector_load %arg6[%get3A_482, %get3A_483] {strides = array<i32>} : memref<512x32xf32, #tpu.memory_space<vmem>>, vector<1x16xf32>,
        %get3A_485 = vector.shape_cast %get3A_484 : vector<1x16xf32> to vector<16xf32>
        %mul3A_486 = arith.constant 5.65685415 : f32
        %mul3A_487 = vector.broadcast %mul3A_486 : f32 to vector<16xf32>
        %mul3A_488 = arith.mulf %get3A_485, %mul3A_487 : vector<16xf32>
        %swap3A_489 = arith.index_cast %scan3A_481 : i32 to index
        %swap3A_490 = arith.constant 0 : index
        %swap3A_491 = tpu.vector_load %arg6[%swap3A_489, %swap3A_490] {strides = array<i32>} : memref<512x32xf32, #tpu.memory_space<vmem>>, vector<1x16xf32>,
        %swap3A_492 = vector.shape_cast %swap3A_491 : vector<1x16xf32> to vector<16xf32>
        %swap3A_493 = vector.shape_cast %mul3A_488 : vector<16xf32> to vector<1x16xf32>
        tpu.vector_store %arg6[%swap3A_489, %swap3A_490], %swap3A_493 {strides = array<i32>} : memref<512x32xf32, #tpu.memory_space<vmem>>, vector<1x16xf32>,
        %get3A_494 = arith.index_cast %scan3A_481 : i32 to index
        %get3A_495 = arith.constant 16 : index
        %get3A_496 = tpu.vector_load %arg6[%get3A_494, %get3A_495] {strides = array<i32>} : memref<512x32xf32, #tpu.memory_space<vmem>>, vector<1x16xf32>,
        %get3A_497 = vector.shape_cast %get3A_496 : vector<1x16xf32> to vector<16xf32>
        %mul3A_498 = arith.constant 5.65685415 : f32
        %mul3A_499 = vector.broadcast %mul3A_498 : f32 to vector<16xf32>
        %mul3A_500 = arith.mulf %get3A_497, %mul3A_499 : vector<16xf32>
        %swap3A_501 = arith.index_cast %scan3A_481 : i32 to index
        %swap3A_502 = arith.constant 16 : index
        %swap3A_503 = tpu.vector_load %arg6[%swap3A_501, %swap3A_502] {strides = array<i32>} : memref<512x32xf32, #tpu.memory_space<vmem>>, vector<1x16xf32>,
        %swap3A_504 = vector.shape_cast %swap3A_503 : vector<1x16xf32> to vector<16xf32>
        %swap3A_505 = vector.shape_cast %mul3A_500 : vector<16xf32> to vector<1x16xf32>
        tpu.vector_store %arg6[%swap3A_501, %swap3A_502], %swap3A_505 {strides = array<i32>} : memref<512x32xf32, #tpu.memory_space<vmem>>, vector<1x16xf32>,
        %scan3A_506 = arith.constant 6 : i32
        %scan3A_507 = arith.addi %scan3A_353, %scan3A_506 : i32
        %get3A_508 = arith.index_cast %scan3A_507 : i32 to index
        %get3A_509 = arith.constant 0 : index
        %get3A_510 = tpu.vector_load %arg6[%get3A_508, %get3A_509] {strides = array<i32>} : memref<512x32xf32, #tpu.memory_space<vmem>>, vector<1x16xf32>,
        %get3A_511 = vector.shape_cast %get3A_510 : vector<1x16xf32> to vector<16xf32>
        %mul3A_512 = arith.constant 5.65685415 : f32
        %mul3A_513 = vector.broadcast %mul3A_512 : f32 to vector<16xf32>
        %mul3A_514 = arith.mulf %get3A_511, %mul3A_513 : vector<16xf32>
        %swap3A_515 = arith.index_cast %scan3A_507 : i32 to index
        %swap3A_516 = arith.constant 0 : index
        %swap3A_517 = tpu.vector_load %arg6[%swap3A_515, %swap3A_516] {strides = array<i32>} : memref<512x32xf32, #tpu.memory_space<vmem>>, vector<1x16xf32>,
        %swap3A_518 = vector.shape_cast %swap3A_517 : vector<1x16xf32> to vector<16xf32>
        %swap3A_519 = vector.shape_cast %mul3A_514 : vector<16xf32> to vector<1x16xf32>
        tpu.vector_store %arg6[%swap3A_515, %swap3A_516], %swap3A_519 {strides = array<i32>} : memref<512x32xf32, #tpu.memory_space<vmem>>, vector<1x16xf32>,
        %get3A_520 = arith.index_cast %scan3A_507 : i32 to index
        %get3A_521 = arith.constant 16 : index
        %get3A_522 = tpu.vector_load %arg6[%get3A_520, %get3A_521] {strides = array<i32>} : memref<512x32xf32, #tpu.memory_space<vmem>>, vector<1x16xf32>,
        %get3A_523 = vector.shape_cast %get3A_522 : vector<1x16xf32> to vector<16xf32>
        %mul3A_524 = arith.constant 5.65685415 : f32
        %mul3A_525 = vector.broadcast %mul3A_524 : f32 to vector<16xf32>
        %mul3A_526 = arith.mulf %get3A_523, %mul3A_525 : vector<16xf32>
        %swap3A_527 = arith.index_cast %scan3A_507 : i32 to index
        %swap3A_528 = arith.constant 16 : index
        %swap3A_529 = tpu.vector_load %arg6[%swap3A_527, %swap3A_528] {strides = array<i32>} : memref<512x32xf32, #tpu.memory_space<vmem>>, vector<1x16xf32>,
        %swap3A_530 = vector.shape_cast %swap3A_529 : vector<1x16xf32> to vector<16xf32>
        %swap3A_531 = vector.shape_cast %mul3A_526 : vector<16xf32> to vector<1x16xf32>
        tpu.vector_store %arg6[%swap3A_527, %swap3A_528], %swap3A_531 {strides = array<i32>} : memref<512x32xf32, #tpu.memory_space<vmem>>, vector<1x16xf32>,
        %scan3A_532 = arith.constant 7 : i32
        %scan3A_533 = arith.addi %scan3A_353, %scan3A_532 : i32
        %get3A_534 = arith.index_cast %scan3A_533 : i32 to index
        %get3A_535 = arith.constant 0 : index
        %get3A_536 = tpu.vector_load %arg6[%get3A_534, %get3A_535] {strides = array<i32>} : memref<512x32xf32, #tpu.memory_space<vmem>>, vector<1x16xf32>,
        %get3A_537 = vector.shape_cast %get3A_536 : vector<1x16xf32> to vector<16xf32>
        %mul3A_538 = arith.constant 5.65685415 : f32
        %mul3A_539 = vector.broadcast %mul3A_538 : f32 to vector<16xf32>
        %mul3A_540 = arith.mulf %get3A_537, %mul3A_539 : vector<16xf32>
        %swap3A_541 = arith.index_cast %scan3A_533 : i32 to index
        %swap3A_542 = arith.constant 0 : index
        %swap3A_543 = tpu.vector_load %arg6[%swap3A_541, %swap3A_542] {strides = array<i32>} : memref<512x32xf32, #tpu.memory_space<vmem>>, vector<1x16xf32>,
        %swap3A_544 = vector.shape_cast %swap3A_543 : vector<1x16xf32> to vector<16xf32>
        %swap3A_545 = vector.shape_cast %mul3A_540 : vector<16xf32> to vector<1x16xf32>
        tpu.vector_store %arg6[%swap3A_541, %swap3A_542], %swap3A_545 {strides = array<i32>} : memref<512x32xf32, #tpu.memory_space<vmem>>, vector<1x16xf32>,
        %get3A_546 = arith.index_cast %scan3A_533 : i32 to index
        %get3A_547 = arith.constant 16 : index
        %get3A_548 = tpu.vector_load %arg6[%get3A_546, %get3A_547] {strides = array<i32>} : memref<512x32xf32, #tpu.memory_space<vmem>>, vector<1x16xf32>,
        %get3A_549 = vector.shape_cast %get3A_548 : vector<1x16xf32> to vector<16xf32>
        %mul3A_550 = arith.constant 5.65685415 : f32
        %mul3A_551 = vector.broadcast %mul3A_550 : f32 to vector<16xf32>
        %mul3A_552 = arith.mulf %get3A_549, %mul3A_551 : vector<16xf32>
        %swap3A_553 = arith.index_cast %scan3A_533 : i32 to index
        %swap3A_554 = arith.constant 16 : index
        %swap3A_555 = tpu.vector_load %arg6[%swap3A_553, %swap3A_554] {strides = array<i32>} : memref<512x32xf32, #tpu.memory_space<vmem>>, vector<1x16xf32>,
        %swap3A_556 = vector.shape_cast %swap3A_555 : vector<1x16xf32> to vector<16xf32>
        %swap3A_557 = vector.shape_cast %mul3A_552 : vector<16xf32> to vector<1x16xf32>
        tpu.vector_store %arg6[%swap3A_553, %swap3A_554], %swap3A_557 {strides = array<i32>} : memref<512x32xf32, #tpu.memory_space<vmem>>, vector<1x16xf32>,
      }
      %scan3A_188 = arith.constant 512 : i32
      %mul3A_189 = arith.constant 512 : i32
      %mul3A_190 = arith.muli %add3A_176, %mul3A_189 : i32
      %add3A_191 = arith.addi %mul3A_2, %mul3A_190 : i32
      %dma_start3A_192 = arith.constant 0 : i32
      %dma_start3A_193 = tpu.memref_slice %arg4[%add3A_191, %dma_start3A_192] : memref<819200x128xf32, #tpu.memory_space<hbm>> -> memref<512x32xf32, #tpu.memory_space<hbm>>
      %dma_start3A_194 = arith.constant 0 : i32
      %dma_start3A_195 = tpu.memref_slice %arg4[%add3A_191, %dma_start3A_194] : memref<819200x128xf32, #tpu.memory_space<hbm>> -> memref<512x32xf32, #tpu.memory_space<hbm>>
      tpu.enqueue_dma source(%arg6 : memref<512x32xf32, #tpu.memory_space<vmem>>) target(%dma_start3A_195 : memref<512x32xf32, #tpu.memory_space<hbm>>) target_semaphore(%arg16 : memref<!tpu.dma_semaphore, #tpu.memory_space<semaphore_mem>>)
      %ge3A = arith.constant 1 : i32
      %ge3A_196 = arith.cmpi sge, %add3A_176, %ge3A : i32
      %convert_element_type3A = arith.extui %ge3A_196 : i1 to i32
      %cond3A = arith.constant 0 : i32
      %cond3A_197 = arith.cmpi ne, %convert_element_type3A, %cond3A : i32
      scf.if %cond3A_197 {
        %dma_wait3A_353 = arith.constant 0 : i32
        %dma_wait3A_354 = arith.constant 0 : i32
        %dma_wait3A_355 = tpu.memref_slice %arg4[%dma_wait3A_353, %dma_wait3A_354] : memref<819200x128xf32, #tpu.memory_space<hbm>> -> memref<512x32xf32, #tpu.memory_space<hbm>>
        %dma_wait3A_356 = arith.constant 0 : i32
        %dma_wait3A_357 = arith.constant 0 : i32
        %dma_wait3A_358 = tpu.memref_slice %arg4[%dma_wait3A_356, %dma_wait3A_357] : memref<819200x128xf32, #tpu.memory_space<hbm>> -> memref<512x32xf32, #tpu.memory_space<hbm>>
        tpu.wait_dma2 semaphore(%arg20 : memref<!tpu.dma_semaphore, #tpu.memory_space<semaphore_mem>>) src(%dma_wait3A_358 : memref<512x32xf32, #tpu.memory_space<hbm>>) dst(%arg10 : memref<512x32xf32, #tpu.memory_space<vmem>>)
      } else {
      }
      %add3A_198 = arith.constant 5 : i32
      %add3A_199 = arith.addi %add3A_176, %add3A_198 : i32
      %sub3A = arith.constant 1 : i32
      %sub3A_200 = arith.subi %add3A_199, %sub3A : i32
      %lt3A = arith.constant 50 : i32
      %lt3A_201 = arith.cmpi slt, %sub3A_200, %lt3A : i32
      %convert_element_type3A_202 = arith.extui %lt3A_201 : i1 to i32
      %cond3A_203 = arith.constant 0 : i32
      %cond3A_204 = arith.cmpi ne, %convert_element_type3A_202, %cond3A_203 : i32
      scf.if %cond3A_204 {
        %add3A_353 = arith.constant 5 : i32
        %add3A_354 = arith.addi %add3A_176, %add3A_353 : i32
        %sub3A_355 = arith.constant 1 : i32
        %sub3A_356 = arith.subi %add3A_354, %sub3A_355 : i32
        %mul3A_357 = arith.constant 4 : i32
        %mul3A_358 = arith.muli %sub3A_356, %mul3A_357 : i32
        %add3A_359 = arith.constant 0 : i32
        %add3A_360 = arith.addi %mul3A_358, %add3A_359 : i32
        %dma_start3A_361 = arith.constant 0 : i32
        %dma_start3A_362 = arith.constant 0 : i32
        %dma_start3A_363 = tpu.memref_slice %arg10[%dma_start3A_361, %dma_start3A_362] : memref<512x32xf32, #tpu.memory_space<vmem>> -> memref<128x32xf32, #tpu.memory_space<vmem>>
        %dma_start3A_364 = arith.constant 0 : i32
        %dma_start3A_365 = tpu.memref_slice %arg5[%add3A_360, %dma_start3A_364] : memref<200x128xi32, #tpu.memory_space<vmem>> -> memref<1x128xi32, #tpu.memory_space<vmem>>
        %dma_start3A_366 = tpu.memref_squeeze %dma_start3A_365 : memref<1x128xi32, #tpu.memory_space<vmem>> -> memref<128xi32, #tpu.memory_space<vmem>>
        %dma_start3A_367 = arith.constant 0 : i32
        %dma_start3A_368 = arith.constant 0 : i32
        %dma_start3A_369 = tpu.memref_slice %arg3[%dma_start3A_367, %dma_start3A_368] : memref<1000000x32xf32, #tpu.memory_space<hbm>> -> memref<1000000x32xf32, #tpu.memory_space<hbm>>
        tpu.enqueue_indirect_dma source(%dma_start3A_369 : memref<1000000x32xf32, #tpu.memory_space<hbm>>) target(%dma_start3A_363 : memref<128x32xf32, #tpu.memory_space<vmem>>) offsets(%dma_start3A_366 : memref<128xi32, #tpu.memory_space<vmem>>) semaphore(%arg15 : memref<!tpu.dma_semaphore, #tpu.memory_space<semaphore_mem>>)
        %mul3A_370 = arith.constant 4 : i32
        %mul3A_371 = arith.muli %sub3A_356, %mul3A_370 : i32
        %add3A_372 = arith.constant 1 : i32
        %add3A_373 = arith.addi %mul3A_371, %add3A_372 : i32
        %dma_start3A_374 = arith.constant 128 : i32
        %dma_start3A_375 = arith.constant 0 : i32
        %dma_start3A_376 = tpu.memref_slice %arg10[%dma_start3A_374, %dma_start3A_375] : memref<512x32xf32, #tpu.memory_space<vmem>> -> memref<128x32xf32, #tpu.memory_space<vmem>>
        %dma_start3A_377 = arith.constant 0 : i32
        %dma_start3A_378 = tpu.memref_slice %arg5[%add3A_373, %dma_start3A_377] : memref<200x128xi32, #tpu.memory_space<vmem>> -> memref<1x128xi32, #tpu.memory_space<vmem>>
        %dma_start3A_379 = tpu.memref_squeeze %dma_start3A_378 : memref<1x128xi32, #tpu.memory_space<vmem>> -> memref<128xi32, #tpu.memory_space<vmem>>
        %dma_start3A_380 = arith.constant 0 : i32
        %dma_start3A_381 = arith.constant 0 : i32
        %dma_start3A_382 = tpu.memref_slice %arg3[%dma_start3A_380, %dma_start3A_381] : memref<1000000x32xf32, #tpu.memory_space<hbm>> -> memref<1000000x32xf32, #tpu.memory_space<hbm>>
        tpu.enqueue_indirect_dma source(%dma_start3A_382 : memref<1000000x32xf32, #tpu.memory_space<hbm>>) target(%dma_start3A_376 : memref<128x32xf32, #tpu.memory_space<vmem>>) offsets(%dma_start3A_379 : memref<128xi32, #tpu.memory_space<vmem>>) semaphore(%arg15 : memref<!tpu.dma_semaphore, #tpu.memory_space<semaphore_mem>>)
        %mul3A_383 = arith.constant 4 : i32
        %mul3A_384 = arith.muli %sub3A_356, %mul3A_383 : i32
        %add3A_385 = arith.constant 2 : i32
        %add3A_386 = arith.addi %mul3A_384, %add3A_385 : i32
        %dma_start3A_387 = arith.constant 256 : i32
        %dma_start3A_388 = arith.constant 0 : i32
        %dma_start3A_389 = tpu.memref_slice %arg10[%dma_start3A_387, %dma_start3A_388] : memref<512x32xf32, #tpu.memory_space<vmem>> -> memref<128x32xf32, #tpu.memory_space<vmem>>
        %dma_start3A_390 = arith.constant 0 : i32
        %dma_start3A_391 = tpu.memref_slice %arg5[%add3A_386, %dma_start3A_390] : memref<200x128xi32, #tpu.memory_space<vmem>> -> memref<1x128xi32, #tpu.memory_space<vmem>>
        %dma_start3A_392 = tpu.memref_squeeze %dma_start3A_391 : memref<1x128xi32, #tpu.memory_space<vmem>> -> memref<128xi32, #tpu.memory_space<vmem>>
        %dma_start3A_393 = arith.constant 0 : i32
        %dma_start3A_394 = arith.constant 0 : i32
        %dma_start3A_395 = tpu.memref_slice %arg3[%dma_start3A_393, %dma_start3A_394] : memref<1000000x32xf32, #tpu.memory_space<hbm>> -> memref<1000000x32xf32, #tpu.memory_space<hbm>>
        tpu.enqueue_indirect_dma source(%dma_start3A_395 : memref<1000000x32xf32, #tpu.memory_space<hbm>>) target(%dma_start3A_389 : memref<128x32xf32, #tpu.memory_space<vmem>>) offsets(%dma_start3A_392 : memref<128xi32, #tpu.memory_space<vmem>>) semaphore(%arg15 : memref<!tpu.dma_semaphore, #tpu.memory_space<semaphore_mem>>)
        %mul3A_396 = arith.constant 4 : i32
        %mul3A_397 = arith.muli %sub3A_356, %mul3A_396 : i32
        %add3A_398 = arith.constant 3 : i32
        %add3A_399 = arith.addi %mul3A_397, %add3A_398 : i32
        %dma_start3A_400 = arith.constant 384 : i32
        %dma_start3A_401 = arith.constant 0 : i32
        %dma_start3A_402 = tpu.memref_slice %arg10[%dma_start3A_400, %dma_start3A_401] : memref<512x32xf32, #tpu.memory_space<vmem>> -> memref<128x32xf32, #tpu.memory_space<vmem>>
        %dma_start3A_403 = arith.constant 0 : i32
        %dma_start3A_404 = tpu.memref_slice %arg5[%add3A_399, %dma_start3A_403] : memref<200x128xi32, #tpu.memory_space<vmem>> -> memref<1x128xi32, #tpu.memory_space<vmem>>
        %dma_start3A_405 = tpu.memref_squeeze %dma_start3A_404 : memref<1x128xi32, #tpu.memory_space<vmem>> -> memref<128xi32, #tpu.memory_space<vmem>>
        %dma_start3A_406 = arith.constant 0 : i32
        %dma_start3A_407 = arith.constant 0 : i32
        %dma_start3A_408 = tpu.memref_slice %arg3[%dma_start3A_406, %dma_start3A_407] : memref<1000000x32xf32, #tpu.memory_space<hbm>> -> memref<1000000x32xf32, #tpu.memory_space<hbm>>
        tpu.enqueue_indirect_dma source(%dma_start3A_408 : memref<1000000x32xf32, #tpu.memory_space<hbm>>) target(%dma_start3A_402 : memref<128x32xf32, #tpu.memory_space<vmem>>) offsets(%dma_start3A_405 : memref<128xi32, #tpu.memory_space<vmem>>) semaphore(%arg15 : memref<!tpu.dma_semaphore, #tpu.memory_space<semaphore_mem>>)
      } else {
      }
      %mul3A_205 = arith.constant 5 : i32
      %mul3A_206 = arith.muli %scan3A_172, %mul3A_205 : i32
      %add3A_207 = arith.constant 1 : i32
      %add3A_208 = arith.addi %mul3A_206, %add3A_207 : i32
      %dma_wait3A_209 = arith.constant 0 : i32
      %dma_wait3A_210 = arith.constant 0 : i32
      %dma_wait3A_211 = tpu.memref_slice %arg4[%dma_wait3A_209, %dma_wait3A_210] : memref<819200x128xf32, #tpu.memory_space<hbm>> -> memref<512x32xf32, #tpu.memory_space<hbm>>
      %dma_wait3A_212 = arith.constant 0 : i32
      %dma_wait3A_213 = arith.constant 0 : i32
      %dma_wait3A_214 = tpu.memref_slice %arg4[%dma_wait3A_212, %dma_wait3A_213] : memref<819200x128xf32, #tpu.memory_space<hbm>> -> memref<512x32xf32, #tpu.memory_space<hbm>>
      tpu.wait_dma2 semaphore(%arg12 : memref<!tpu.dma_semaphore, #tpu.memory_space<semaphore_mem>>) src(%dma_wait3A_214 : memref<512x32xf32, #tpu.memory_space<hbm>>) dst(%arg7 : memref<512x32xf32, #tpu.memory_space<vmem>>)
      %scan3A_215 = arith.constant 0 : i32
      %scan3A_216 = arith.constant 0 : i32
      %scan3A_217 = arith.constant 512 : i32
      %scan3A_218 = arith.addi %scan3A_216, %scan3A_217 : i32
      %scan3A_219 = arith.constant 8 : i32
      scf.for %scan3A_353 = %scan3A_216 to %scan3A_218 step %scan3A_219  : i32 {
        %get3A = arith.index_cast %scan3A_353 : i32 to index
        %get3A_354 = arith.constant 0 : index
        %get3A_355 = tpu.vector_load %arg7[%get3A, %get3A_354] {strides = array<i32>} : memref<512x32xf32, #tpu.memory_space<vmem>>, vector<1x16xf32>,
        %get3A_356 = vector.shape_cast %get3A_355 : vector<1x16xf32> to vector<16xf32>
        %mul3A_357 = arith.constant 5.65685415 : f32
        %mul3A_358 = vector.broadcast %mul3A_357 : f32 to vector<16xf32>
        %mul3A_359 = arith.mulf %get3A_356, %mul3A_358 : vector<16xf32>
        %swap3A = arith.index_cast %scan3A_353 : i32 to index
        %swap3A_360 = arith.constant 0 : index
        %swap3A_361 = tpu.vector_load %arg7[%swap3A, %swap3A_360] {strides = array<i32>} : memref<512x32xf32, #tpu.memory_space<vmem>>, vector<1x16xf32>,
        %swap3A_362 = vector.shape_cast %swap3A_361 : vector<1x16xf32> to vector<16xf32>
        %swap3A_363 = vector.shape_cast %mul3A_359 : vector<16xf32> to vector<1x16xf32>
        tpu.vector_store %arg7[%swap3A, %swap3A_360], %swap3A_363 {strides = array<i32>} : memref<512x32xf32, #tpu.memory_space<vmem>>, vector<1x16xf32>,
        %get3A_364 = arith.index_cast %scan3A_353 : i32 to index
        %get3A_365 = arith.constant 16 : index
        %get3A_366 = tpu.vector_load %arg7[%get3A_364, %get3A_365] {strides = array<i32>} : memref<512x32xf32, #tpu.memory_space<vmem>>, vector<1x16xf32>,
        %get3A_367 = vector.shape_cast %get3A_366 : vector<1x16xf32> to vector<16xf32>
        %mul3A_368 = arith.constant 5.65685415 : f32
        %mul3A_369 = vector.broadcast %mul3A_368 : f32 to vector<16xf32>
        %mul3A_370 = arith.mulf %get3A_367, %mul3A_369 : vector<16xf32>
        %swap3A_371 = arith.index_cast %scan3A_353 : i32 to index
        %swap3A_372 = arith.constant 16 : index
        %swap3A_373 = tpu.vector_load %arg7[%swap3A_371, %swap3A_372] {strides = array<i32>} : memref<512x32xf32, #tpu.memory_space<vmem>>, vector<1x16xf32>,
        %swap3A_374 = vector.shape_cast %swap3A_373 : vector<1x16xf32> to vector<16xf32>
        %swap3A_375 = vector.shape_cast %mul3A_370 : vector<16xf32> to vector<1x16xf32>
        tpu.vector_store %arg7[%swap3A_371, %swap3A_372], %swap3A_375 {strides = array<i32>} : memref<512x32xf32, #tpu.memory_space<vmem>>, vector<1x16xf32>,
        %scan3A_376 = arith.constant 1 : i32
        %scan3A_377 = arith.addi %scan3A_353, %scan3A_376 : i32
        %get3A_378 = arith.index_cast %scan3A_377 : i32 to index
        %get3A_379 = arith.constant 0 : index
        %get3A_380 = tpu.vector_load %arg7[%get3A_378, %get3A_379] {strides = array<i32>} : memref<512x32xf32, #tpu.memory_space<vmem>>, vector<1x16xf32>,
        %get3A_381 = vector.shape_cast %get3A_380 : vector<1x16xf32> to vector<16xf32>
        %mul3A_382 = arith.constant 5.65685415 : f32
        %mul3A_383 = vector.broadcast %mul3A_382 : f32 to vector<16xf32>
        %mul3A_384 = arith.mulf %get3A_381, %mul3A_383 : vector<16xf32>
        %swap3A_385 = arith.index_cast %scan3A_377 : i32 to index
        %swap3A_386 = arith.constant 0 : index
        %swap3A_387 = tpu.vector_load %arg7[%swap3A_385, %swap3A_386] {strides = array<i32>} : memref<512x32xf32, #tpu.memory_space<vmem>>, vector<1x16xf32>,
        %swap3A_388 = vector.shape_cast %swap3A_387 : vector<1x16xf32> to vector<16xf32>
        %swap3A_389 = vector.shape_cast %mul3A_384 : vector<16xf32> to vector<1x16xf32>
        tpu.vector_store %arg7[%swap3A_385, %swap3A_386], %swap3A_389 {strides = array<i32>} : memref<512x32xf32, #tpu.memory_space<vmem>>, vector<1x16xf32>,
        %get3A_390 = arith.index_cast %scan3A_377 : i32 to index
        %get3A_391 = arith.constant 16 : index
        %get3A_392 = tpu.vector_load %arg7[%get3A_390, %get3A_391] {strides = array<i32>} : memref<512x32xf32, #tpu.memory_space<vmem>>, vector<1x16xf32>,
        %get3A_393 = vector.shape_cast %get3A_392 : vector<1x16xf32> to vector<16xf32>
        %mul3A_394 = arith.constant 5.65685415 : f32
        %mul3A_395 = vector.broadcast %mul3A_394 : f32 to vector<16xf32>
        %mul3A_396 = arith.mulf %get3A_393, %mul3A_395 : vector<16xf32>
        %swap3A_397 = arith.index_cast %scan3A_377 : i32 to index
        %swap3A_398 = arith.constant 16 : index
        %swap3A_399 = tpu.vector_load %arg7[%swap3A_397, %swap3A_398] {strides = array<i32>} : memref<512x32xf32, #tpu.memory_space<vmem>>, vector<1x16xf32>,
        %swap3A_400 = vector.shape_cast %swap3A_399 : vector<1x16xf32> to vector<16xf32>
        %swap3A_401 = vector.shape_cast %mul3A_396 : vector<16xf32> to vector<1x16xf32>
        tpu.vector_store %arg7[%swap3A_397, %swap3A_398], %swap3A_401 {strides = array<i32>} : memref<512x32xf32, #tpu.memory_space<vmem>>, vector<1x16xf32>,
        %scan3A_402 = arith.constant 2 : i32
        %scan3A_403 = arith.addi %scan3A_353, %scan3A_402 : i32
        %get3A_404 = arith.index_cast %scan3A_403 : i32 to index
        %get3A_405 = arith.constant 0 : index
        %get3A_406 = tpu.vector_load %arg7[%get3A_404, %get3A_405] {strides = array<i32>} : memref<512x32xf32, #tpu.memory_space<vmem>>, vector<1x16xf32>,
        %get3A_407 = vector.shape_cast %get3A_406 : vector<1x16xf32> to vector<16xf32>
        %mul3A_408 = arith.constant 5.65685415 : f32
        %mul3A_409 = vector.broadcast %mul3A_408 : f32 to vector<16xf32>
        %mul3A_410 = arith.mulf %get3A_407, %mul3A_409 : vector<16xf32>
        %swap3A_411 = arith.index_cast %scan3A_403 : i32 to index
        %swap3A_412 = arith.constant 0 : index
        %swap3A_413 = tpu.vector_load %arg7[%swap3A_411, %swap3A_412] {strides = array<i32>} : memref<512x32xf32, #tpu.memory_space<vmem>>, vector<1x16xf32>,
        %swap3A_414 = vector.shape_cast %swap3A_413 : vector<1x16xf32> to vector<16xf32>
        %swap3A_415 = vector.shape_cast %mul3A_410 : vector<16xf32> to vector<1x16xf32>
        tpu.vector_store %arg7[%swap3A_411, %swap3A_412], %swap3A_415 {strides = array<i32>} : memref<512x32xf32, #tpu.memory_space<vmem>>, vector<1x16xf32>,
        %get3A_416 = arith.index_cast %scan3A_403 : i32 to index
        %get3A_417 = arith.constant 16 : index
        %get3A_418 = tpu.vector_load %arg7[%get3A_416, %get3A_417] {strides = array<i32>} : memref<512x32xf32, #tpu.memory_space<vmem>>, vector<1x16xf32>,
        %get3A_419 = vector.shape_cast %get3A_418 : vector<1x16xf32> to vector<16xf32>
        %mul3A_420 = arith.constant 5.65685415 : f32
        %mul3A_421 = vector.broadcast %mul3A_420 : f32 to vector<16xf32>
        %mul3A_422 = arith.mulf %get3A_419, %mul3A_421 : vector<16xf32>
        %swap3A_423 = arith.index_cast %scan3A_403 : i32 to index
        %swap3A_424 = arith.constant 16 : index
        %swap3A_425 = tpu.vector_load %arg7[%swap3A_423, %swap3A_424] {strides = array<i32>} : memref<512x32xf32, #tpu.memory_space<vmem>>, vector<1x16xf32>,
        %swap3A_426 = vector.shape_cast %swap3A_425 : vector<1x16xf32> to vector<16xf32>
        %swap3A_427 = vector.shape_cast %mul3A_422 : vector<16xf32> to vector<1x16xf32>
        tpu.vector_store %arg7[%swap3A_423, %swap3A_424], %swap3A_427 {strides = array<i32>} : memref<512x32xf32, #tpu.memory_space<vmem>>, vector<1x16xf32>,
        %scan3A_428 = arith.constant 3 : i32
        %scan3A_429 = arith.addi %scan3A_353, %scan3A_428 : i32
        %get3A_430 = arith.index_cast %scan3A_429 : i32 to index
        %get3A_431 = arith.constant 0 : index
        %get3A_432 = tpu.vector_load %arg7[%get3A_430, %get3A_431] {strides = array<i32>} : memref<512x32xf32, #tpu.memory_space<vmem>>, vector<1x16xf32>,
        %get3A_433 = vector.shape_cast %get3A_432 : vector<1x16xf32> to vector<16xf32>
        %mul3A_434 = arith.constant 5.65685415 : f32
        %mul3A_435 = vector.broadcast %mul3A_434 : f32 to vector<16xf32>
        %mul3A_436 = arith.mulf %get3A_433, %mul3A_435 : vector<16xf32>
        %swap3A_437 = arith.index_cast %scan3A_429 : i32 to index
        %swap3A_438 = arith.constant 0 : index
        %swap3A_439 = tpu.vector_load %arg7[%swap3A_437, %swap3A_438] {strides = array<i32>} : memref<512x32xf32, #tpu.memory_space<vmem>>, vector<1x16xf32>,
        %swap3A_440 = vector.shape_cast %swap3A_439 : vector<1x16xf32> to vector<16xf32>
        %swap3A_441 = vector.shape_cast %mul3A_436 : vector<16xf32> to vector<1x16xf32>
        tpu.vector_store %arg7[%swap3A_437, %swap3A_438], %swap3A_441 {strides = array<i32>} : memref<512x32xf32, #tpu.memory_space<vmem>>, vector<1x16xf32>,
        %get3A_442 = arith.index_cast %scan3A_429 : i32 to index
        %get3A_443 = arith.constant 16 : index
        %get3A_444 = tpu.vector_load %arg7[%get3A_442, %get3A_443] {strides = array<i32>} : memref<512x32xf32, #tpu.memory_space<vmem>>, vector<1x16xf32>,
        %get3A_445 = vector.shape_cast %get3A_444 : vector<1x16xf32> to vector<16xf32>
        %mul3A_446 = arith.constant 5.65685415 : f32
        %mul3A_447 = vector.broadcast %mul3A_446 : f32 to vector<16xf32>
        %mul3A_448 = arith.mulf %get3A_445, %mul3A_447 : vector<16xf32>
        %swap3A_449 = arith.index_cast %scan3A_429 : i32 to index
        %swap3A_450 = arith.constant 16 : index
        %swap3A_451 = tpu.vector_load %arg7[%swap3A_449, %swap3A_450] {strides = array<i32>} : memref<512x32xf32, #tpu.memory_space<vmem>>, vector<1x16xf32>,
        %swap3A_452 = vector.shape_cast %swap3A_451 : vector<1x16xf32> to vector<16xf32>
        %swap3A_453 = vector.shape_cast %mul3A_448 : vector<16xf32> to vector<1x16xf32>
        tpu.vector_store %arg7[%swap3A_449, %swap3A_450], %swap3A_453 {strides = array<i32>} : memref<512x32xf32, #tpu.memory_space<vmem>>, vector<1x16xf32>,
        %scan3A_454 = arith.constant 4 : i32
        %scan3A_455 = arith.addi %scan3A_353, %scan3A_454 : i32
        %get3A_456 = arith.index_cast %scan3A_455 : i32 to index
        %get3A_457 = arith.constant 0 : index
        %get3A_458 = tpu.vector_load %arg7[%get3A_456, %get3A_457] {strides = array<i32>} : memref<512x32xf32, #tpu.memory_space<vmem>>, vector<1x16xf32>,
        %get3A_459 = vector.shape_cast %get3A_458 : vector<1x16xf32> to vector<16xf32>
        %mul3A_460 = arith.constant 5.65685415 : f32
        %mul3A_461 = vector.broadcast %mul3A_460 : f32 to vector<16xf32>
        %mul3A_462 = arith.mulf %get3A_459, %mul3A_461 : vector<16xf32>
        %swap3A_463 = arith.index_cast %scan3A_455 : i32 to index
        %swap3A_464 = arith.constant 0 : index
        %swap3A_465 = tpu.vector_load %arg7[%swap3A_463, %swap3A_464] {strides = array<i32>} : memref<512x32xf32, #tpu.memory_space<vmem>>, vector<1x16xf32>,
        %swap3A_466 = vector.shape_cast %swap3A_465 : vector<1x16xf32> to vector<16xf32>
        %swap3A_467 = vector.shape_cast %mul3A_462 : vector<16xf32> to vector<1x16xf32>
        tpu.vector_store %arg7[%swap3A_463, %swap3A_464], %swap3A_467 {strides = array<i32>} : memref<512x32xf32, #tpu.memory_space<vmem>>, vector<1x16xf32>,
        %get3A_468 = arith.index_cast %scan3A_455 : i32 to index
        %get3A_469 = arith.constant 16 : index
        %get3A_470 = tpu.vector_load %arg7[%get3A_468, %get3A_469] {strides = array<i32>} : memref<512x32xf32, #tpu.memory_space<vmem>>, vector<1x16xf32>,
        %get3A_471 = vector.shape_cast %get3A_470 : vector<1x16xf32> to vector<16xf32>
        %mul3A_472 = arith.constant 5.65685415 : f32
        %mul3A_473 = vector.broadcast %mul3A_472 : f32 to vector<16xf32>
        %mul3A_474 = arith.mulf %get3A_471, %mul3A_473 : vector<16xf32>
        %swap3A_475 = arith.index_cast %scan3A_455 : i32 to index
        %swap3A_476 = arith.constant 16 : index
        %swap3A_477 = tpu.vector_load %arg7[%swap3A_475, %swap3A_476] {strides = array<i32>} : memref<512x32xf32, #tpu.memory_space<vmem>>, vector<1x16xf32>,
        %swap3A_478 = vector.shape_cast %swap3A_477 : vector<1x16xf32> to vector<16xf32>
        %swap3A_479 = vector.shape_cast %mul3A_474 : vector<16xf32> to vector<1x16xf32>
        tpu.vector_store %arg7[%swap3A_475, %swap3A_476], %swap3A_479 {strides = array<i32>} : memref<512x32xf32, #tpu.memory_space<vmem>>, vector<1x16xf32>,
        %scan3A_480 = arith.constant 5 : i32
        %scan3A_481 = arith.addi %scan3A_353, %scan3A_480 : i32
        %get3A_482 = arith.index_cast %scan3A_481 : i32 to index
        %get3A_483 = arith.constant 0 : index
        %get3A_484 = tpu.vector_load %arg7[%get3A_482, %get3A_483] {strides = array<i32>} : memref<512x32xf32, #tpu.memory_space<vmem>>, vector<1x16xf32>,
        %get3A_485 = vector.shape_cast %get3A_484 : vector<1x16xf32> to vector<16xf32>
        %mul3A_486 = arith.constant 5.65685415 : f32
        %mul3A_487 = vector.broadcast %mul3A_486 : f32 to vector<16xf32>
        %mul3A_488 = arith.mulf %get3A_485, %mul3A_487 : vector<16xf32>
        %swap3A_489 = arith.index_cast %scan3A_481 : i32 to index
        %swap3A_490 = arith.constant 0 : index
        %swap3A_491 = tpu.vector_load %arg7[%swap3A_489, %swap3A_490] {strides = array<i32>} : memref<512x32xf32, #tpu.memory_space<vmem>>, vector<1x16xf32>,
        %swap3A_492 = vector.shape_cast %swap3A_491 : vector<1x16xf32> to vector<16xf32>
        %swap3A_493 = vector.shape_cast %mul3A_488 : vector<16xf32> to vector<1x16xf32>
        tpu.vector_store %arg7[%swap3A_489, %swap3A_490], %swap3A_493 {strides = array<i32>} : memref<512x32xf32, #tpu.memory_space<vmem>>, vector<1x16xf32>,
        %get3A_494 = arith.index_cast %scan3A_481 : i32 to index
        %get3A_495 = arith.constant 16 : index
        %get3A_496 = tpu.vector_load %arg7[%get3A_494, %get3A_495] {strides = array<i32>} : memref<512x32xf32, #tpu.memory_space<vmem>>, vector<1x16xf32>,
        %get3A_497 = vector.shape_cast %get3A_496 : vector<1x16xf32> to vector<16xf32>
        %mul3A_498 = arith.constant 5.65685415 : f32
        %mul3A_499 = vector.broadcast %mul3A_498 : f32 to vector<16xf32>
        %mul3A_500 = arith.mulf %get3A_497, %mul3A_499 : vector<16xf32>
        %swap3A_501 = arith.index_cast %scan3A_481 : i32 to index
        %swap3A_502 = arith.constant 16 : index
        %swap3A_503 = tpu.vector_load %arg7[%swap3A_501, %swap3A_502] {strides = array<i32>} : memref<512x32xf32, #tpu.memory_space<vmem>>, vector<1x16xf32>,
        %swap3A_504 = vector.shape_cast %swap3A_503 : vector<1x16xf32> to vector<16xf32>
        %swap3A_505 = vector.shape_cast %mul3A_500 : vector<16xf32> to vector<1x16xf32>
        tpu.vector_store %arg7[%swap3A_501, %swap3A_502], %swap3A_505 {strides = array<i32>} : memref<512x32xf32, #tpu.memory_space<vmem>>, vector<1x16xf32>,
        %scan3A_506 = arith.constant 6 : i32
        %scan3A_507 = arith.addi %scan3A_353, %scan3A_506 : i32
        %get3A_508 = arith.index_cast %scan3A_507 : i32 to index
        %get3A_509 = arith.constant 0 : index
        %get3A_510 = tpu.vector_load %arg7[%get3A_508, %get3A_509] {strides = array<i32>} : memref<512x32xf32, #tpu.memory_space<vmem>>, vector<1x16xf32>,
        %get3A_511 = vector.shape_cast %get3A_510 : vector<1x16xf32> to vector<16xf32>
        %mul3A_512 = arith.constant 5.65685415 : f32
        %mul3A_513 = vector.broadcast %mul3A_512 : f32 to vector<16xf32>
        %mul3A_514 = arith.mulf %get3A_511, %mul3A_513 : vector<16xf32>
        %swap3A_515 = arith.index_cast %scan3A_507 : i32 to index
        %swap3A_516 = arith.constant 0 : index
        %swap3A_517 = tpu.vector_load %arg7[%swap3A_515, %swap3A_516] {strides = array<i32>} : memref<512x32xf32, #tpu.memory_space<vmem>>, vector<1x16xf32>,
        %swap3A_518 = vector.shape_cast %swap3A_517 : vector<1x16xf32> to vector<16xf32>
        %swap3A_519 = vector.shape_cast %mul3A_514 : vector<16xf32> to vector<1x16xf32>
        tpu.vector_store %arg7[%swap3A_515, %swap3A_516], %swap3A_519 {strides = array<i32>} : memref<512x32xf32, #tpu.memory_space<vmem>>, vector<1x16xf32>,
        %get3A_520 = arith.index_cast %scan3A_507 : i32 to index
        %get3A_521 = arith.constant 16 : index
        %get3A_522 = tpu.vector_load %arg7[%get3A_520, %get3A_521] {strides = array<i32>} : memref<512x32xf32, #tpu.memory_space<vmem>>, vector<1x16xf32>,
        %get3A_523 = vector.shape_cast %get3A_522 : vector<1x16xf32> to vector<16xf32>
        %mul3A_524 = arith.constant 5.65685415 : f32
        %mul3A_525 = vector.broadcast %mul3A_524 : f32 to vector<16xf32>
        %mul3A_526 = arith.mulf %get3A_523, %mul3A_525 : vector<16xf32>
        %swap3A_527 = arith.index_cast %scan3A_507 : i32 to index
        %swap3A_528 = arith.constant 16 : index
        %swap3A_529 = tpu.vector_load %arg7[%swap3A_527, %swap3A_528] {strides = array<i32>} : memref<512x32xf32, #tpu.memory_space<vmem>>, vector<1x16xf32>,
        %swap3A_530 = vector.shape_cast %swap3A_529 : vector<1x16xf32> to vector<16xf32>
        %swap3A_531 = vector.shape_cast %mul3A_526 : vector<16xf32> to vector<1x16xf32>
        tpu.vector_store %arg7[%swap3A_527, %swap3A_528], %swap3A_531 {strides = array<i32>} : memref<512x32xf32, #tpu.memory_space<vmem>>, vector<1x16xf32>,
        %scan3A_532 = arith.constant 7 : i32
        %scan3A_533 = arith.addi %scan3A_353, %scan3A_532 : i32
        %get3A_534 = arith.index_cast %scan3A_533 : i32 to index
        %get3A_535 = arith.constant 0 : index
        %get3A_536 = tpu.vector_load %arg7[%get3A_534, %get3A_535] {strides = array<i32>} : memref<512x32xf32, #tpu.memory_space<vmem>>, vector<1x16xf32>,
        %get3A_537 = vector.shape_cast %get3A_536 : vector<1x16xf32> to vector<16xf32>
        %mul3A_538 = arith.constant 5.65685415 : f32
        %mul3A_539 = vector.broadcast %mul3A_538 : f32 to vector<16xf32>
        %mul3A_540 = arith.mulf %get3A_537, %mul3A_539 : vector<16xf32>
        %swap3A_541 = arith.index_cast %scan3A_533 : i32 to index
        %swap3A_542 = arith.constant 0 : index
        %swap3A_543 = tpu.vector_load %arg7[%swap3A_541, %swap3A_542] {strides = array<i32>} : memref<512x32xf32, #tpu.memory_space<vmem>>, vector<1x16xf32>,
        %swap3A_544 = vector.shape_cast %swap3A_543 : vector<1x16xf32> to vector<16xf32>
        %swap3A_545 = vector.shape_cast %mul3A_540 : vector<16xf32> to vector<1x16xf32>
        tpu.vector_store %arg7[%swap3A_541, %swap3A_542], %swap3A_545 {strides = array<i32>} : memref<512x32xf32, #tpu.memory_space<vmem>>, vector<1x16xf32>,
        %get3A_546 = arith.index_cast %scan3A_533 : i32 to index
        %get3A_547 = arith.constant 16 : index
        %get3A_548 = tpu.vector_load %arg7[%get3A_546, %get3A_547] {strides = array<i32>} : memref<512x32xf32, #tpu.memory_space<vmem>>, vector<1x16xf32>,
        %get3A_549 = vector.shape_cast %get3A_548 : vector<1x16xf32> to vector<16xf32>
        %mul3A_550 = arith.constant 5.65685415 : f32
        %mul3A_551 = vector.broadcast %mul3A_550 : f32 to vector<16xf32>
        %mul3A_552 = arith.mulf %get3A_549, %mul3A_551 : vector<16xf32>
        %swap3A_553 = arith.index_cast %scan3A_533 : i32 to index
        %swap3A_554 = arith.constant 16 : index
        %swap3A_555 = tpu.vector_load %arg7[%swap3A_553, %swap3A_554] {strides = array<i32>} : memref<512x32xf32, #tpu.memory_space<vmem>>, vector<1x16xf32>,
        %swap3A_556 = vector.shape_cast %swap3A_555 : vector<1x16xf32> to vector<16xf32>
        %swap3A_557 = vector.shape_cast %mul3A_552 : vector<16xf32> to vector<1x16xf32>
        tpu.vector_store %arg7[%swap3A_553, %swap3A_554], %swap3A_557 {strides = array<i32>} : memref<512x32xf32, #tpu.memory_space<vmem>>, vector<1x16xf32>,
      }
      %scan3A_220 = arith.constant 512 : i32
      %mul3A_221 = arith.constant 512 : i32
      %mul3A_222 = arith.muli %add3A_208, %mul3A_221 : i32
      %add3A_223 = arith.addi %mul3A_2, %mul3A_222 : i32
      %dma_start3A_224 = arith.constant 0 : i32
      %dma_start3A_225 = tpu.memref_slice %arg4[%add3A_223, %dma_start3A_224] : memref<819200x128xf32, #tpu.memory_space<hbm>> -> memref<512x32xf32, #tpu.memory_space<hbm>>
      %dma_start3A_226 = arith.constant 0 : i32
      %dma_start3A_227 = tpu.memref_slice %arg4[%add3A_223, %dma_start3A_226] : memref<819200x128xf32, #tpu.memory_space<hbm>> -> memref<512x32xf32, #tpu.memory_space<hbm>>
      tpu.enqueue_dma source(%arg7 : memref<512x32xf32, #tpu.memory_space<vmem>>) target(%dma_start3A_227 : memref<512x32xf32, #tpu.memory_space<hbm>>) target_semaphore(%arg17 : memref<!tpu.dma_semaphore, #tpu.memory_space<semaphore_mem>>)
      %ge3A_228 = arith.constant 1 : i32
      %ge3A_229 = arith.cmpi sge, %add3A_208, %ge3A_228 : i32
      %convert_element_type3A_230 = arith.extui %ge3A_229 : i1 to i32
      %cond3A_231 = arith.constant 0 : i32
      %cond3A_232 = arith.cmpi ne, %convert_element_type3A_230, %cond3A_231 : i32
      scf.if %cond3A_232 {
        %dma_wait3A_353 = arith.constant 0 : i32
        %dma_wait3A_354 = arith.constant 0 : i32
        %dma_wait3A_355 = tpu.memref_slice %arg4[%dma_wait3A_353, %dma_wait3A_354] : memref<819200x128xf32, #tpu.memory_space<hbm>> -> memref<512x32xf32, #tpu.memory_space<hbm>>
        %dma_wait3A_356 = arith.constant 0 : i32
        %dma_wait3A_357 = arith.constant 0 : i32
        %dma_wait3A_358 = tpu.memref_slice %arg4[%dma_wait3A_356, %dma_wait3A_357] : memref<819200x128xf32, #tpu.memory_space<hbm>> -> memref<512x32xf32, #tpu.memory_space<hbm>>
        tpu.wait_dma2 semaphore(%arg16 : memref<!tpu.dma_semaphore, #tpu.memory_space<semaphore_mem>>) src(%dma_wait3A_358 : memref<512x32xf32, #tpu.memory_space<hbm>>) dst(%arg6 : memref<512x32xf32, #tpu.memory_space<vmem>>)
      } else {
      }
      %add3A_233 = arith.constant 5 : i32
      %add3A_234 = arith.addi %add3A_208, %add3A_233 : i32
      %sub3A_235 = arith.constant 1 : i32
      %sub3A_236 = arith.subi %add3A_234, %sub3A_235 : i32
      %lt3A_237 = arith.constant 50 : i32
      %lt3A_238 = arith.cmpi slt, %sub3A_236, %lt3A_237 : i32
      %convert_element_type3A_239 = arith.extui %lt3A_238 : i1 to i32
      %cond3A_240 = arith.constant 0 : i32
      %cond3A_241 = arith.cmpi ne, %convert_element_type3A_239, %cond3A_240 : i32
      scf.if %cond3A_241 {
        %add3A_353 = arith.constant 5 : i32
        %add3A_354 = arith.addi %add3A_208, %add3A_353 : i32
        %sub3A_355 = arith.constant 1 : i32
        %sub3A_356 = arith.subi %add3A_354, %sub3A_355 : i32
        %mul3A_357 = arith.constant 4 : i32
        %mul3A_358 = arith.muli %sub3A_356, %mul3A_357 : i32
        %add3A_359 = arith.constant 0 : i32
        %add3A_360 = arith.addi %mul3A_358, %add3A_359 : i32
        %dma_start3A_361 = arith.constant 0 : i32
        %dma_start3A_362 = arith.constant 0 : i32
        %dma_start3A_363 = tpu.memref_slice %arg6[%dma_start3A_361, %dma_start3A_362] : memref<512x32xf32, #tpu.memory_space<vmem>> -> memref<128x32xf32, #tpu.memory_space<vmem>>
        %dma_start3A_364 = arith.constant 0 : i32
        %dma_start3A_365 = tpu.memref_slice %arg5[%add3A_360, %dma_start3A_364] : memref<200x128xi32, #tpu.memory_space<vmem>> -> memref<1x128xi32, #tpu.memory_space<vmem>>
        %dma_start3A_366 = tpu.memref_squeeze %dma_start3A_365 : memref<1x128xi32, #tpu.memory_space<vmem>> -> memref<128xi32, #tpu.memory_space<vmem>>
        %dma_start3A_367 = arith.constant 0 : i32
        %dma_start3A_368 = arith.constant 0 : i32
        %dma_start3A_369 = tpu.memref_slice %arg3[%dma_start3A_367, %dma_start3A_368] : memref<1000000x32xf32, #tpu.memory_space<hbm>> -> memref<1000000x32xf32, #tpu.memory_space<hbm>>
        tpu.enqueue_indirect_dma source(%dma_start3A_369 : memref<1000000x32xf32, #tpu.memory_space<hbm>>) target(%dma_start3A_363 : memref<128x32xf32, #tpu.memory_space<vmem>>) offsets(%dma_start3A_366 : memref<128xi32, #tpu.memory_space<vmem>>) semaphore(%arg11 : memref<!tpu.dma_semaphore, #tpu.memory_space<semaphore_mem>>)
        %mul3A_370 = arith.constant 4 : i32
        %mul3A_371 = arith.muli %sub3A_356, %mul3A_370 : i32
        %add3A_372 = arith.constant 1 : i32
        %add3A_373 = arith.addi %mul3A_371, %add3A_372 : i32
        %dma_start3A_374 = arith.constant 128 : i32
        %dma_start3A_375 = arith.constant 0 : i32
        %dma_start3A_376 = tpu.memref_slice %arg6[%dma_start3A_374, %dma_start3A_375] : memref<512x32xf32, #tpu.memory_space<vmem>> -> memref<128x32xf32, #tpu.memory_space<vmem>>
        %dma_start3A_377 = arith.constant 0 : i32
        %dma_start3A_378 = tpu.memref_slice %arg5[%add3A_373, %dma_start3A_377] : memref<200x128xi32, #tpu.memory_space<vmem>> -> memref<1x128xi32, #tpu.memory_space<vmem>>
        %dma_start3A_379 = tpu.memref_squeeze %dma_start3A_378 : memref<1x128xi32, #tpu.memory_space<vmem>> -> memref<128xi32, #tpu.memory_space<vmem>>
        %dma_start3A_380 = arith.constant 0 : i32
        %dma_start3A_381 = arith.constant 0 : i32
        %dma_start3A_382 = tpu.memref_slice %arg3[%dma_start3A_380, %dma_start3A_381] : memref<1000000x32xf32, #tpu.memory_space<hbm>> -> memref<1000000x32xf32, #tpu.memory_space<hbm>>
        tpu.enqueue_indirect_dma source(%dma_start3A_382 : memref<1000000x32xf32, #tpu.memory_space<hbm>>) target(%dma_start3A_376 : memref<128x32xf32, #tpu.memory_space<vmem>>) offsets(%dma_start3A_379 : memref<128xi32, #tpu.memory_space<vmem>>) semaphore(%arg11 : memref<!tpu.dma_semaphore, #tpu.memory_space<semaphore_mem>>)
        %mul3A_383 = arith.constant 4 : i32
        %mul3A_384 = arith.muli %sub3A_356, %mul3A_383 : i32
        %add3A_385 = arith.constant 2 : i32
        %add3A_386 = arith.addi %mul3A_384, %add3A_385 : i32
        %dma_start3A_387 = arith.constant 256 : i32
        %dma_start3A_388 = arith.constant 0 : i32
        %dma_start3A_389 = tpu.memref_slice %arg6[%dma_start3A_387, %dma_start3A_388] : memref<512x32xf32, #tpu.memory_space<vmem>> -> memref<128x32xf32, #tpu.memory_space<vmem>>
        %dma_start3A_390 = arith.constant 0 : i32
        %dma_start3A_391 = tpu.memref_slice %arg5[%add3A_386, %dma_start3A_390] : memref<200x128xi32, #tpu.memory_space<vmem>> -> memref<1x128xi32, #tpu.memory_space<vmem>>
        %dma_start3A_392 = tpu.memref_squeeze %dma_start3A_391 : memref<1x128xi32, #tpu.memory_space<vmem>> -> memref<128xi32, #tpu.memory_space<vmem>>
        %dma_start3A_393 = arith.constant 0 : i32
        %dma_start3A_394 = arith.constant 0 : i32
        %dma_start3A_395 = tpu.memref_slice %arg3[%dma_start3A_393, %dma_start3A_394] : memref<1000000x32xf32, #tpu.memory_space<hbm>> -> memref<1000000x32xf32, #tpu.memory_space<hbm>>
        tpu.enqueue_indirect_dma source(%dma_start3A_395 : memref<1000000x32xf32, #tpu.memory_space<hbm>>) target(%dma_start3A_389 : memref<128x32xf32, #tpu.memory_space<vmem>>) offsets(%dma_start3A_392 : memref<128xi32, #tpu.memory_space<vmem>>) semaphore(%arg11 : memref<!tpu.dma_semaphore, #tpu.memory_space<semaphore_mem>>)
        %mul3A_396 = arith.constant 4 : i32
        %mul3A_397 = arith.muli %sub3A_356, %mul3A_396 : i32
        %add3A_398 = arith.constant 3 : i32
        %add3A_399 = arith.addi %mul3A_397, %add3A_398 : i32
        %dma_start3A_400 = arith.constant 384 : i32
        %dma_start3A_401 = arith.constant 0 : i32
        %dma_start3A_402 = tpu.memref_slice %arg6[%dma_start3A_400, %dma_start3A_401] : memref<512x32xf32, #tpu.memory_space<vmem>> -> memref<128x32xf32, #tpu.memory_space<vmem>>
        %dma_start3A_403 = arith.constant 0 : i32
        %dma_start3A_404 = tpu.memref_slice %arg5[%add3A_399, %dma_start3A_403] : memref<200x128xi32, #tpu.memory_space<vmem>> -> memref<1x128xi32, #tpu.memory_space<vmem>>
        %dma_start3A_405 = tpu.memref_squeeze %dma_start3A_404 : memref<1x128xi32, #tpu.memory_space<vmem>> -> memref<128xi32, #tpu.memory_space<vmem>>
        %dma_start3A_406 = arith.constant 0 : i32
        %dma_start3A_407 = arith.constant 0 : i32
        %dma_start3A_408 = tpu.memref_slice %arg3[%dma_start3A_406, %dma_start3A_407] : memref<1000000x32xf32, #tpu.memory_space<hbm>> -> memref<1000000x32xf32, #tpu.memory_space<hbm>>
        tpu.enqueue_indirect_dma source(%dma_start3A_408 : memref<1000000x32xf32, #tpu.memory_space<hbm>>) target(%dma_start3A_402 : memref<128x32xf32, #tpu.memory_space<vmem>>) offsets(%dma_start3A_405 : memref<128xi32, #tpu.memory_space<vmem>>) semaphore(%arg11 : memref<!tpu.dma_semaphore, #tpu.memory_space<semaphore_mem>>)
      } else {
      }
      %mul3A_242 = arith.constant 5 : i32
      %mul3A_243 = arith.muli %scan3A_172, %mul3A_242 : i32
      %add3A_244 = arith.constant 2 : i32
      %add3A_245 = arith.addi %mul3A_243, %add3A_244 : i32
      %dma_wait3A_246 = arith.constant 0 : i32
      %dma_wait3A_247 = arith.constant 0 : i32
      %dma_wait3A_248 = tpu.memref_slice %arg4[%dma_wait3A_246, %dma_wait3A_247] : memref<819200x128xf32, #tpu.memory_space<hbm>> -> memref<512x32xf32, #tpu.memory_space<hbm>>
      %dma_wait3A_249 = arith.constant 0 : i32
      %dma_wait3A_250 = arith.constant 0 : i32
      %dma_wait3A_251 = tpu.memref_slice %arg4[%dma_wait3A_249, %dma_wait3A_250] : memref<819200x128xf32, #tpu.memory_space<hbm>> -> memref<512x32xf32, #tpu.memory_space<hbm>>
      tpu.wait_dma2 semaphore(%arg13 : memref<!tpu.dma_semaphore, #tpu.memory_space<semaphore_mem>>) src(%dma_wait3A_251 : memref<512x32xf32, #tpu.memory_space<hbm>>) dst(%arg8 : memref<512x32xf32, #tpu.memory_space<vmem>>)
      %scan3A_252 = arith.constant 0 : i32
      %scan3A_253 = arith.constant 0 : i32
      %scan3A_254 = arith.constant 512 : i32
      %scan3A_255 = arith.addi %scan3A_253, %scan3A_254 : i32
      %scan3A_256 = arith.constant 8 : i32
      scf.for %scan3A_353 = %scan3A_253 to %scan3A_255 step %scan3A_256  : i32 {
        %get3A = arith.index_cast %scan3A_353 : i32 to index
        %get3A_354 = arith.constant 0 : index
        %get3A_355 = tpu.vector_load %arg8[%get3A, %get3A_354] {strides = array<i32>} : memref<512x32xf32, #tpu.memory_space<vmem>>, vector<1x16xf32>,
        %get3A_356 = vector.shape_cast %get3A_355 : vector<1x16xf32> to vector<16xf32>
        %mul3A_357 = arith.constant 5.65685415 : f32
        %mul3A_358 = vector.broadcast %mul3A_357 : f32 to vector<16xf32>
        %mul3A_359 = arith.mulf %get3A_356, %mul3A_358 : vector<16xf32>
        %swap3A = arith.index_cast %scan3A_353 : i32 to index
        %swap3A_360 = arith.constant 0 : index
        %swap3A_361 = tpu.vector_load %arg8[%swap3A, %swap3A_360] {strides = array<i32>} : memref<512x32xf32, #tpu.memory_space<vmem>>, vector<1x16xf32>,
        %swap3A_362 = vector.shape_cast %swap3A_361 : vector<1x16xf32> to vector<16xf32>
        %swap3A_363 = vector.shape_cast %mul3A_359 : vector<16xf32> to vector<1x16xf32>
        tpu.vector_store %arg8[%swap3A, %swap3A_360], %swap3A_363 {strides = array<i32>} : memref<512x32xf32, #tpu.memory_space<vmem>>, vector<1x16xf32>,
        %get3A_364 = arith.index_cast %scan3A_353 : i32 to index
        %get3A_365 = arith.constant 16 : index
        %get3A_366 = tpu.vector_load %arg8[%get3A_364, %get3A_365] {strides = array<i32>} : memref<512x32xf32, #tpu.memory_space<vmem>>, vector<1x16xf32>,
        %get3A_367 = vector.shape_cast %get3A_366 : vector<1x16xf32> to vector<16xf32>
        %mul3A_368 = arith.constant 5.65685415 : f32
        %mul3A_369 = vector.broadcast %mul3A_368 : f32 to vector<16xf32>
        %mul3A_370 = arith.mulf %get3A_367, %mul3A_369 : vector<16xf32>
        %swap3A_371 = arith.index_cast %scan3A_353 : i32 to index
        %swap3A_372 = arith.constant 16 : index
        %swap3A_373 = tpu.vector_load %arg8[%swap3A_371, %swap3A_372] {strides = array<i32>} : memref<512x32xf32, #tpu.memory_space<vmem>>, vector<1x16xf32>,
        %swap3A_374 = vector.shape_cast %swap3A_373 : vector<1x16xf32> to vector<16xf32>
        %swap3A_375 = vector.shape_cast %mul3A_370 : vector<16xf32> to vector<1x16xf32>
        tpu.vector_store %arg8[%swap3A_371, %swap3A_372], %swap3A_375 {strides = array<i32>} : memref<512x32xf32, #tpu.memory_space<vmem>>, vector<1x16xf32>,
        %scan3A_376 = arith.constant 1 : i32
        %scan3A_377 = arith.addi %scan3A_353, %scan3A_376 : i32
        %get3A_378 = arith.index_cast %scan3A_377 : i32 to index
        %get3A_379 = arith.constant 0 : index
        %get3A_380 = tpu.vector_load %arg8[%get3A_378, %get3A_379] {strides = array<i32>} : memref<512x32xf32, #tpu.memory_space<vmem>>, vector<1x16xf32>,
        %get3A_381 = vector.shape_cast %get3A_380 : vector<1x16xf32> to vector<16xf32>
        %mul3A_382 = arith.constant 5.65685415 : f32
        %mul3A_383 = vector.broadcast %mul3A_382 : f32 to vector<16xf32>
        %mul3A_384 = arith.mulf %get3A_381, %mul3A_383 : vector<16xf32>
        %swap3A_385 = arith.index_cast %scan3A_377 : i32 to index
        %swap3A_386 = arith.constant 0 : index
        %swap3A_387 = tpu.vector_load %arg8[%swap3A_385, %swap3A_386] {strides = array<i32>} : memref<512x32xf32, #tpu.memory_space<vmem>>, vector<1x16xf32>,
        %swap3A_388 = vector.shape_cast %swap3A_387 : vector<1x16xf32> to vector<16xf32>
        %swap3A_389 = vector.shape_cast %mul3A_384 : vector<16xf32> to vector<1x16xf32>
        tpu.vector_store %arg8[%swap3A_385, %swap3A_386], %swap3A_389 {strides = array<i32>} : memref<512x32xf32, #tpu.memory_space<vmem>>, vector<1x16xf32>,
        %get3A_390 = arith.index_cast %scan3A_377 : i32 to index
        %get3A_391 = arith.constant 16 : index
        %get3A_392 = tpu.vector_load %arg8[%get3A_390, %get3A_391] {strides = array<i32>} : memref<512x32xf32, #tpu.memory_space<vmem>>, vector<1x16xf32>,
        %get3A_393 = vector.shape_cast %get3A_392 : vector<1x16xf32> to vector<16xf32>
        %mul3A_394 = arith.constant 5.65685415 : f32
        %mul3A_395 = vector.broadcast %mul3A_394 : f32 to vector<16xf32>
        %mul3A_396 = arith.mulf %get3A_393, %mul3A_395 : vector<16xf32>
        %swap3A_397 = arith.index_cast %scan3A_377 : i32 to index
        %swap3A_398 = arith.constant 16 : index
        %swap3A_399 = tpu.vector_load %arg8[%swap3A_397, %swap3A_398] {strides = array<i32>} : memref<512x32xf32, #tpu.memory_space<vmem>>, vector<1x16xf32>,
        %swap3A_400 = vector.shape_cast %swap3A_399 : vector<1x16xf32> to vector<16xf32>
        %swap3A_401 = vector.shape_cast %mul3A_396 : vector<16xf32> to vector<1x16xf32>
        tpu.vector_store %arg8[%swap3A_397, %swap3A_398], %swap3A_401 {strides = array<i32>} : memref<512x32xf32, #tpu.memory_space<vmem>>, vector<1x16xf32>,
        %scan3A_402 = arith.constant 2 : i32
        %scan3A_403 = arith.addi %scan3A_353, %scan3A_402 : i32
        %get3A_404 = arith.index_cast %scan3A_403 : i32 to index
        %get3A_405 = arith.constant 0 : index
        %get3A_406 = tpu.vector_load %arg8[%get3A_404, %get3A_405] {strides = array<i32>} : memref<512x32xf32, #tpu.memory_space<vmem>>, vector<1x16xf32>,
        %get3A_407 = vector.shape_cast %get3A_406 : vector<1x16xf32> to vector<16xf32>
        %mul3A_408 = arith.constant 5.65685415 : f32
        %mul3A_409 = vector.broadcast %mul3A_408 : f32 to vector<16xf32>
        %mul3A_410 = arith.mulf %get3A_407, %mul3A_409 : vector<16xf32>
        %swap3A_411 = arith.index_cast %scan3A_403 : i32 to index
        %swap3A_412 = arith.constant 0 : index
        %swap3A_413 = tpu.vector_load %arg8[%swap3A_411, %swap3A_412] {strides = array<i32>} : memref<512x32xf32, #tpu.memory_space<vmem>>, vector<1x16xf32>,
        %swap3A_414 = vector.shape_cast %swap3A_413 : vector<1x16xf32> to vector<16xf32>
        %swap3A_415 = vector.shape_cast %mul3A_410 : vector<16xf32> to vector<1x16xf32>
        tpu.vector_store %arg8[%swap3A_411, %swap3A_412], %swap3A_415 {strides = array<i32>} : memref<512x32xf32, #tpu.memory_space<vmem>>, vector<1x16xf32>,
        %get3A_416 = arith.index_cast %scan3A_403 : i32 to index
        %get3A_417 = arith.constant 16 : index
        %get3A_418 = tpu.vector_load %arg8[%get3A_416, %get3A_417] {strides = array<i32>} : memref<512x32xf32, #tpu.memory_space<vmem>>, vector<1x16xf32>,
        %get3A_419 = vector.shape_cast %get3A_418 : vector<1x16xf32> to vector<16xf32>
        %mul3A_420 = arith.constant 5.65685415 : f32
        %mul3A_421 = vector.broadcast %mul3A_420 : f32 to vector<16xf32>
        %mul3A_422 = arith.mulf %get3A_419, %mul3A_421 : vector<16xf32>
        %swap3A_423 = arith.index_cast %scan3A_403 : i32 to index
        %swap3A_424 = arith.constant 16 : index
        %swap3A_425 = tpu.vector_load %arg8[%swap3A_423, %swap3A_424] {strides = array<i32>} : memref<512x32xf32, #tpu.memory_space<vmem>>, vector<1x16xf32>,
        %swap3A_426 = vector.shape_cast %swap3A_425 : vector<1x16xf32> to vector<16xf32>
        %swap3A_427 = vector.shape_cast %mul3A_422 : vector<16xf32> to vector<1x16xf32>
        tpu.vector_store %arg8[%swap3A_423, %swap3A_424], %swap3A_427 {strides = array<i32>} : memref<512x32xf32, #tpu.memory_space<vmem>>, vector<1x16xf32>,
        %scan3A_428 = arith.constant 3 : i32
        %scan3A_429 = arith.addi %scan3A_353, %scan3A_428 : i32
        %get3A_430 = arith.index_cast %scan3A_429 : i32 to index
        %get3A_431 = arith.constant 0 : index
        %get3A_432 = tpu.vector_load %arg8[%get3A_430, %get3A_431] {strides = array<i32>} : memref<512x32xf32, #tpu.memory_space<vmem>>, vector<1x16xf32>,
        %get3A_433 = vector.shape_cast %get3A_432 : vector<1x16xf32> to vector<16xf32>
        %mul3A_434 = arith.constant 5.65685415 : f32
        %mul3A_435 = vector.broadcast %mul3A_434 : f32 to vector<16xf32>
        %mul3A_436 = arith.mulf %get3A_433, %mul3A_435 : vector<16xf32>
        %swap3A_437 = arith.index_cast %scan3A_429 : i32 to index
        %swap3A_438 = arith.constant 0 : index
        %swap3A_439 = tpu.vector_load %arg8[%swap3A_437, %swap3A_438] {strides = array<i32>} : memref<512x32xf32, #tpu.memory_space<vmem>>, vector<1x16xf32>,
        %swap3A_440 = vector.shape_cast %swap3A_439 : vector<1x16xf32> to vector<16xf32>
        %swap3A_441 = vector.shape_cast %mul3A_436 : vector<16xf32> to vector<1x16xf32>
        tpu.vector_store %arg8[%swap3A_437, %swap3A_438], %swap3A_441 {strides = array<i32>} : memref<512x32xf32, #tpu.memory_space<vmem>>, vector<1x16xf32>,
        %get3A_442 = arith.index_cast %scan3A_429 : i32 to index
        %get3A_443 = arith.constant 16 : index
        %get3A_444 = tpu.vector_load %arg8[%get3A_442, %get3A_443] {strides = array<i32>} : memref<512x32xf32, #tpu.memory_space<vmem>>, vector<1x16xf32>,
        %get3A_445 = vector.shape_cast %get3A_444 : vector<1x16xf32> to vector<16xf32>
        %mul3A_446 = arith.constant 5.65685415 : f32
        %mul3A_447 = vector.broadcast %mul3A_446 : f32 to vector<16xf32>
        %mul3A_448 = arith.mulf %get3A_445, %mul3A_447 : vector<16xf32>
        %swap3A_449 = arith.index_cast %scan3A_429 : i32 to index
        %swap3A_450 = arith.constant 16 : index
        %swap3A_451 = tpu.vector_load %arg8[%swap3A_449, %swap3A_450] {strides = array<i32>} : memref<512x32xf32, #tpu.memory_space<vmem>>, vector<1x16xf32>,
        %swap3A_452 = vector.shape_cast %swap3A_451 : vector<1x16xf32> to vector<16xf32>
        %swap3A_453 = vector.shape_cast %mul3A_448 : vector<16xf32> to vector<1x16xf32>
        tpu.vector_store %arg8[%swap3A_449, %swap3A_450], %swap3A_453 {strides = array<i32>} : memref<512x32xf32, #tpu.memory_space<vmem>>, vector<1x16xf32>,
        %scan3A_454 = arith.constant 4 : i32
        %scan3A_455 = arith.addi %scan3A_353, %scan3A_454 : i32
        %get3A_456 = arith.index_cast %scan3A_455 : i32 to index
        %get3A_457 = arith.constant 0 : index
        %get3A_458 = tpu.vector_load %arg8[%get3A_456, %get3A_457] {strides = array<i32>} : memref<512x32xf32, #tpu.memory_space<vmem>>, vector<1x16xf32>,
        %get3A_459 = vector.shape_cast %get3A_458 : vector<1x16xf32> to vector<16xf32>
        %mul3A_460 = arith.constant 5.65685415 : f32
        %mul3A_461 = vector.broadcast %mul3A_460 : f32 to vector<16xf32>
        %mul3A_462 = arith.mulf %get3A_459, %mul3A_461 : vector<16xf32>
        %swap3A_463 = arith.index_cast %scan3A_455 : i32 to index
        %swap3A_464 = arith.constant 0 : index
        %swap3A_465 = tpu.vector_load %arg8[%swap3A_463, %swap3A_464] {strides = array<i32>} : memref<512x32xf32, #tpu.memory_space<vmem>>, vector<1x16xf32>,
        %swap3A_466 = vector.shape_cast %swap3A_465 : vector<1x16xf32> to vector<16xf32>
        %swap3A_467 = vector.shape_cast %mul3A_462 : vector<16xf32> to vector<1x16xf32>
        tpu.vector_store %arg8[%swap3A_463, %swap3A_464], %swap3A_467 {strides = array<i32>} : memref<512x32xf32, #tpu.memory_space<vmem>>, vector<1x16xf32>,
        %get3A_468 = arith.index_cast %scan3A_455 : i32 to index
        %get3A_469 = arith.constant 16 : index
        %get3A_470 = tpu.vector_load %arg8[%get3A_468, %get3A_469] {strides = array<i32>} : memref<512x32xf32, #tpu.memory_space<vmem>>, vector<1x16xf32>,
        %get3A_471 = vector.shape_cast %get3A_470 : vector<1x16xf32> to vector<16xf32>
        %mul3A_472 = arith.constant 5.65685415 : f32
        %mul3A_473 = vector.broadcast %mul3A_472 : f32 to vector<16xf32>
        %mul3A_474 = arith.mulf %get3A_471, %mul3A_473 : vector<16xf32>
        %swap3A_475 = arith.index_cast %scan3A_455 : i32 to index
        %swap3A_476 = arith.constant 16 : index
        %swap3A_477 = tpu.vector_load %arg8[%swap3A_475, %swap3A_476] {strides = array<i32>} : memref<512x32xf32, #tpu.memory_space<vmem>>, vector<1x16xf32>,
        %swap3A_478 = vector.shape_cast %swap3A_477 : vector<1x16xf32> to vector<16xf32>
        %swap3A_479 = vector.shape_cast %mul3A_474 : vector<16xf32> to vector<1x16xf32>
        tpu.vector_store %arg8[%swap3A_475, %swap3A_476], %swap3A_479 {strides = array<i32>} : memref<512x32xf32, #tpu.memory_space<vmem>>, vector<1x16xf32>,
        %scan3A_480 = arith.constant 5 : i32
        %scan3A_481 = arith.addi %scan3A_353, %scan3A_480 : i32
        %get3A_482 = arith.index_cast %scan3A_481 : i32 to index
        %get3A_483 = arith.constant 0 : index
        %get3A_484 = tpu.vector_load %arg8[%get3A_482, %get3A_483] {strides = array<i32>} : memref<512x32xf32, #tpu.memory_space<vmem>>, vector<1x16xf32>,
        %get3A_485 = vector.shape_cast %get3A_484 : vector<1x16xf32> to vector<16xf32>
        %mul3A_486 = arith.constant 5.65685415 : f32
        %mul3A_487 = vector.broadcast %mul3A_486 : f32 to vector<16xf32>
        %mul3A_488 = arith.mulf %get3A_485, %mul3A_487 : vector<16xf32>
        %swap3A_489 = arith.index_cast %scan3A_481 : i32 to index
        %swap3A_490 = arith.constant 0 : index
        %swap3A_491 = tpu.vector_load %arg8[%swap3A_489, %swap3A_490] {strides = array<i32>} : memref<512x32xf32, #tpu.memory_space<vmem>>, vector<1x16xf32>,
        %swap3A_492 = vector.shape_cast %swap3A_491 : vector<1x16xf32> to vector<16xf32>
        %swap3A_493 = vector.shape_cast %mul3A_488 : vector<16xf32> to vector<1x16xf32>
        tpu.vector_store %arg8[%swap3A_489, %swap3A_490], %swap3A_493 {strides = array<i32>} : memref<512x32xf32, #tpu.memory_space<vmem>>, vector<1x16xf32>,
        %get3A_494 = arith.index_cast %scan3A_481 : i32 to index
        %get3A_495 = arith.constant 16 : index
        %get3A_496 = tpu.vector_load %arg8[%get3A_494, %get3A_495] {strides = array<i32>} : memref<512x32xf32, #tpu.memory_space<vmem>>, vector<1x16xf32>,
        %get3A_497 = vector.shape_cast %get3A_496 : vector<1x16xf32> to vector<16xf32>
        %mul3A_498 = arith.constant 5.65685415 : f32
        %mul3A_499 = vector.broadcast %mul3A_498 : f32 to vector<16xf32>
        %mul3A_500 = arith.mulf %get3A_497, %mul3A_499 : vector<16xf32>
        %swap3A_501 = arith.index_cast %scan3A_481 : i32 to index
        %swap3A_502 = arith.constant 16 : index
        %swap3A_503 = tpu.vector_load %arg8[%swap3A_501, %swap3A_502] {strides = array<i32>} : memref<512x32xf32, #tpu.memory_space<vmem>>, vector<1x16xf32>,
        %swap3A_504 = vector.shape_cast %swap3A_503 : vector<1x16xf32> to vector<16xf32>
        %swap3A_505 = vector.shape_cast %mul3A_500 : vector<16xf32> to vector<1x16xf32>
        tpu.vector_store %arg8[%swap3A_501, %swap3A_502], %swap3A_505 {strides = array<i32>} : memref<512x32xf32, #tpu.memory_space<vmem>>, vector<1x16xf32>,
        %scan3A_506 = arith.constant 6 : i32
        %scan3A_507 = arith.addi %scan3A_353, %scan3A_506 : i32
        %get3A_508 = arith.index_cast %scan3A_507 : i32 to index
        %get3A_509 = arith.constant 0 : index
        %get3A_510 = tpu.vector_load %arg8[%get3A_508, %get3A_509] {strides = array<i32>} : memref<512x32xf32, #tpu.memory_space<vmem>>, vector<1x16xf32>,
        %get3A_511 = vector.shape_cast %get3A_510 : vector<1x16xf32> to vector<16xf32>
        %mul3A_512 = arith.constant 5.65685415 : f32
        %mul3A_513 = vector.broadcast %mul3A_512 : f32 to vector<16xf32>
        %mul3A_514 = arith.mulf %get3A_511, %mul3A_513 : vector<16xf32>
        %swap3A_515 = arith.index_cast %scan3A_507 : i32 to index
        %swap3A_516 = arith.constant 0 : index
        %swap3A_517 = tpu.vector_load %arg8[%swap3A_515, %swap3A_516] {strides = array<i32>} : memref<512x32xf32, #tpu.memory_space<vmem>>, vector<1x16xf32>,
        %swap3A_518 = vector.shape_cast %swap3A_517 : vector<1x16xf32> to vector<16xf32>
        %swap3A_519 = vector.shape_cast %mul3A_514 : vector<16xf32> to vector<1x16xf32>
        tpu.vector_store %arg8[%swap3A_515, %swap3A_516], %swap3A_519 {strides = array<i32>} : memref<512x32xf32, #tpu.memory_space<vmem>>, vector<1x16xf32>,
        %get3A_520 = arith.index_cast %scan3A_507 : i32 to index
        %get3A_521 = arith.constant 16 : index
        %get3A_522 = tpu.vector_load %arg8[%get3A_520, %get3A_521] {strides = array<i32>} : memref<512x32xf32, #tpu.memory_space<vmem>>, vector<1x16xf32>,
        %get3A_523 = vector.shape_cast %get3A_522 : vector<1x16xf32> to vector<16xf32>
        %mul3A_524 = arith.constant 5.65685415 : f32
        %mul3A_525 = vector.broadcast %mul3A_524 : f32 to vector<16xf32>
        %mul3A_526 = arith.mulf %get3A_523, %mul3A_525 : vector<16xf32>
        %swap3A_527 = arith.index_cast %scan3A_507 : i32 to index
        %swap3A_528 = arith.constant 16 : index
        %swap3A_529 = tpu.vector_load %arg8[%swap3A_527, %swap3A_528] {strides = array<i32>} : memref<512x32xf32, #tpu.memory_space<vmem>>, vector<1x16xf32>,
        %swap3A_530 = vector.shape_cast %swap3A_529 : vector<1x16xf32> to vector<16xf32>
        %swap3A_531 = vector.shape_cast %mul3A_526 : vector<16xf32> to vector<1x16xf32>
        tpu.vector_store %arg8[%swap3A_527, %swap3A_528], %swap3A_531 {strides = array<i32>} : memref<512x32xf32, #tpu.memory_space<vmem>>, vector<1x16xf32>,
        %scan3A_532 = arith.constant 7 : i32
        %scan3A_533 = arith.addi %scan3A_353, %scan3A_532 : i32
        %get3A_534 = arith.index_cast %scan3A_533 : i32 to index
        %get3A_535 = arith.constant 0 : index
        %get3A_536 = tpu.vector_load %arg8[%get3A_534, %get3A_535] {strides = array<i32>} : memref<512x32xf32, #tpu.memory_space<vmem>>, vector<1x16xf32>,
        %get3A_537 = vector.shape_cast %get3A_536 : vector<1x16xf32> to vector<16xf32>
        %mul3A_538 = arith.constant 5.65685415 : f32
        %mul3A_539 = vector.broadcast %mul3A_538 : f32 to vector<16xf32>
        %mul3A_540 = arith.mulf %get3A_537, %mul3A_539 : vector<16xf32>
        %swap3A_541 = arith.index_cast %scan3A_533 : i32 to index
        %swap3A_542 = arith.constant 0 : index
        %swap3A_543 = tpu.vector_load %arg8[%swap3A_541, %swap3A_542] {strides = array<i32>} : memref<512x32xf32, #tpu.memory_space<vmem>>, vector<1x16xf32>,
        %swap3A_544 = vector.shape_cast %swap3A_543 : vector<1x16xf32> to vector<16xf32>
        %swap3A_545 = vector.shape_cast %mul3A_540 : vector<16xf32> to vector<1x16xf32>
        tpu.vector_store %arg8[%swap3A_541, %swap3A_542], %swap3A_545 {strides = array<i32>} : memref<512x32xf32, #tpu.memory_space<vmem>>, vector<1x16xf32>,
        %get3A_546 = arith.index_cast %scan3A_533 : i32 to index
        %get3A_547 = arith.constant 16 : index
        %get3A_548 = tpu.vector_load %arg8[%get3A_546, %get3A_547] {strides = array<i32>} : memref<512x32xf32, #tpu.memory_space<vmem>>, vector<1x16xf32>,
        %get3A_549 = vector.shape_cast %get3A_548 : vector<1x16xf32> to vector<16xf32>
        %mul3A_550 = arith.constant 5.65685415 : f32
        %mul3A_551 = vector.broadcast %mul3A_550 : f32 to vector<16xf32>
        %mul3A_552 = arith.mulf %get3A_549, %mul3A_551 : vector<16xf32>
        %swap3A_553 = arith.index_cast %scan3A_533 : i32 to index
        %swap3A_554 = arith.constant 16 : index
        %swap3A_555 = tpu.vector_load %arg8[%swap3A_553, %swap3A_554] {strides = array<i32>} : memref<512x32xf32, #tpu.memory_space<vmem>>, vector<1x16xf32>,
        %swap3A_556 = vector.shape_cast %swap3A_555 : vector<1x16xf32> to vector<16xf32>
        %swap3A_557 = vector.shape_cast %mul3A_552 : vector<16xf32> to vector<1x16xf32>
        tpu.vector_store %arg8[%swap3A_553, %swap3A_554], %swap3A_557 {strides = array<i32>} : memref<512x32xf32, #tpu.memory_space<vmem>>, vector<1x16xf32>,
      }
      %scan3A_257 = arith.constant 512 : i32
      %mul3A_258 = arith.constant 512 : i32
      %mul3A_259 = arith.muli %add3A_245, %mul3A_258 : i32
      %add3A_260 = arith.addi %mul3A_2, %mul3A_259 : i32
      %dma_start3A_261 = arith.constant 0 : i32
      %dma_start3A_262 = tpu.memref_slice %arg4[%add3A_260, %dma_start3A_261] : memref<819200x128xf32, #tpu.memory_space<hbm>> -> memref<512x32xf32, #tpu.memory_space<hbm>>
      %dma_start3A_263 = arith.constant 0 : i32
      %dma_start3A_264 = tpu.memref_slice %arg4[%add3A_260, %dma_start3A_263] : memref<819200x128xf32, #tpu.memory_space<hbm>> -> memref<512x32xf32, #tpu.memory_space<hbm>>
      tpu.enqueue_dma source(%arg8 : memref<512x32xf32, #tpu.memory_space<vmem>>) target(%dma_start3A_264 : memref<512x32xf32, #tpu.memory_space<hbm>>) target_semaphore(%arg18 : memref<!tpu.dma_semaphore, #tpu.memory_space<semaphore_mem>>)
      %ge3A_265 = arith.constant 1 : i32
      %ge3A_266 = arith.cmpi sge, %add3A_245, %ge3A_265 : i32
      %convert_element_type3A_267 = arith.extui %ge3A_266 : i1 to i32
      %cond3A_268 = arith.constant 0 : i32
      %cond3A_269 = arith.cmpi ne, %convert_element_type3A_267, %cond3A_268 : i32
      scf.if %cond3A_269 {
        %dma_wait3A_353 = arith.constant 0 : i32
        %dma_wait3A_354 = arith.constant 0 : i32
        %dma_wait3A_355 = tpu.memref_slice %arg4[%dma_wait3A_353, %dma_wait3A_354] : memref<819200x128xf32, #tpu.memory_space<hbm>> -> memref<512x32xf32, #tpu.memory_space<hbm>>
        %dma_wait3A_356 = arith.constant 0 : i32
        %dma_wait3A_357 = arith.constant 0 : i32
        %dma_wait3A_358 = tpu.memref_slice %arg4[%dma_wait3A_356, %dma_wait3A_357] : memref<819200x128xf32, #tpu.memory_space<hbm>> -> memref<512x32xf32, #tpu.memory_space<hbm>>
        tpu.wait_dma2 semaphore(%arg17 : memref<!tpu.dma_semaphore, #tpu.memory_space<semaphore_mem>>) src(%dma_wait3A_358 : memref<512x32xf32, #tpu.memory_space<hbm>>) dst(%arg7 : memref<512x32xf32, #tpu.memory_space<vmem>>)
      } else {
      }
      %add3A_270 = arith.constant 5 : i32
      %add3A_271 = arith.addi %add3A_245, %add3A_270 : i32
      %sub3A_272 = arith.constant 1 : i32
      %sub3A_273 = arith.subi %add3A_271, %sub3A_272 : i32
      %lt3A_274 = arith.constant 50 : i32
      %lt3A_275 = arith.cmpi slt, %sub3A_273, %lt3A_274 : i32
      %convert_element_type3A_276 = arith.extui %lt3A_275 : i1 to i32
      %cond3A_277 = arith.constant 0 : i32
      %cond3A_278 = arith.cmpi ne, %convert_element_type3A_276, %cond3A_277 : i32
      scf.if %cond3A_278 {
        %add3A_353 = arith.constant 5 : i32
        %add3A_354 = arith.addi %add3A_245, %add3A_353 : i32
        %sub3A_355 = arith.constant 1 : i32
        %sub3A_356 = arith.subi %add3A_354, %sub3A_355 : i32
        %mul3A_357 = arith.constant 4 : i32
        %mul3A_358 = arith.muli %sub3A_356, %mul3A_357 : i32
        %add3A_359 = arith.constant 0 : i32
        %add3A_360 = arith.addi %mul3A_358, %add3A_359 : i32
        %dma_start3A_361 = arith.constant 0 : i32
        %dma_start3A_362 = arith.constant 0 : i32
        %dma_start3A_363 = tpu.memref_slice %arg7[%dma_start3A_361, %dma_start3A_362] : memref<512x32xf32, #tpu.memory_space<vmem>> -> memref<128x32xf32, #tpu.memory_space<vmem>>
        %dma_start3A_364 = arith.constant 0 : i32
        %dma_start3A_365 = tpu.memref_slice %arg5[%add3A_360, %dma_start3A_364] : memref<200x128xi32, #tpu.memory_space<vmem>> -> memref<1x128xi32, #tpu.memory_space<vmem>>
        %dma_start3A_366 = tpu.memref_squeeze %dma_start3A_365 : memref<1x128xi32, #tpu.memory_space<vmem>> -> memref<128xi32, #tpu.memory_space<vmem>>
        %dma_start3A_367 = arith.constant 0 : i32
        %dma_start3A_368 = arith.constant 0 : i32
        %dma_start3A_369 = tpu.memref_slice %arg3[%dma_start3A_367, %dma_start3A_368] : memref<1000000x32xf32, #tpu.memory_space<hbm>> -> memref<1000000x32xf32, #tpu.memory_space<hbm>>
        tpu.enqueue_indirect_dma source(%dma_start3A_369 : memref<1000000x32xf32, #tpu.memory_space<hbm>>) target(%dma_start3A_363 : memref<128x32xf32, #tpu.memory_space<vmem>>) offsets(%dma_start3A_366 : memref<128xi32, #tpu.memory_space<vmem>>) semaphore(%arg12 : memref<!tpu.dma_semaphore, #tpu.memory_space<semaphore_mem>>)
        %mul3A_370 = arith.constant 4 : i32
        %mul3A_371 = arith.muli %sub3A_356, %mul3A_370 : i32
        %add3A_372 = arith.constant 1 : i32
        %add3A_373 = arith.addi %mul3A_371, %add3A_372 : i32
        %dma_start3A_374 = arith.constant 128 : i32
        %dma_start3A_375 = arith.constant 0 : i32
        %dma_start3A_376 = tpu.memref_slice %arg7[%dma_start3A_374, %dma_start3A_375] : memref<512x32xf32, #tpu.memory_space<vmem>> -> memref<128x32xf32, #tpu.memory_space<vmem>>
        %dma_start3A_377 = arith.constant 0 : i32
        %dma_start3A_378 = tpu.memref_slice %arg5[%add3A_373, %dma_start3A_377] : memref<200x128xi32, #tpu.memory_space<vmem>> -> memref<1x128xi32, #tpu.memory_space<vmem>>
        %dma_start3A_379 = tpu.memref_squeeze %dma_start3A_378 : memref<1x128xi32, #tpu.memory_space<vmem>> -> memref<128xi32, #tpu.memory_space<vmem>>
        %dma_start3A_380 = arith.constant 0 : i32
        %dma_start3A_381 = arith.constant 0 : i32
        %dma_start3A_382 = tpu.memref_slice %arg3[%dma_start3A_380, %dma_start3A_381] : memref<1000000x32xf32, #tpu.memory_space<hbm>> -> memref<1000000x32xf32, #tpu.memory_space<hbm>>
        tpu.enqueue_indirect_dma source(%dma_start3A_382 : memref<1000000x32xf32, #tpu.memory_space<hbm>>) target(%dma_start3A_376 : memref<128x32xf32, #tpu.memory_space<vmem>>) offsets(%dma_start3A_379 : memref<128xi32, #tpu.memory_space<vmem>>) semaphore(%arg12 : memref<!tpu.dma_semaphore, #tpu.memory_space<semaphore_mem>>)
        %mul3A_383 = arith.constant 4 : i32
        %mul3A_384 = arith.muli %sub3A_356, %mul3A_383 : i32
        %add3A_385 = arith.constant 2 : i32
        %add3A_386 = arith.addi %mul3A_384, %add3A_385 : i32
        %dma_start3A_387 = arith.constant 256 : i32
        %dma_start3A_388 = arith.constant 0 : i32
        %dma_start3A_389 = tpu.memref_slice %arg7[%dma_start3A_387, %dma_start3A_388] : memref<512x32xf32, #tpu.memory_space<vmem>> -> memref<128x32xf32, #tpu.memory_space<vmem>>
        %dma_start3A_390 = arith.constant 0 : i32
        %dma_start3A_391 = tpu.memref_slice %arg5[%add3A_386, %dma_start3A_390] : memref<200x128xi32, #tpu.memory_space<vmem>> -> memref<1x128xi32, #tpu.memory_space<vmem>>
        %dma_start3A_392 = tpu.memref_squeeze %dma_start3A_391 : memref<1x128xi32, #tpu.memory_space<vmem>> -> memref<128xi32, #tpu.memory_space<vmem>>
        %dma_start3A_393 = arith.constant 0 : i32
        %dma_start3A_394 = arith.constant 0 : i32
        %dma_start3A_395 = tpu.memref_slice %arg3[%dma_start3A_393, %dma_start3A_394] : memref<1000000x32xf32, #tpu.memory_space<hbm>> -> memref<1000000x32xf32, #tpu.memory_space<hbm>>
        tpu.enqueue_indirect_dma source(%dma_start3A_395 : memref<1000000x32xf32, #tpu.memory_space<hbm>>) target(%dma_start3A_389 : memref<128x32xf32, #tpu.memory_space<vmem>>) offsets(%dma_start3A_392 : memref<128xi32, #tpu.memory_space<vmem>>) semaphore(%arg12 : memref<!tpu.dma_semaphore, #tpu.memory_space<semaphore_mem>>)
        %mul3A_396 = arith.constant 4 : i32
        %mul3A_397 = arith.muli %sub3A_356, %mul3A_396 : i32
        %add3A_398 = arith.constant 3 : i32
        %add3A_399 = arith.addi %mul3A_397, %add3A_398 : i32
        %dma_start3A_400 = arith.constant 384 : i32
        %dma_start3A_401 = arith.constant 0 : i32
        %dma_start3A_402 = tpu.memref_slice %arg7[%dma_start3A_400, %dma_start3A_401] : memref<512x32xf32, #tpu.memory_space<vmem>> -> memref<128x32xf32, #tpu.memory_space<vmem>>
        %dma_start3A_403 = arith.constant 0 : i32
        %dma_start3A_404 = tpu.memref_slice %arg5[%add3A_399, %dma_start3A_403] : memref<200x128xi32, #tpu.memory_space<vmem>> -> memref<1x128xi32, #tpu.memory_space<vmem>>
        %dma_start3A_405 = tpu.memref_squeeze %dma_start3A_404 : memref<1x128xi32, #tpu.memory_space<vmem>> -> memref<128xi32, #tpu.memory_space<vmem>>
        %dma_start3A_406 = arith.constant 0 : i32
        %dma_start3A_407 = arith.constant 0 : i32
        %dma_start3A_408 = tpu.memref_slice %arg3[%dma_start3A_406, %dma_start3A_407] : memref<1000000x32xf32, #tpu.memory_space<hbm>> -> memref<1000000x32xf32, #tpu.memory_space<hbm>>
        tpu.enqueue_indirect_dma source(%dma_start3A_408 : memref<1000000x32xf32, #tpu.memory_space<hbm>>) target(%dma_start3A_402 : memref<128x32xf32, #tpu.memory_space<vmem>>) offsets(%dma_start3A_405 : memref<128xi32, #tpu.memory_space<vmem>>) semaphore(%arg12 : memref<!tpu.dma_semaphore, #tpu.memory_space<semaphore_mem>>)
      } else {
      }
      %mul3A_279 = arith.constant 5 : i32
      %mul3A_280 = arith.muli %scan3A_172, %mul3A_279 : i32
      %add3A_281 = arith.constant 3 : i32
      %add3A_282 = arith.addi %mul3A_280, %add3A_281 : i32
      %dma_wait3A_283 = arith.constant 0 : i32
      %dma_wait3A_284 = arith.constant 0 : i32
      %dma_wait3A_285 = tpu.memref_slice %arg4[%dma_wait3A_283, %dma_wait3A_284] : memref<819200x128xf32, #tpu.memory_space<hbm>> -> memref<512x32xf32, #tpu.memory_space<hbm>>
      %dma_wait3A_286 = arith.constant 0 : i32
      %dma_wait3A_287 = arith.constant 0 : i32
      %dma_wait3A_288 = tpu.memref_slice %arg4[%dma_wait3A_286, %dma_wait3A_287] : memref<819200x128xf32, #tpu.memory_space<hbm>> -> memref<512x32xf32, #tpu.memory_space<hbm>>
      tpu.wait_dma2 semaphore(%arg14 : memref<!tpu.dma_semaphore, #tpu.memory_space<semaphore_mem>>) src(%dma_wait3A_288 : memref<512x32xf32, #tpu.memory_space<hbm>>) dst(%arg9 : memref<512x32xf32, #tpu.memory_space<vmem>>)
      %scan3A_289 = arith.constant 0 : i32
      %scan3A_290 = arith.constant 0 : i32
      %scan3A_291 = arith.constant 512 : i32
      %scan3A_292 = arith.addi %scan3A_290, %scan3A_291 : i32
      %scan3A_293 = arith.constant 8 : i32
      scf.for %scan3A_353 = %scan3A_290 to %scan3A_292 step %scan3A_293  : i32 {
        %get3A = arith.index_cast %scan3A_353 : i32 to index
        %get3A_354 = arith.constant 0 : index
        %get3A_355 = tpu.vector_load %arg9[%get3A, %get3A_354] {strides = array<i32>} : memref<512x32xf32, #tpu.memory_space<vmem>>, vector<1x16xf32>,
        %get3A_356 = vector.shape_cast %get3A_355 : vector<1x16xf32> to vector<16xf32>
        %mul3A_357 = arith.constant 5.65685415 : f32
        %mul3A_358 = vector.broadcast %mul3A_357 : f32 to vector<16xf32>
        %mul3A_359 = arith.mulf %get3A_356, %mul3A_358 : vector<16xf32>
        %swap3A = arith.index_cast %scan3A_353 : i32 to index
        %swap3A_360 = arith.constant 0 : index
        %swap3A_361 = tpu.vector_load %arg9[%swap3A, %swap3A_360] {strides = array<i32>} : memref<512x32xf32, #tpu.memory_space<vmem>>, vector<1x16xf32>,
        %swap3A_362 = vector.shape_cast %swap3A_361 : vector<1x16xf32> to vector<16xf32>
        %swap3A_363 = vector.shape_cast %mul3A_359 : vector<16xf32> to vector<1x16xf32>
        tpu.vector_store %arg9[%swap3A, %swap3A_360], %swap3A_363 {strides = array<i32>} : memref<512x32xf32, #tpu.memory_space<vmem>>, vector<1x16xf32>,
        %get3A_364 = arith.index_cast %scan3A_353 : i32 to index
        %get3A_365 = arith.constant 16 : index
        %get3A_366 = tpu.vector_load %arg9[%get3A_364, %get3A_365] {strides = array<i32>} : memref<512x32xf32, #tpu.memory_space<vmem>>, vector<1x16xf32>,
        %get3A_367 = vector.shape_cast %get3A_366 : vector<1x16xf32> to vector<16xf32>
        %mul3A_368 = arith.constant 5.65685415 : f32
        %mul3A_369 = vector.broadcast %mul3A_368 : f32 to vector<16xf32>
        %mul3A_370 = arith.mulf %get3A_367, %mul3A_369 : vector<16xf32>
        %swap3A_371 = arith.index_cast %scan3A_353 : i32 to index
        %swap3A_372 = arith.constant 16 : index
        %swap3A_373 = tpu.vector_load %arg9[%swap3A_371, %swap3A_372] {strides = array<i32>} : memref<512x32xf32, #tpu.memory_space<vmem>>, vector<1x16xf32>,
        %swap3A_374 = vector.shape_cast %swap3A_373 : vector<1x16xf32> to vector<16xf32>
        %swap3A_375 = vector.shape_cast %mul3A_370 : vector<16xf32> to vector<1x16xf32>
        tpu.vector_store %arg9[%swap3A_371, %swap3A_372], %swap3A_375 {strides = array<i32>} : memref<512x32xf32, #tpu.memory_space<vmem>>, vector<1x16xf32>,
        %scan3A_376 = arith.constant 1 : i32
        %scan3A_377 = arith.addi %scan3A_353, %scan3A_376 : i32
        %get3A_378 = arith.index_cast %scan3A_377 : i32 to index
        %get3A_379 = arith.constant 0 : index
        %get3A_380 = tpu.vector_load %arg9[%get3A_378, %get3A_379] {strides = array<i32>} : memref<512x32xf32, #tpu.memory_space<vmem>>, vector<1x16xf32>,
        %get3A_381 = vector.shape_cast %get3A_380 : vector<1x16xf32> to vector<16xf32>
        %mul3A_382 = arith.constant 5.65685415 : f32
        %mul3A_383 = vector.broadcast %mul3A_382 : f32 to vector<16xf32>
        %mul3A_384 = arith.mulf %get3A_381, %mul3A_383 : vector<16xf32>
        %swap3A_385 = arith.index_cast %scan3A_377 : i32 to index
        %swap3A_386 = arith.constant 0 : index
        %swap3A_387 = tpu.vector_load %arg9[%swap3A_385, %swap3A_386] {strides = array<i32>} : memref<512x32xf32, #tpu.memory_space<vmem>>, vector<1x16xf32>,
        %swap3A_388 = vector.shape_cast %swap3A_387 : vector<1x16xf32> to vector<16xf32>
        %swap3A_389 = vector.shape_cast %mul3A_384 : vector<16xf32> to vector<1x16xf32>
        tpu.vector_store %arg9[%swap3A_385, %swap3A_386], %swap3A_389 {strides = array<i32>} : memref<512x32xf32, #tpu.memory_space<vmem>>, vector<1x16xf32>,
        %get3A_390 = arith.index_cast %scan3A_377 : i32 to index
        %get3A_391 = arith.constant 16 : index
        %get3A_392 = tpu.vector_load %arg9[%get3A_390, %get3A_391] {strides = array<i32>} : memref<512x32xf32, #tpu.memory_space<vmem>>, vector<1x16xf32>,
        %get3A_393 = vector.shape_cast %get3A_392 : vector<1x16xf32> to vector<16xf32>
        %mul3A_394 = arith.constant 5.65685415 : f32
        %mul3A_395 = vector.broadcast %mul3A_394 : f32 to vector<16xf32>
        %mul3A_396 = arith.mulf %get3A_393, %mul3A_395 : vector<16xf32>
        %swap3A_397 = arith.index_cast %scan3A_377 : i32 to index
        %swap3A_398 = arith.constant 16 : index
        %swap3A_399 = tpu.vector_load %arg9[%swap3A_397, %swap3A_398] {strides = array<i32>} : memref<512x32xf32, #tpu.memory_space<vmem>>, vector<1x16xf32>,
        %swap3A_400 = vector.shape_cast %swap3A_399 : vector<1x16xf32> to vector<16xf32>
        %swap3A_401 = vector.shape_cast %mul3A_396 : vector<16xf32> to vector<1x16xf32>
        tpu.vector_store %arg9[%swap3A_397, %swap3A_398], %swap3A_401 {strides = array<i32>} : memref<512x32xf32, #tpu.memory_space<vmem>>, vector<1x16xf32>,
        %scan3A_402 = arith.constant 2 : i32
        %scan3A_403 = arith.addi %scan3A_353, %scan3A_402 : i32
        %get3A_404 = arith.index_cast %scan3A_403 : i32 to index
        %get3A_405 = arith.constant 0 : index
        %get3A_406 = tpu.vector_load %arg9[%get3A_404, %get3A_405] {strides = array<i32>} : memref<512x32xf32, #tpu.memory_space<vmem>>, vector<1x16xf32>,
        %get3A_407 = vector.shape_cast %get3A_406 : vector<1x16xf32> to vector<16xf32>
        %mul3A_408 = arith.constant 5.65685415 : f32
        %mul3A_409 = vector.broadcast %mul3A_408 : f32 to vector<16xf32>
        %mul3A_410 = arith.mulf %get3A_407, %mul3A_409 : vector<16xf32>
        %swap3A_411 = arith.index_cast %scan3A_403 : i32 to index
        %swap3A_412 = arith.constant 0 : index
        %swap3A_413 = tpu.vector_load %arg9[%swap3A_411, %swap3A_412] {strides = array<i32>} : memref<512x32xf32, #tpu.memory_space<vmem>>, vector<1x16xf32>,
        %swap3A_414 = vector.shape_cast %swap3A_413 : vector<1x16xf32> to vector<16xf32>
        %swap3A_415 = vector.shape_cast %mul3A_410 : vector<16xf32> to vector<1x16xf32>
        tpu.vector_store %arg9[%swap3A_411, %swap3A_412], %swap3A_415 {strides = array<i32>} : memref<512x32xf32, #tpu.memory_space<vmem>>, vector<1x16xf32>,
        %get3A_416 = arith.index_cast %scan3A_403 : i32 to index
        %get3A_417 = arith.constant 16 : index
        %get3A_418 = tpu.vector_load %arg9[%get3A_416, %get3A_417] {strides = array<i32>} : memref<512x32xf32, #tpu.memory_space<vmem>>, vector<1x16xf32>,
        %get3A_419 = vector.shape_cast %get3A_418 : vector<1x16xf32> to vector<16xf32>
        %mul3A_420 = arith.constant 5.65685415 : f32
        %mul3A_421 = vector.broadcast %mul3A_420 : f32 to vector<16xf32>
        %mul3A_422 = arith.mulf %get3A_419, %mul3A_421 : vector<16xf32>
        %swap3A_423 = arith.index_cast %scan3A_403 : i32 to index
        %swap3A_424 = arith.constant 16 : index
        %swap3A_425 = tpu.vector_load %arg9[%swap3A_423, %swap3A_424] {strides = array<i32>} : memref<512x32xf32, #tpu.memory_space<vmem>>, vector<1x16xf32>,
        %swap3A_426 = vector.shape_cast %swap3A_425 : vector<1x16xf32> to vector<16xf32>
        %swap3A_427 = vector.shape_cast %mul3A_422 : vector<16xf32> to vector<1x16xf32>
        tpu.vector_store %arg9[%swap3A_423, %swap3A_424], %swap3A_427 {strides = array<i32>} : memref<512x32xf32, #tpu.memory_space<vmem>>, vector<1x16xf32>,
        %scan3A_428 = arith.constant 3 : i32
        %scan3A_429 = arith.addi %scan3A_353, %scan3A_428 : i32
        %get3A_430 = arith.index_cast %scan3A_429 : i32 to index
        %get3A_431 = arith.constant 0 : index
        %get3A_432 = tpu.vector_load %arg9[%get3A_430, %get3A_431] {strides = array<i32>} : memref<512x32xf32, #tpu.memory_space<vmem>>, vector<1x16xf32>,
        %get3A_433 = vector.shape_cast %get3A_432 : vector<1x16xf32> to vector<16xf32>
        %mul3A_434 = arith.constant 5.65685415 : f32
        %mul3A_435 = vector.broadcast %mul3A_434 : f32 to vector<16xf32>
        %mul3A_436 = arith.mulf %get3A_433, %mul3A_435 : vector<16xf32>
        %swap3A_437 = arith.index_cast %scan3A_429 : i32 to index
        %swap3A_438 = arith.constant 0 : index
        %swap3A_439 = tpu.vector_load %arg9[%swap3A_437, %swap3A_438] {strides = array<i32>} : memref<512x32xf32, #tpu.memory_space<vmem>>, vector<1x16xf32>,
        %swap3A_440 = vector.shape_cast %swap3A_439 : vector<1x16xf32> to vector<16xf32>
        %swap3A_441 = vector.shape_cast %mul3A_436 : vector<16xf32> to vector<1x16xf32>
        tpu.vector_store %arg9[%swap3A_437, %swap3A_438], %swap3A_441 {strides = array<i32>} : memref<512x32xf32, #tpu.memory_space<vmem>>, vector<1x16xf32>,
        %get3A_442 = arith.index_cast %scan3A_429 : i32 to index
        %get3A_443 = arith.constant 16 : index
        %get3A_444 = tpu.vector_load %arg9[%get3A_442, %get3A_443] {strides = array<i32>} : memref<512x32xf32, #tpu.memory_space<vmem>>, vector<1x16xf32>,
        %get3A_445 = vector.shape_cast %get3A_444 : vector<1x16xf32> to vector<16xf32>
        %mul3A_446 = arith.constant 5.65685415 : f32
        %mul3A_447 = vector.broadcast %mul3A_446 : f32 to vector<16xf32>
        %mul3A_448 = arith.mulf %get3A_445, %mul3A_447 : vector<16xf32>
        %swap3A_449 = arith.index_cast %scan3A_429 : i32 to index
        %swap3A_450 = arith.constant 16 : index
        %swap3A_451 = tpu.vector_load %arg9[%swap3A_449, %swap3A_450] {strides = array<i32>} : memref<512x32xf32, #tpu.memory_space<vmem>>, vector<1x16xf32>,
        %swap3A_452 = vector.shape_cast %swap3A_451 : vector<1x16xf32> to vector<16xf32>
        %swap3A_453 = vector.shape_cast %mul3A_448 : vector<16xf32> to vector<1x16xf32>
        tpu.vector_store %arg9[%swap3A_449, %swap3A_450], %swap3A_453 {strides = array<i32>} : memref<512x32xf32, #tpu.memory_space<vmem>>, vector<1x16xf32>,
        %scan3A_454 = arith.constant 4 : i32
        %scan3A_455 = arith.addi %scan3A_353, %scan3A_454 : i32
        %get3A_456 = arith.index_cast %scan3A_455 : i32 to index
        %get3A_457 = arith.constant 0 : index
        %get3A_458 = tpu.vector_load %arg9[%get3A_456, %get3A_457] {strides = array<i32>} : memref<512x32xf32, #tpu.memory_space<vmem>>, vector<1x16xf32>,
        %get3A_459 = vector.shape_cast %get3A_458 : vector<1x16xf32> to vector<16xf32>
        %mul3A_460 = arith.constant 5.65685415 : f32
        %mul3A_461 = vector.broadcast %mul3A_460 : f32 to vector<16xf32>
        %mul3A_462 = arith.mulf %get3A_459, %mul3A_461 : vector<16xf32>
        %swap3A_463 = arith.index_cast %scan3A_455 : i32 to index
        %swap3A_464 = arith.constant 0 : index
        %swap3A_465 = tpu.vector_load %arg9[%swap3A_463, %swap3A_464] {strides = array<i32>} : memref<512x32xf32, #tpu.memory_space<vmem>>, vector<1x16xf32>,
        %swap3A_466 = vector.shape_cast %swap3A_465 : vector<1x16xf32> to vector<16xf32>
        %swap3A_467 = vector.shape_cast %mul3A_462 : vector<16xf32> to vector<1x16xf32>
        tpu.vector_store %arg9[%swap3A_463, %swap3A_464], %swap3A_467 {strides = array<i32>} : memref<512x32xf32, #tpu.memory_space<vmem>>, vector<1x16xf32>,
        %get3A_468 = arith.index_cast %scan3A_455 : i32 to index
        %get3A_469 = arith.constant 16 : index
        %get3A_470 = tpu.vector_load %arg9[%get3A_468, %get3A_469] {strides = array<i32>} : memref<512x32xf32, #tpu.memory_space<vmem>>, vector<1x16xf32>,
        %get3A_471 = vector.shape_cast %get3A_470 : vector<1x16xf32> to vector<16xf32>
        %mul3A_472 = arith.constant 5.65685415 : f32
        %mul3A_473 = vector.broadcast %mul3A_472 : f32 to vector<16xf32>
        %mul3A_474 = arith.mulf %get3A_471, %mul3A_473 : vector<16xf32>
        %swap3A_475 = arith.index_cast %scan3A_455 : i32 to index
        %swap3A_476 = arith.constant 16 : index
        %swap3A_477 = tpu.vector_load %arg9[%swap3A_475, %swap3A_476] {strides = array<i32>} : memref<512x32xf32, #tpu.memory_space<vmem>>, vector<1x16xf32>,
        %swap3A_478 = vector.shape_cast %swap3A_477 : vector<1x16xf32> to vector<16xf32>
        %swap3A_479 = vector.shape_cast %mul3A_474 : vector<16xf32> to vector<1x16xf32>
        tpu.vector_store %arg9[%swap3A_475, %swap3A_476], %swap3A_479 {strides = array<i32>} : memref<512x32xf32, #tpu.memory_space<vmem>>, vector<1x16xf32>,
        %scan3A_480 = arith.constant 5 : i32
        %scan3A_481 = arith.addi %scan3A_353, %scan3A_480 : i32
        %get3A_482 = arith.index_cast %scan3A_481 : i32 to index
        %get3A_483 = arith.constant 0 : index
        %get3A_484 = tpu.vector_load %arg9[%get3A_482, %get3A_483] {strides = array<i32>} : memref<512x32xf32, #tpu.memory_space<vmem>>, vector<1x16xf32>,
        %get3A_485 = vector.shape_cast %get3A_484 : vector<1x16xf32> to vector<16xf32>
        %mul3A_486 = arith.constant 5.65685415 : f32
        %mul3A_487 = vector.broadcast %mul3A_486 : f32 to vector<16xf32>
        %mul3A_488 = arith.mulf %get3A_485, %mul3A_487 : vector<16xf32>
        %swap3A_489 = arith.index_cast %scan3A_481 : i32 to index
        %swap3A_490 = arith.constant 0 : index
        %swap3A_491 = tpu.vector_load %arg9[%swap3A_489, %swap3A_490] {strides = array<i32>} : memref<512x32xf32, #tpu.memory_space<vmem>>, vector<1x16xf32>,
        %swap3A_492 = vector.shape_cast %swap3A_491 : vector<1x16xf32> to vector<16xf32>
        %swap3A_493 = vector.shape_cast %mul3A_488 : vector<16xf32> to vector<1x16xf32>
        tpu.vector_store %arg9[%swap3A_489, %swap3A_490], %swap3A_493 {strides = array<i32>} : memref<512x32xf32, #tpu.memory_space<vmem>>, vector<1x16xf32>,
        %get3A_494 = arith.index_cast %scan3A_481 : i32 to index
        %get3A_495 = arith.constant 16 : index
        %get3A_496 = tpu.vector_load %arg9[%get3A_494, %get3A_495] {strides = array<i32>} : memref<512x32xf32, #tpu.memory_space<vmem>>, vector<1x16xf32>,
        %get3A_497 = vector.shape_cast %get3A_496 : vector<1x16xf32> to vector<16xf32>
        %mul3A_498 = arith.constant 5.65685415 : f32
        %mul3A_499 = vector.broadcast %mul3A_498 : f32 to vector<16xf32>
        %mul3A_500 = arith.mulf %get3A_497, %mul3A_499 : vector<16xf32>
        %swap3A_501 = arith.index_cast %scan3A_481 : i32 to index
        %swap3A_502 = arith.constant 16 : index
        %swap3A_503 = tpu.vector_load %arg9[%swap3A_501, %swap3A_502] {strides = array<i32>} : memref<512x32xf32, #tpu.memory_space<vmem>>, vector<1x16xf32>,
        %swap3A_504 = vector.shape_cast %swap3A_503 : vector<1x16xf32> to vector<16xf32>
        %swap3A_505 = vector.shape_cast %mul3A_500 : vector<16xf32> to vector<1x16xf32>
        tpu.vector_store %arg9[%swap3A_501, %swap3A_502], %swap3A_505 {strides = array<i32>} : memref<512x32xf32, #tpu.memory_space<vmem>>, vector<1x16xf32>,
        %scan3A_506 = arith.constant 6 : i32
        %scan3A_507 = arith.addi %scan3A_353, %scan3A_506 : i32
        %get3A_508 = arith.index_cast %scan3A_507 : i32 to index
        %get3A_509 = arith.constant 0 : index
        %get3A_510 = tpu.vector_load %arg9[%get3A_508, %get3A_509] {strides = array<i32>} : memref<512x32xf32, #tpu.memory_space<vmem>>, vector<1x16xf32>,
        %get3A_511 = vector.shape_cast %get3A_510 : vector<1x16xf32> to vector<16xf32>
        %mul3A_512 = arith.constant 5.65685415 : f32
        %mul3A_513 = vector.broadcast %mul3A_512 : f32 to vector<16xf32>
        %mul3A_514 = arith.mulf %get3A_511, %mul3A_513 : vector<16xf32>
        %swap3A_515 = arith.index_cast %scan3A_507 : i32 to index
        %swap3A_516 = arith.constant 0 : index
        %swap3A_517 = tpu.vector_load %arg9[%swap3A_515, %swap3A_516] {strides = array<i32>} : memref<512x32xf32, #tpu.memory_space<vmem>>, vector<1x16xf32>,
        %swap3A_518 = vector.shape_cast %swap3A_517 : vector<1x16xf32> to vector<16xf32>
        %swap3A_519 = vector.shape_cast %mul3A_514 : vector<16xf32> to vector<1x16xf32>
        tpu.vector_store %arg9[%swap3A_515, %swap3A_516], %swap3A_519 {strides = array<i32>} : memref<512x32xf32, #tpu.memory_space<vmem>>, vector<1x16xf32>,
        %get3A_520 = arith.index_cast %scan3A_507 : i32 to index
        %get3A_521 = arith.constant 16 : index
        %get3A_522 = tpu.vector_load %arg9[%get3A_520, %get3A_521] {strides = array<i32>} : memref<512x32xf32, #tpu.memory_space<vmem>>, vector<1x16xf32>,
        %get3A_523 = vector.shape_cast %get3A_522 : vector<1x16xf32> to vector<16xf32>
        %mul3A_524 = arith.constant 5.65685415 : f32
        %mul3A_525 = vector.broadcast %mul3A_524 : f32 to vector<16xf32>
        %mul3A_526 = arith.mulf %get3A_523, %mul3A_525 : vector<16xf32>
        %swap3A_527 = arith.index_cast %scan3A_507 : i32 to index
        %swap3A_528 = arith.constant 16 : index
        %swap3A_529 = tpu.vector_load %arg9[%swap3A_527, %swap3A_528] {strides = array<i32>} : memref<512x32xf32, #tpu.memory_space<vmem>>, vector<1x16xf32>,
        %swap3A_530 = vector.shape_cast %swap3A_529 : vector<1x16xf32> to vector<16xf32>
        %swap3A_531 = vector.shape_cast %mul3A_526 : vector<16xf32> to vector<1x16xf32>
        tpu.vector_store %arg9[%swap3A_527, %swap3A_528], %swap3A_531 {strides = array<i32>} : memref<512x32xf32, #tpu.memory_space<vmem>>, vector<1x16xf32>,
        %scan3A_532 = arith.constant 7 : i32
        %scan3A_533 = arith.addi %scan3A_353, %scan3A_532 : i32
        %get3A_534 = arith.index_cast %scan3A_533 : i32 to index
        %get3A_535 = arith.constant 0 : index
        %get3A_536 = tpu.vector_load %arg9[%get3A_534, %get3A_535] {strides = array<i32>} : memref<512x32xf32, #tpu.memory_space<vmem>>, vector<1x16xf32>,
        %get3A_537 = vector.shape_cast %get3A_536 : vector<1x16xf32> to vector<16xf32>
        %mul3A_538 = arith.constant 5.65685415 : f32
        %mul3A_539 = vector.broadcast %mul3A_538 : f32 to vector<16xf32>
        %mul3A_540 = arith.mulf %get3A_537, %mul3A_539 : vector<16xf32>
        %swap3A_541 = arith.index_cast %scan3A_533 : i32 to index
        %swap3A_542 = arith.constant 0 : index
        %swap3A_543 = tpu.vector_load %arg9[%swap3A_541, %swap3A_542] {strides = array<i32>} : memref<512x32xf32, #tpu.memory_space<vmem>>, vector<1x16xf32>,
        %swap3A_544 = vector.shape_cast %swap3A_543 : vector<1x16xf32> to vector<16xf32>
        %swap3A_545 = vector.shape_cast %mul3A_540 : vector<16xf32> to vector<1x16xf32>
        tpu.vector_store %arg9[%swap3A_541, %swap3A_542], %swap3A_545 {strides = array<i32>} : memref<512x32xf32, #tpu.memory_space<vmem>>, vector<1x16xf32>,
        %get3A_546 = arith.index_cast %scan3A_533 : i32 to index
        %get3A_547 = arith.constant 16 : index
        %get3A_548 = tpu.vector_load %arg9[%get3A_546, %get3A_547] {strides = array<i32>} : memref<512x32xf32, #tpu.memory_space<vmem>>, vector<1x16xf32>,
        %get3A_549 = vector.shape_cast %get3A_548 : vector<1x16xf32> to vector<16xf32>
        %mul3A_550 = arith.constant 5.65685415 : f32
        %mul3A_551 = vector.broadcast %mul3A_550 : f32 to vector<16xf32>
        %mul3A_552 = arith.mulf %get3A_549, %mul3A_551 : vector<16xf32>
        %swap3A_553 = arith.index_cast %scan3A_533 : i32 to index
        %swap3A_554 = arith.constant 16 : index
        %swap3A_555 = tpu.vector_load %arg9[%swap3A_553, %swap3A_554] {strides = array<i32>} : memref<512x32xf32, #tpu.memory_space<vmem>>, vector<1x16xf32>,
        %swap3A_556 = vector.shape_cast %swap3A_555 : vector<1x16xf32> to vector<16xf32>
        %swap3A_557 = vector.shape_cast %mul3A_552 : vector<16xf32> to vector<1x16xf32>
        tpu.vector_store %arg9[%swap3A_553, %swap3A_554], %swap3A_557 {strides = array<i32>} : memref<512x32xf32, #tpu.memory_space<vmem>>, vector<1x16xf32>,
      }
      %scan3A_294 = arith.constant 512 : i32
      %mul3A_295 = arith.constant 512 : i32
      %mul3A_296 = arith.muli %add3A_282, %mul3A_295 : i32
      %add3A_297 = arith.addi %mul3A_2, %mul3A_296 : i32
      %dma_start3A_298 = arith.constant 0 : i32
      %dma_start3A_299 = tpu.memref_slice %arg4[%add3A_297, %dma_start3A_298] : memref<819200x128xf32, #tpu.memory_space<hbm>> -> memref<512x32xf32, #tpu.memory_space<hbm>>
      %dma_start3A_300 = arith.constant 0 : i32
      %dma_start3A_301 = tpu.memref_slice %arg4[%add3A_297, %dma_start3A_300] : memref<819200x128xf32, #tpu.memory_space<hbm>> -> memref<512x32xf32, #tpu.memory_space<hbm>>
      tpu.enqueue_dma source(%arg9 : memref<512x32xf32, #tpu.memory_space<vmem>>) target(%dma_start3A_301 : memref<512x32xf32, #tpu.memory_space<hbm>>) target_semaphore(%arg19 : memref<!tpu.dma_semaphore, #tpu.memory_space<semaphore_mem>>)
      %ge3A_302 = arith.constant 1 : i32
      %ge3A_303 = arith.cmpi sge, %add3A_282, %ge3A_302 : i32
      %convert_element_type3A_304 = arith.extui %ge3A_303 : i1 to i32
      %cond3A_305 = arith.constant 0 : i32
      %cond3A_306 = arith.cmpi ne, %convert_element_type3A_304, %cond3A_305 : i32
      scf.if %cond3A_306 {
        %dma_wait3A_353 = arith.constant 0 : i32
        %dma_wait3A_354 = arith.constant 0 : i32
        %dma_wait3A_355 = tpu.memref_slice %arg4[%dma_wait3A_353, %dma_wait3A_354] : memref<819200x128xf32, #tpu.memory_space<hbm>> -> memref<512x32xf32, #tpu.memory_space<hbm>>
        %dma_wait3A_356 = arith.constant 0 : i32
        %dma_wait3A_357 = arith.constant 0 : i32
        %dma_wait3A_358 = tpu.memref_slice %arg4[%dma_wait3A_356, %dma_wait3A_357] : memref<819200x128xf32, #tpu.memory_space<hbm>> -> memref<512x32xf32, #tpu.memory_space<hbm>>
        tpu.wait_dma2 semaphore(%arg18 : memref<!tpu.dma_semaphore, #tpu.memory_space<semaphore_mem>>) src(%dma_wait3A_358 : memref<512x32xf32, #tpu.memory_space<hbm>>) dst(%arg8 : memref<512x32xf32, #tpu.memory_space<vmem>>)
      } else {
      }
      %add3A_307 = arith.constant 5 : i32
      %add3A_308 = arith.addi %add3A_282, %add3A_307 : i32
      %sub3A_309 = arith.constant 1 : i32
      %sub3A_310 = arith.subi %add3A_308, %sub3A_309 : i32
      %lt3A_311 = arith.constant 50 : i32
      %lt3A_312 = arith.cmpi slt, %sub3A_310, %lt3A_311 : i32
      %convert_element_type3A_313 = arith.extui %lt3A_312 : i1 to i32
      %cond3A_314 = arith.constant 0 : i32
      %cond3A_315 = arith.cmpi ne, %convert_element_type3A_313, %cond3A_314 : i32
      scf.if %cond3A_315 {
        %add3A_353 = arith.constant 5 : i32
        %add3A_354 = arith.addi %add3A_282, %add3A_353 : i32
        %sub3A_355 = arith.constant 1 : i32
        %sub3A_356 = arith.subi %add3A_354, %sub3A_355 : i32
        %mul3A_357 = arith.constant 4 : i32
        %mul3A_358 = arith.muli %sub3A_356, %mul3A_357 : i32
        %add3A_359 = arith.constant 0 : i32
        %add3A_360 = arith.addi %mul3A_358, %add3A_359 : i32
        %dma_start3A_361 = arith.constant 0 : i32
        %dma_start3A_362 = arith.constant 0 : i32
        %dma_start3A_363 = tpu.memref_slice %arg8[%dma_start3A_361, %dma_start3A_362] : memref<512x32xf32, #tpu.memory_space<vmem>> -> memref<128x32xf32, #tpu.memory_space<vmem>>
        %dma_start3A_364 = arith.constant 0 : i32
        %dma_start3A_365 = tpu.memref_slice %arg5[%add3A_360, %dma_start3A_364] : memref<200x128xi32, #tpu.memory_space<vmem>> -> memref<1x128xi32, #tpu.memory_space<vmem>>
        %dma_start3A_366 = tpu.memref_squeeze %dma_start3A_365 : memref<1x128xi32, #tpu.memory_space<vmem>> -> memref<128xi32, #tpu.memory_space<vmem>>
        %dma_start3A_367 = arith.constant 0 : i32
        %dma_start3A_368 = arith.constant 0 : i32
        %dma_start3A_369 = tpu.memref_slice %arg3[%dma_start3A_367, %dma_start3A_368] : memref<1000000x32xf32, #tpu.memory_space<hbm>> -> memref<1000000x32xf32, #tpu.memory_space<hbm>>
        tpu.enqueue_indirect_dma source(%dma_start3A_369 : memref<1000000x32xf32, #tpu.memory_space<hbm>>) target(%dma_start3A_363 : memref<128x32xf32, #tpu.memory_space<vmem>>) offsets(%dma_start3A_366 : memref<128xi32, #tpu.memory_space<vmem>>) semaphore(%arg13 : memref<!tpu.dma_semaphore, #tpu.memory_space<semaphore_mem>>)
        %mul3A_370 = arith.constant 4 : i32
        %mul3A_371 = arith.muli %sub3A_356, %mul3A_370 : i32
        %add3A_372 = arith.constant 1 : i32
        %add3A_373 = arith.addi %mul3A_371, %add3A_372 : i32
        %dma_start3A_374 = arith.constant 128 : i32
        %dma_start3A_375 = arith.constant 0 : i32
        %dma_start3A_376 = tpu.memref_slice %arg8[%dma_start3A_374, %dma_start3A_375] : memref<512x32xf32, #tpu.memory_space<vmem>> -> memref<128x32xf32, #tpu.memory_space<vmem>>
        %dma_start3A_377 = arith.constant 0 : i32
        %dma_start3A_378 = tpu.memref_slice %arg5[%add3A_373, %dma_start3A_377] : memref<200x128xi32, #tpu.memory_space<vmem>> -> memref<1x128xi32, #tpu.memory_space<vmem>>
        %dma_start3A_379 = tpu.memref_squeeze %dma_start3A_378 : memref<1x128xi32, #tpu.memory_space<vmem>> -> memref<128xi32, #tpu.memory_space<vmem>>
        %dma_start3A_380 = arith.constant 0 : i32
        %dma_start3A_381 = arith.constant 0 : i32
        %dma_start3A_382 = tpu.memref_slice %arg3[%dma_start3A_380, %dma_start3A_381] : memref<1000000x32xf32, #tpu.memory_space<hbm>> -> memref<1000000x32xf32, #tpu.memory_space<hbm>>
        tpu.enqueue_indirect_dma source(%dma_start3A_382 : memref<1000000x32xf32, #tpu.memory_space<hbm>>) target(%dma_start3A_376 : memref<128x32xf32, #tpu.memory_space<vmem>>) offsets(%dma_start3A_379 : memref<128xi32, #tpu.memory_space<vmem>>) semaphore(%arg13 : memref<!tpu.dma_semaphore, #tpu.memory_space<semaphore_mem>>)
        %mul3A_383 = arith.constant 4 : i32
        %mul3A_384 = arith.muli %sub3A_356, %mul3A_383 : i32
        %add3A_385 = arith.constant 2 : i32
        %add3A_386 = arith.addi %mul3A_384, %add3A_385 : i32
        %dma_start3A_387 = arith.constant 256 : i32
        %dma_start3A_388 = arith.constant 0 : i32
        %dma_start3A_389 = tpu.memref_slice %arg8[%dma_start3A_387, %dma_start3A_388] : memref<512x32xf32, #tpu.memory_space<vmem>> -> memref<128x32xf32, #tpu.memory_space<vmem>>
        %dma_start3A_390 = arith.constant 0 : i32
        %dma_start3A_391 = tpu.memref_slice %arg5[%add3A_386, %dma_start3A_390] : memref<200x128xi32, #tpu.memory_space<vmem>> -> memref<1x128xi32, #tpu.memory_space<vmem>>
        %dma_start3A_392 = tpu.memref_squeeze %dma_start3A_391 : memref<1x128xi32, #tpu.memory_space<vmem>> -> memref<128xi32, #tpu.memory_space<vmem>>
        %dma_start3A_393 = arith.constant 0 : i32
        %dma_start3A_394 = arith.constant 0 : i32
        %dma_start3A_395 = tpu.memref_slice %arg3[%dma_start3A_393, %dma_start3A_394] : memref<1000000x32xf32, #tpu.memory_space<hbm>> -> memref<1000000x32xf32, #tpu.memory_space<hbm>>
        tpu.enqueue_indirect_dma source(%dma_start3A_395 : memref<1000000x32xf32, #tpu.memory_space<hbm>>) target(%dma_start3A_389 : memref<128x32xf32, #tpu.memory_space<vmem>>) offsets(%dma_start3A_392 : memref<128xi32, #tpu.memory_space<vmem>>) semaphore(%arg13 : memref<!tpu.dma_semaphore, #tpu.memory_space<semaphore_mem>>)
        %mul3A_396 = arith.constant 4 : i32
        %mul3A_397 = arith.muli %sub3A_356, %mul3A_396 : i32
        %add3A_398 = arith.constant 3 : i32
        %add3A_399 = arith.addi %mul3A_397, %add3A_398 : i32
        %dma_start3A_400 = arith.constant 384 : i32
        %dma_start3A_401 = arith.constant 0 : i32
        %dma_start3A_402 = tpu.memref_slice %arg8[%dma_start3A_400, %dma_start3A_401] : memref<512x32xf32, #tpu.memory_space<vmem>> -> memref<128x32xf32, #tpu.memory_space<vmem>>
        %dma_start3A_403 = arith.constant 0 : i32
        %dma_start3A_404 = tpu.memref_slice %arg5[%add3A_399, %dma_start3A_403] : memref<200x128xi32, #tpu.memory_space<vmem>> -> memref<1x128xi32, #tpu.memory_space<vmem>>
        %dma_start3A_405 = tpu.memref_squeeze %dma_start3A_404 : memref<1x128xi32, #tpu.memory_space<vmem>> -> memref<128xi32, #tpu.memory_space<vmem>>
        %dma_start3A_406 = arith.constant 0 : i32
        %dma_start3A_407 = arith.constant 0 : i32
        %dma_start3A_408 = tpu.memref_slice %arg3[%dma_start3A_406, %dma_start3A_407] : memref<1000000x32xf32, #tpu.memory_space<hbm>> -> memref<1000000x32xf32, #tpu.memory_space<hbm>>
        tpu.enqueue_indirect_dma source(%dma_start3A_408 : memref<1000000x32xf32, #tpu.memory_space<hbm>>) target(%dma_start3A_402 : memref<128x32xf32, #tpu.memory_space<vmem>>) offsets(%dma_start3A_405 : memref<128xi32, #tpu.memory_space<vmem>>) semaphore(%arg13 : memref<!tpu.dma_semaphore, #tpu.memory_space<semaphore_mem>>)
      } else {
      }
      %mul3A_316 = arith.constant 5 : i32
      %mul3A_317 = arith.muli %scan3A_172, %mul3A_316 : i32
      %add3A_318 = arith.constant 4 : i32
      %add3A_319 = arith.addi %mul3A_317, %add3A_318 : i32
      %dma_wait3A_320 = arith.constant 0 : i32
      %dma_wait3A_321 = arith.constant 0 : i32
      %dma_wait3A_322 = tpu.memref_slice %arg4[%dma_wait3A_320, %dma_wait3A_321] : memref<819200x128xf32, #tpu.memory_space<hbm>> -> memref<512x32xf32, #tpu.memory_space<hbm>>
      %dma_wait3A_323 = arith.constant 0 : i32
      %dma_wait3A_324 = arith.constant 0 : i32
      %dma_wait3A_325 = tpu.memref_slice %arg4[%dma_wait3A_323, %dma_wait3A_324] : memref<819200x128xf32, #tpu.memory_space<hbm>> -> memref<512x32xf32, #tpu.memory_space<hbm>>
      tpu.wait_dma2 semaphore(%arg15 : memref<!tpu.dma_semaphore, #tpu.memory_space<semaphore_mem>>) src(%dma_wait3A_325 : memref<512x32xf32, #tpu.memory_space<hbm>>) dst(%arg10 : memref<512x32xf32, #tpu.memory_space<vmem>>)
      %scan3A_326 = arith.constant 0 : i32
      %scan3A_327 = arith.constant 0 : i32
      %scan3A_328 = arith.constant 512 : i32
      %scan3A_329 = arith.addi %scan3A_327, %scan3A_328 : i32
      %scan3A_330 = arith.constant 8 : i32
      scf.for %scan3A_353 = %scan3A_327 to %scan3A_329 step %scan3A_330  : i32 {
        %get3A = arith.index_cast %scan3A_353 : i32 to index
        %get3A_354 = arith.constant 0 : index
        %get3A_355 = tpu.vector_load %arg10[%get3A, %get3A_354] {strides = array<i32>} : memref<512x32xf32, #tpu.memory_space<vmem>>, vector<1x16xf32>,
        %get3A_356 = vector.shape_cast %get3A_355 : vector<1x16xf32> to vector<16xf32>
        %mul3A_357 = arith.constant 5.65685415 : f32
        %mul3A_358 = vector.broadcast %mul3A_357 : f32 to vector<16xf32>
        %mul3A_359 = arith.mulf %get3A_356, %mul3A_358 : vector<16xf32>
        %swap3A = arith.index_cast %scan3A_353 : i32 to index
        %swap3A_360 = arith.constant 0 : index
        %swap3A_361 = tpu.vector_load %arg10[%swap3A, %swap3A_360] {strides = array<i32>} : memref<512x32xf32, #tpu.memory_space<vmem>>, vector<1x16xf32>,
        %swap3A_362 = vector.shape_cast %swap3A_361 : vector<1x16xf32> to vector<16xf32>
        %swap3A_363 = vector.shape_cast %mul3A_359 : vector<16xf32> to vector<1x16xf32>
        tpu.vector_store %arg10[%swap3A, %swap3A_360], %swap3A_363 {strides = array<i32>} : memref<512x32xf32, #tpu.memory_space<vmem>>, vector<1x16xf32>,
        %get3A_364 = arith.index_cast %scan3A_353 : i32 to index
        %get3A_365 = arith.constant 16 : index
        %get3A_366 = tpu.vector_load %arg10[%get3A_364, %get3A_365] {strides = array<i32>} : memref<512x32xf32, #tpu.memory_space<vmem>>, vector<1x16xf32>,
        %get3A_367 = vector.shape_cast %get3A_366 : vector<1x16xf32> to vector<16xf32>
        %mul3A_368 = arith.constant 5.65685415 : f32
        %mul3A_369 = vector.broadcast %mul3A_368 : f32 to vector<16xf32>
        %mul3A_370 = arith.mulf %get3A_367, %mul3A_369 : vector<16xf32>
        %swap3A_371 = arith.index_cast %scan3A_353 : i32 to index
        %swap3A_372 = arith.constant 16 : index
        %swap3A_373 = tpu.vector_load %arg10[%swap3A_371, %swap3A_372] {strides = array<i32>} : memref<512x32xf32, #tpu.memory_space<vmem>>, vector<1x16xf32>,
        %swap3A_374 = vector.shape_cast %swap3A_373 : vector<1x16xf32> to vector<16xf32>
        %swap3A_375 = vector.shape_cast %mul3A_370 : vector<16xf32> to vector<1x16xf32>
        tpu.vector_store %arg10[%swap3A_371, %swap3A_372], %swap3A_375 {strides = array<i32>} : memref<512x32xf32, #tpu.memory_space<vmem>>, vector<1x16xf32>,
        %scan3A_376 = arith.constant 1 : i32
        %scan3A_377 = arith.addi %scan3A_353, %scan3A_376 : i32
        %get3A_378 = arith.index_cast %scan3A_377 : i32 to index
        %get3A_379 = arith.constant 0 : index
        %get3A_380 = tpu.vector_load %arg10[%get3A_378, %get3A_379] {strides = array<i32>} : memref<512x32xf32, #tpu.memory_space<vmem>>, vector<1x16xf32>,
        %get3A_381 = vector.shape_cast %get3A_380 : vector<1x16xf32> to vector<16xf32>
        %mul3A_382 = arith.constant 5.65685415 : f32
        %mul3A_383 = vector.broadcast %mul3A_382 : f32 to vector<16xf32>
        %mul3A_384 = arith.mulf %get3A_381, %mul3A_383 : vector<16xf32>
        %swap3A_385 = arith.index_cast %scan3A_377 : i32 to index
        %swap3A_386 = arith.constant 0 : index
        %swap3A_387 = tpu.vector_load %arg10[%swap3A_385, %swap3A_386] {strides = array<i32>} : memref<512x32xf32, #tpu.memory_space<vmem>>, vector<1x16xf32>,
        %swap3A_388 = vector.shape_cast %swap3A_387 : vector<1x16xf32> to vector<16xf32>
        %swap3A_389 = vector.shape_cast %mul3A_384 : vector<16xf32> to vector<1x16xf32>
        tpu.vector_store %arg10[%swap3A_385, %swap3A_386], %swap3A_389 {strides = array<i32>} : memref<512x32xf32, #tpu.memory_space<vmem>>, vector<1x16xf32>,
        %get3A_390 = arith.index_cast %scan3A_377 : i32 to index
        %get3A_391 = arith.constant 16 : index
        %get3A_392 = tpu.vector_load %arg10[%get3A_390, %get3A_391] {strides = array<i32>} : memref<512x32xf32, #tpu.memory_space<vmem>>, vector<1x16xf32>,
        %get3A_393 = vector.shape_cast %get3A_392 : vector<1x16xf32> to vector<16xf32>
        %mul3A_394 = arith.constant 5.65685415 : f32
        %mul3A_395 = vector.broadcast %mul3A_394 : f32 to vector<16xf32>
        %mul3A_396 = arith.mulf %get3A_393, %mul3A_395 : vector<16xf32>
        %swap3A_397 = arith.index_cast %scan3A_377 : i32 to index
        %swap3A_398 = arith.constant 16 : index
        %swap3A_399 = tpu.vector_load %arg10[%swap3A_397, %swap3A_398] {strides = array<i32>} : memref<512x32xf32, #tpu.memory_space<vmem>>, vector<1x16xf32>,
        %swap3A_400 = vector.shape_cast %swap3A_399 : vector<1x16xf32> to vector<16xf32>
        %swap3A_401 = vector.shape_cast %mul3A_396 : vector<16xf32> to vector<1x16xf32>
        tpu.vector_store %arg10[%swap3A_397, %swap3A_398], %swap3A_401 {strides = array<i32>} : memref<512x32xf32, #tpu.memory_space<vmem>>, vector<1x16xf32>,
        %scan3A_402 = arith.constant 2 : i32
        %scan3A_403 = arith.addi %scan3A_353, %scan3A_402 : i32
        %get3A_404 = arith.index_cast %scan3A_403 : i32 to index
        %get3A_405 = arith.constant 0 : index
        %get3A_406 = tpu.vector_load %arg10[%get3A_404, %get3A_405] {strides = array<i32>} : memref<512x32xf32, #tpu.memory_space<vmem>>, vector<1x16xf32>,
        %get3A_407 = vector.shape_cast %get3A_406 : vector<1x16xf32> to vector<16xf32>
        %mul3A_408 = arith.constant 5.65685415 : f32
        %mul3A_409 = vector.broadcast %mul3A_408 : f32 to vector<16xf32>
        %mul3A_410 = arith.mulf %get3A_407, %mul3A_409 : vector<16xf32>
        %swap3A_411 = arith.index_cast %scan3A_403 : i32 to index
        %swap3A_412 = arith.constant 0 : index
        %swap3A_413 = tpu.vector_load %arg10[%swap3A_411, %swap3A_412] {strides = array<i32>} : memref<512x32xf32, #tpu.memory_space<vmem>>, vector<1x16xf32>,
        %swap3A_414 = vector.shape_cast %swap3A_413 : vector<1x16xf32> to vector<16xf32>
        %swap3A_415 = vector.shape_cast %mul3A_410 : vector<16xf32> to vector<1x16xf32>
        tpu.vector_store %arg10[%swap3A_411, %swap3A_412], %swap3A_415 {strides = array<i32>} : memref<512x32xf32, #tpu.memory_space<vmem>>, vector<1x16xf32>,
        %get3A_416 = arith.index_cast %scan3A_403 : i32 to index
        %get3A_417 = arith.constant 16 : index
        %get3A_418 = tpu.vector_load %arg10[%get3A_416, %get3A_417] {strides = array<i32>} : memref<512x32xf32, #tpu.memory_space<vmem>>, vector<1x16xf32>,
        %get3A_419 = vector.shape_cast %get3A_418 : vector<1x16xf32> to vector<16xf32>
        %mul3A_420 = arith.constant 5.65685415 : f32
        %mul3A_421 = vector.broadcast %mul3A_420 : f32 to vector<16xf32>
        %mul3A_422 = arith.mulf %get3A_419, %mul3A_421 : vector<16xf32>
        %swap3A_423 = arith.index_cast %scan3A_403 : i32 to index
        %swap3A_424 = arith.constant 16 : index
        %swap3A_425 = tpu.vector_load %arg10[%swap3A_423, %swap3A_424] {strides = array<i32>} : memref<512x32xf32, #tpu.memory_space<vmem>>, vector<1x16xf32>,
        %swap3A_426 = vector.shape_cast %swap3A_425 : vector<1x16xf32> to vector<16xf32>
        %swap3A_427 = vector.shape_cast %mul3A_422 : vector<16xf32> to vector<1x16xf32>
        tpu.vector_store %arg10[%swap3A_423, %swap3A_424], %swap3A_427 {strides = array<i32>} : memref<512x32xf32, #tpu.memory_space<vmem>>, vector<1x16xf32>,
        %scan3A_428 = arith.constant 3 : i32
        %scan3A_429 = arith.addi %scan3A_353, %scan3A_428 : i32
        %get3A_430 = arith.index_cast %scan3A_429 : i32 to index
        %get3A_431 = arith.constant 0 : index
        %get3A_432 = tpu.vector_load %arg10[%get3A_430, %get3A_431] {strides = array<i32>} : memref<512x32xf32, #tpu.memory_space<vmem>>, vector<1x16xf32>,
        %get3A_433 = vector.shape_cast %get3A_432 : vector<1x16xf32> to vector<16xf32>
        %mul3A_434 = arith.constant 5.65685415 : f32
        %mul3A_435 = vector.broadcast %mul3A_434 : f32 to vector<16xf32>
        %mul3A_436 = arith.mulf %get3A_433, %mul3A_435 : vector<16xf32>
        %swap3A_437 = arith.index_cast %scan3A_429 : i32 to index
        %swap3A_438 = arith.constant 0 : index
        %swap3A_439 = tpu.vector_load %arg10[%swap3A_437, %swap3A_438] {strides = array<i32>} : memref<512x32xf32, #tpu.memory_space<vmem>>, vector<1x16xf32>,
        %swap3A_440 = vector.shape_cast %swap3A_439 : vector<1x16xf32> to vector<16xf32>
        %swap3A_441 = vector.shape_cast %mul3A_436 : vector<16xf32> to vector<1x16xf32>
        tpu.vector_store %arg10[%swap3A_437, %swap3A_438], %swap3A_441 {strides = array<i32>} : memref<512x32xf32, #tpu.memory_space<vmem>>, vector<1x16xf32>,
        %get3A_442 = arith.index_cast %scan3A_429 : i32 to index
        %get3A_443 = arith.constant 16 : index
        %get3A_444 = tpu.vector_load %arg10[%get3A_442, %get3A_443] {strides = array<i32>} : memref<512x32xf32, #tpu.memory_space<vmem>>, vector<1x16xf32>,
        %get3A_445 = vector.shape_cast %get3A_444 : vector<1x16xf32> to vector<16xf32>
        %mul3A_446 = arith.constant 5.65685415 : f32
        %mul3A_447 = vector.broadcast %mul3A_446 : f32 to vector<16xf32>
        %mul3A_448 = arith.mulf %get3A_445, %mul3A_447 : vector<16xf32>
        %swap3A_449 = arith.index_cast %scan3A_429 : i32 to index
        %swap3A_450 = arith.constant 16 : index
        %swap3A_451 = tpu.vector_load %arg10[%swap3A_449, %swap3A_450] {strides = array<i32>} : memref<512x32xf32, #tpu.memory_space<vmem>>, vector<1x16xf32>,
        %swap3A_452 = vector.shape_cast %swap3A_451 : vector<1x16xf32> to vector<16xf32>
        %swap3A_453 = vector.shape_cast %mul3A_448 : vector<16xf32> to vector<1x16xf32>
        tpu.vector_store %arg10[%swap3A_449, %swap3A_450], %swap3A_453 {strides = array<i32>} : memref<512x32xf32, #tpu.memory_space<vmem>>, vector<1x16xf32>,
        %scan3A_454 = arith.constant 4 : i32
        %scan3A_455 = arith.addi %scan3A_353, %scan3A_454 : i32
        %get3A_456 = arith.index_cast %scan3A_455 : i32 to index
        %get3A_457 = arith.constant 0 : index
        %get3A_458 = tpu.vector_load %arg10[%get3A_456, %get3A_457] {strides = array<i32>} : memref<512x32xf32, #tpu.memory_space<vmem>>, vector<1x16xf32>,
        %get3A_459 = vector.shape_cast %get3A_458 : vector<1x16xf32> to vector<16xf32>
        %mul3A_460 = arith.constant 5.65685415 : f32
        %mul3A_461 = vector.broadcast %mul3A_460 : f32 to vector<16xf32>
        %mul3A_462 = arith.mulf %get3A_459, %mul3A_461 : vector<16xf32>
        %swap3A_463 = arith.index_cast %scan3A_455 : i32 to index
        %swap3A_464 = arith.constant 0 : index
        %swap3A_465 = tpu.vector_load %arg10[%swap3A_463, %swap3A_464] {strides = array<i32>} : memref<512x32xf32, #tpu.memory_space<vmem>>, vector<1x16xf32>,
        %swap3A_466 = vector.shape_cast %swap3A_465 : vector<1x16xf32> to vector<16xf32>
        %swap3A_467 = vector.shape_cast %mul3A_462 : vector<16xf32> to vector<1x16xf32>
        tpu.vector_store %arg10[%swap3A_463, %swap3A_464], %swap3A_467 {strides = array<i32>} : memref<512x32xf32, #tpu.memory_space<vmem>>, vector<1x16xf32>,
        %get3A_468 = arith.index_cast %scan3A_455 : i32 to index
        %get3A_469 = arith.constant 16 : index
        %get3A_470 = tpu.vector_load %arg10[%get3A_468, %get3A_469] {strides = array<i32>} : memref<512x32xf32, #tpu.memory_space<vmem>>, vector<1x16xf32>,
        %get3A_471 = vector.shape_cast %get3A_470 : vector<1x16xf32> to vector<16xf32>
        %mul3A_472 = arith.constant 5.65685415 : f32
        %mul3A_473 = vector.broadcast %mul3A_472 : f32 to vector<16xf32>
        %mul3A_474 = arith.mulf %get3A_471, %mul3A_473 : vector<16xf32>
        %swap3A_475 = arith.index_cast %scan3A_455 : i32 to index
        %swap3A_476 = arith.constant 16 : index
        %swap3A_477 = tpu.vector_load %arg10[%swap3A_475, %swap3A_476] {strides = array<i32>} : memref<512x32xf32, #tpu.memory_space<vmem>>, vector<1x16xf32>,
        %swap3A_478 = vector.shape_cast %swap3A_477 : vector<1x16xf32> to vector<16xf32>
        %swap3A_479 = vector.shape_cast %mul3A_474 : vector<16xf32> to vector<1x16xf32>
        tpu.vector_store %arg10[%swap3A_475, %swap3A_476], %swap3A_479 {strides = array<i32>} : memref<512x32xf32, #tpu.memory_space<vmem>>, vector<1x16xf32>,
        %scan3A_480 = arith.constant 5 : i32
        %scan3A_481 = arith.addi %scan3A_353, %scan3A_480 : i32
        %get3A_482 = arith.index_cast %scan3A_481 : i32 to index
        %get3A_483 = arith.constant 0 : index
        %get3A_484 = tpu.vector_load %arg10[%get3A_482, %get3A_483] {strides = array<i32>} : memref<512x32xf32, #tpu.memory_space<vmem>>, vector<1x16xf32>,
        %get3A_485 = vector.shape_cast %get3A_484 : vector<1x16xf32> to vector<16xf32>
        %mul3A_486 = arith.constant 5.65685415 : f32
        %mul3A_487 = vector.broadcast %mul3A_486 : f32 to vector<16xf32>
        %mul3A_488 = arith.mulf %get3A_485, %mul3A_487 : vector<16xf32>
        %swap3A_489 = arith.index_cast %scan3A_481 : i32 to index
        %swap3A_490 = arith.constant 0 : index
        %swap3A_491 = tpu.vector_load %arg10[%swap3A_489, %swap3A_490] {strides = array<i32>} : memref<512x32xf32, #tpu.memory_space<vmem>>, vector<1x16xf32>,
        %swap3A_492 = vector.shape_cast %swap3A_491 : vector<1x16xf32> to vector<16xf32>
        %swap3A_493 = vector.shape_cast %mul3A_488 : vector<16xf32> to vector<1x16xf32>
        tpu.vector_store %arg10[%swap3A_489, %swap3A_490], %swap3A_493 {strides = array<i32>} : memref<512x32xf32, #tpu.memory_space<vmem>>, vector<1x16xf32>,
        %get3A_494 = arith.index_cast %scan3A_481 : i32 to index
        %get3A_495 = arith.constant 16 : index
        %get3A_496 = tpu.vector_load %arg10[%get3A_494, %get3A_495] {strides = array<i32>} : memref<512x32xf32, #tpu.memory_space<vmem>>, vector<1x16xf32>,
        %get3A_497 = vector.shape_cast %get3A_496 : vector<1x16xf32> to vector<16xf32>
        %mul3A_498 = arith.constant 5.65685415 : f32
        %mul3A_499 = vector.broadcast %mul3A_498 : f32 to vector<16xf32>
        %mul3A_500 = arith.mulf %get3A_497, %mul3A_499 : vector<16xf32>
        %swap3A_501 = arith.index_cast %scan3A_481 : i32 to index
        %swap3A_502 = arith.constant 16 : index
        %swap3A_503 = tpu.vector_load %arg10[%swap3A_501, %swap3A_502] {strides = array<i32>} : memref<512x32xf32, #tpu.memory_space<vmem>>, vector<1x16xf32>,
        %swap3A_504 = vector.shape_cast %swap3A_503 : vector<1x16xf32> to vector<16xf32>
        %swap3A_505 = vector.shape_cast %mul3A_500 : vector<16xf32> to vector<1x16xf32>
        tpu.vector_store %arg10[%swap3A_501, %swap3A_502], %swap3A_505 {strides = array<i32>} : memref<512x32xf32, #tpu.memory_space<vmem>>, vector<1x16xf32>,
        %scan3A_506 = arith.constant 6 : i32
        %scan3A_507 = arith.addi %scan3A_353, %scan3A_506 : i32
        %get3A_508 = arith.index_cast %scan3A_507 : i32 to index
        %get3A_509 = arith.constant 0 : index
        %get3A_510 = tpu.vector_load %arg10[%get3A_508, %get3A_509] {strides = array<i32>} : memref<512x32xf32, #tpu.memory_space<vmem>>, vector<1x16xf32>,
        %get3A_511 = vector.shape_cast %get3A_510 : vector<1x16xf32> to vector<16xf32>
        %mul3A_512 = arith.constant 5.65685415 : f32
        %mul3A_513 = vector.broadcast %mul3A_512 : f32 to vector<16xf32>
        %mul3A_514 = arith.mulf %get3A_511, %mul3A_513 : vector<16xf32>
        %swap3A_515 = arith.index_cast %scan3A_507 : i32 to index
        %swap3A_516 = arith.constant 0 : index
        %swap3A_517 = tpu.vector_load %arg10[%swap3A_515, %swap3A_516] {strides = array<i32>} : memref<512x32xf32, #tpu.memory_space<vmem>>, vector<1x16xf32>,
        %swap3A_518 = vector.shape_cast %swap3A_517 : vector<1x16xf32> to vector<16xf32>
        %swap3A_519 = vector.shape_cast %mul3A_514 : vector<16xf32> to vector<1x16xf32>
        tpu.vector_store %arg10[%swap3A_515, %swap3A_516], %swap3A_519 {strides = array<i32>} : memref<512x32xf32, #tpu.memory_space<vmem>>, vector<1x16xf32>,
        %get3A_520 = arith.index_cast %scan3A_507 : i32 to index
        %get3A_521 = arith.constant 16 : index
        %get3A_522 = tpu.vector_load %arg10[%get3A_520, %get3A_521] {strides = array<i32>} : memref<512x32xf32, #tpu.memory_space<vmem>>, vector<1x16xf32>,
        %get3A_523 = vector.shape_cast %get3A_522 : vector<1x16xf32> to vector<16xf32>
        %mul3A_524 = arith.constant 5.65685415 : f32
        %mul3A_525 = vector.broadcast %mul3A_524 : f32 to vector<16xf32>
        %mul3A_526 = arith.mulf %get3A_523, %mul3A_525 : vector<16xf32>
        %swap3A_527 = arith.index_cast %scan3A_507 : i32 to index
        %swap3A_528 = arith.constant 16 : index
        %swap3A_529 = tpu.vector_load %arg10[%swap3A_527, %swap3A_528] {strides = array<i32>} : memref<512x32xf32, #tpu.memory_space<vmem>>, vector<1x16xf32>,
        %swap3A_530 = vector.shape_cast %swap3A_529 : vector<1x16xf32> to vector<16xf32>
        %swap3A_531 = vector.shape_cast %mul3A_526 : vector<16xf32> to vector<1x16xf32>
        tpu.vector_store %arg10[%swap3A_527, %swap3A_528], %swap3A_531 {strides = array<i32>} : memref<512x32xf32, #tpu.memory_space<vmem>>, vector<1x16xf32>,
        %scan3A_532 = arith.constant 7 : i32
        %scan3A_533 = arith.addi %scan3A_353, %scan3A_532 : i32
        %get3A_534 = arith.index_cast %scan3A_533 : i32 to index
        %get3A_535 = arith.constant 0 : index
        %get3A_536 = tpu.vector_load %arg10[%get3A_534, %get3A_535] {strides = array<i32>} : memref<512x32xf32, #tpu.memory_space<vmem>>, vector<1x16xf32>,
        %get3A_537 = vector.shape_cast %get3A_536 : vector<1x16xf32> to vector<16xf32>
        %mul3A_538 = arith.constant 5.65685415 : f32
        %mul3A_539 = vector.broadcast %mul3A_538 : f32 to vector<16xf32>
        %mul3A_540 = arith.mulf %get3A_537, %mul3A_539 : vector<16xf32>
        %swap3A_541 = arith.index_cast %scan3A_533 : i32 to index
        %swap3A_542 = arith.constant 0 : index
        %swap3A_543 = tpu.vector_load %arg10[%swap3A_541, %swap3A_542] {strides = array<i32>} : memref<512x32xf32, #tpu.memory_space<vmem>>, vector<1x16xf32>,
        %swap3A_544 = vector.shape_cast %swap3A_543 : vector<1x16xf32> to vector<16xf32>
        %swap3A_545 = vector.shape_cast %mul3A_540 : vector<16xf32> to vector<1x16xf32>
        tpu.vector_store %arg10[%swap3A_541, %swap3A_542], %swap3A_545 {strides = array<i32>} : memref<512x32xf32, #tpu.memory_space<vmem>>, vector<1x16xf32>,
        %get3A_546 = arith.index_cast %scan3A_533 : i32 to index
        %get3A_547 = arith.constant 16 : index
        %get3A_548 = tpu.vector_load %arg10[%get3A_546, %get3A_547] {strides = array<i32>} : memref<512x32xf32, #tpu.memory_space<vmem>>, vector<1x16xf32>,
        %get3A_549 = vector.shape_cast %get3A_548 : vector<1x16xf32> to vector<16xf32>
        %mul3A_550 = arith.constant 5.65685415 : f32
        %mul3A_551 = vector.broadcast %mul3A_550 : f32 to vector<16xf32>
        %mul3A_552 = arith.mulf %get3A_549, %mul3A_551 : vector<16xf32>
        %swap3A_553 = arith.index_cast %scan3A_533 : i32 to index
        %swap3A_554 = arith.constant 16 : index
        %swap3A_555 = tpu.vector_load %arg10[%swap3A_553, %swap3A_554] {strides = array<i32>} : memref<512x32xf32, #tpu.memory_space<vmem>>, vector<1x16xf32>,
        %swap3A_556 = vector.shape_cast %swap3A_555 : vector<1x16xf32> to vector<16xf32>
        %swap3A_557 = vector.shape_cast %mul3A_552 : vector<16xf32> to vector<1x16xf32>
        tpu.vector_store %arg10[%swap3A_553, %swap3A_554], %swap3A_557 {strides = array<i32>} : memref<512x32xf32, #tpu.memory_space<vmem>>, vector<1x16xf32>,
      }
      %scan3A_331 = arith.constant 512 : i32
      %mul3A_332 = arith.constant 512 : i32
      %mul3A_333 = arith.muli %add3A_319, %mul3A_332 : i32
      %add3A_334 = arith.addi %mul3A_2, %mul3A_333 : i32
      %dma_start3A_335 = arith.constant 0 : i32
      %dma_start3A_336 = tpu.memref_slice %arg4[%add3A_334, %dma_start3A_335] : memref<819200x128xf32, #tpu.memory_space<hbm>> -> memref<512x32xf32, #tpu.memory_space<hbm>>
      %dma_start3A_337 = arith.constant 0 : i32
      %dma_start3A_338 = tpu.memref_slice %arg4[%add3A_334, %dma_start3A_337] : memref<819200x128xf32, #tpu.memory_space<hbm>> -> memref<512x32xf32, #tpu.memory_space<hbm>>
      tpu.enqueue_dma source(%arg10 : memref<512x32xf32, #tpu.memory_space<vmem>>) target(%dma_start3A_338 : memref<512x32xf32, #tpu.memory_space<hbm>>) target_semaphore(%arg20 : memref<!tpu.dma_semaphore, #tpu.memory_space<semaphore_mem>>)
      %ge3A_339 = arith.constant 1 : i32
      %ge3A_340 = arith.cmpi sge, %add3A_319, %ge3A_339 : i32
      %convert_element_type3A_341 = arith.extui %ge3A_340 : i1 to i32
      %cond3A_342 = arith.constant 0 : i32
      %cond3A_343 = arith.cmpi ne, %convert_element_type3A_341, %cond3A_342 : i32
      scf.if %cond3A_343 {
        %dma_wait3A_353 = arith.constant 0 : i32
        %dma_wait3A_354 = arith.constant 0 : i32
        %dma_wait3A_355 = tpu.memref_slice %arg4[%dma_wait3A_353, %dma_wait3A_354] : memref<819200x128xf32, #tpu.memory_space<hbm>> -> memref<512x32xf32, #tpu.memory_space<hbm>>
        %dma_wait3A_356 = arith.constant 0 : i32
        %dma_wait3A_357 = arith.constant 0 : i32
        %dma_wait3A_358 = tpu.memref_slice %arg4[%dma_wait3A_356, %dma_wait3A_357] : memref<819200x128xf32, #tpu.memory_space<hbm>> -> memref<512x32xf32, #tpu.memory_space<hbm>>
        tpu.wait_dma2 semaphore(%arg19 : memref<!tpu.dma_semaphore, #tpu.memory_space<semaphore_mem>>) src(%dma_wait3A_358 : memref<512x32xf32, #tpu.memory_space<hbm>>) dst(%arg9 : memref<512x32xf32, #tpu.memory_space<vmem>>)
      } else {
      }
      %add3A_344 = arith.constant 5 : i32
      %add3A_345 = arith.addi %add3A_319, %add3A_344 : i32
      %sub3A_346 = arith.constant 1 : i32
      %sub3A_347 = arith.subi %add3A_345, %sub3A_346 : i32
      %lt3A_348 = arith.constant 50 : i32
      %lt3A_349 = arith.cmpi slt, %sub3A_347, %lt3A_348 : i32
      %convert_element_type3A_350 = arith.extui %lt3A_349 : i1 to i32
      %cond3A_351 = arith.constant 0 : i32
      %cond3A_352 = arith.cmpi ne, %convert_element_type3A_350, %cond3A_351 : i32
      scf.if %cond3A_352 {
        %add3A_353 = arith.constant 5 : i32
        %add3A_354 = arith.addi %add3A_319, %add3A_353 : i32
        %sub3A_355 = arith.constant 1 : i32
        %sub3A_356 = arith.subi %add3A_354, %sub3A_355 : i32
        %mul3A_357 = arith.constant 4 : i32
        %mul3A_358 = arith.muli %sub3A_356, %mul3A_357 : i32
        %add3A_359 = arith.constant 0 : i32
        %add3A_360 = arith.addi %mul3A_358, %add3A_359 : i32
        %dma_start3A_361 = arith.constant 0 : i32
        %dma_start3A_362 = arith.constant 0 : i32
        %dma_start3A_363 = tpu.memref_slice %arg9[%dma_start3A_361, %dma_start3A_362] : memref<512x32xf32, #tpu.memory_space<vmem>> -> memref<128x32xf32, #tpu.memory_space<vmem>>
        %dma_start3A_364 = arith.constant 0 : i32
        %dma_start3A_365 = tpu.memref_slice %arg5[%add3A_360, %dma_start3A_364] : memref<200x128xi32, #tpu.memory_space<vmem>> -> memref<1x128xi32, #tpu.memory_space<vmem>>
        %dma_start3A_366 = tpu.memref_squeeze %dma_start3A_365 : memref<1x128xi32, #tpu.memory_space<vmem>> -> memref<128xi32, #tpu.memory_space<vmem>>
        %dma_start3A_367 = arith.constant 0 : i32
        %dma_start3A_368 = arith.constant 0 : i32
        %dma_start3A_369 = tpu.memref_slice %arg3[%dma_start3A_367, %dma_start3A_368] : memref<1000000x32xf32, #tpu.memory_space<hbm>> -> memref<1000000x32xf32, #tpu.memory_space<hbm>>
        tpu.enqueue_indirect_dma source(%dma_start3A_369 : memref<1000000x32xf32, #tpu.memory_space<hbm>>) target(%dma_start3A_363 : memref<128x32xf32, #tpu.memory_space<vmem>>) offsets(%dma_start3A_366 : memref<128xi32, #tpu.memory_space<vmem>>) semaphore(%arg14 : memref<!tpu.dma_semaphore, #tpu.memory_space<semaphore_mem>>)
        %mul3A_370 = arith.constant 4 : i32
        %mul3A_371 = arith.muli %sub3A_356, %mul3A_370 : i32
        %add3A_372 = arith.constant 1 : i32
        %add3A_373 = arith.addi %mul3A_371, %add3A_372 : i32
        %dma_start3A_374 = arith.constant 128 : i32
        %dma_start3A_375 = arith.constant 0 : i32
        %dma_start3A_376 = tpu.memref_slice %arg9[%dma_start3A_374, %dma_start3A_375] : memref<512x32xf32, #tpu.memory_space<vmem>> -> memref<128x32xf32, #tpu.memory_space<vmem>>
        %dma_start3A_377 = arith.constant 0 : i32
        %dma_start3A_378 = tpu.memref_slice %arg5[%add3A_373, %dma_start3A_377] : memref<200x128xi32, #tpu.memory_space<vmem>> -> memref<1x128xi32, #tpu.memory_space<vmem>>
        %dma_start3A_379 = tpu.memref_squeeze %dma_start3A_378 : memref<1x128xi32, #tpu.memory_space<vmem>> -> memref<128xi32, #tpu.memory_space<vmem>>
        %dma_start3A_380 = arith.constant 0 : i32
        %dma_start3A_381 = arith.constant 0 : i32
        %dma_start3A_382 = tpu.memref_slice %arg3[%dma_start3A_380, %dma_start3A_381] : memref<1000000x32xf32, #tpu.memory_space<hbm>> -> memref<1000000x32xf32, #tpu.memory_space<hbm>>
        tpu.enqueue_indirect_dma source(%dma_start3A_382 : memref<1000000x32xf32, #tpu.memory_space<hbm>>) target(%dma_start3A_376 : memref<128x32xf32, #tpu.memory_space<vmem>>) offsets(%dma_start3A_379 : memref<128xi32, #tpu.memory_space<vmem>>) semaphore(%arg14 : memref<!tpu.dma_semaphore, #tpu.memory_space<semaphore_mem>>)
        %mul3A_383 = arith.constant 4 : i32
        %mul3A_384 = arith.muli %sub3A_356, %mul3A_383 : i32
        %add3A_385 = arith.constant 2 : i32
        %add3A_386 = arith.addi %mul3A_384, %add3A_385 : i32
        %dma_start3A_387 = arith.constant 256 : i32
        %dma_start3A_388 = arith.constant 0 : i32
        %dma_start3A_389 = tpu.memref_slice %arg9[%dma_start3A_387, %dma_start3A_388] : memref<512x32xf32, #tpu.memory_space<vmem>> -> memref<128x32xf32, #tpu.memory_space<vmem>>
        %dma_start3A_390 = arith.constant 0 : i32
        %dma_start3A_391 = tpu.memref_slice %arg5[%add3A_386, %dma_start3A_390] : memref<200x128xi32, #tpu.memory_space<vmem>> -> memref<1x128xi32, #tpu.memory_space<vmem>>
        %dma_start3A_392 = tpu.memref_squeeze %dma_start3A_391 : memref<1x128xi32, #tpu.memory_space<vmem>> -> memref<128xi32, #tpu.memory_space<vmem>>
        %dma_start3A_393 = arith.constant 0 : i32
        %dma_start3A_394 = arith.constant 0 : i32
        %dma_start3A_395 = tpu.memref_slice %arg3[%dma_start3A_393, %dma_start3A_394] : memref<1000000x32xf32, #tpu.memory_space<hbm>> -> memref<1000000x32xf32, #tpu.memory_space<hbm>>
        tpu.enqueue_indirect_dma source(%dma_start3A_395 : memref<1000000x32xf32, #tpu.memory_space<hbm>>) target(%dma_start3A_389 : memref<128x32xf32, #tpu.memory_space<vmem>>) offsets(%dma_start3A_392 : memref<128xi32, #tpu.memory_space<vmem>>) semaphore(%arg14 : memref<!tpu.dma_semaphore, #tpu.memory_space<semaphore_mem>>)
        %mul3A_396 = arith.constant 4 : i32
        %mul3A_397 = arith.muli %sub3A_356, %mul3A_396 : i32
        %add3A_398 = arith.constant 3 : i32
        %add3A_399 = arith.addi %mul3A_397, %add3A_398 : i32
        %dma_start3A_400 = arith.constant 384 : i32
        %dma_start3A_401 = arith.constant 0 : i32
        %dma_start3A_402 = tpu.memref_slice %arg9[%dma_start3A_400, %dma_start3A_401] : memref<512x32xf32, #tpu.memory_space<vmem>> -> memref<128x32xf32, #tpu.memory_space<vmem>>
        %dma_start3A_403 = arith.constant 0 : i32
        %dma_start3A_404 = tpu.memref_slice %arg5[%add3A_399, %dma_start3A_403] : memref<200x128xi32, #tpu.memory_space<vmem>> -> memref<1x128xi32, #tpu.memory_space<vmem>>
        %dma_start3A_405 = tpu.memref_squeeze %dma_start3A_404 : memref<1x128xi32, #tpu.memory_space<vmem>> -> memref<128xi32, #tpu.memory_space<vmem>>
        %dma_start3A_406 = arith.constant 0 : i32
        %dma_start3A_407 = arith.constant 0 : i32
        %dma_start3A_408 = tpu.memref_slice %arg3[%dma_start3A_406, %dma_start3A_407] : memref<1000000x32xf32, #tpu.memory_space<hbm>> -> memref<1000000x32xf32, #tpu.memory_space<hbm>>
        tpu.enqueue_indirect_dma source(%dma_start3A_408 : memref<1000000x32xf32, #tpu.memory_space<hbm>>) target(%dma_start3A_402 : memref<128x32xf32, #tpu.memory_space<vmem>>) offsets(%dma_start3A_405 : memref<128xi32, #tpu.memory_space<vmem>>) semaphore(%arg14 : memref<!tpu.dma_semaphore, #tpu.memory_space<semaphore_mem>>)
      } else {
      }
    }
    %scan3A_166 = arith.constant 10 : i32
    %dma_wait3A = arith.constant 0 : i32
    %dma_wait3A_167 = arith.constant 0 : i32
    %dma_wait3A_168 = tpu.memref_slice %arg4[%dma_wait3A, %dma_wait3A_167] : memref<819200x128xf32, #tpu.memory_space<hbm>> -> memref<512x32xf32, #tpu.memory_space<hbm>>
    %dma_wait3A_169 = arith.constant 0 : i32
    %dma_wait3A_170 = arith.constant 0 : i32
    %dma_wait3A_171 = tpu.memref_slice %arg4[%dma_wait3A_169, %dma_wait3A_170] : memref<819200x128xf32, #tpu.memory_space<hbm>> -> memref<512x32xf32, #tpu.memory_space<hbm>>
    tpu.wait_dma2 semaphore(%arg20 : memref<!tpu.dma_semaphore, #tpu.memory_space<semaphore_mem>>) src(%dma_wait3A_171 : memref<512x32xf32, #tpu.memory_space<hbm>>) dst(%arg10 : memref<512x32xf32, #tpu.memory_space<vmem>>)
    return
  }
}

</mosaic_0001>

<sc_bundles>
// kernel: kernel.3.cloned.1.call-start
scs
__scs_entry_jumppad:
0x0: {  	(pc) =	sbr.rel $0x88, $3  }
0x1: {  	(tag) =	ssettag $0x0;
	lr =	simm.s32 $0x1  }
0x2: {  	[smem:$0x3F9F] =	sst lr;
	_ =	strace $0xD0000000  }
0x3: {  	_ = 	snop  }
0x4: {  	_ = 	snop  }
0x5: {  	_ = 	snop  }
0x6: {  	_ = 	snop  }
0x7: {  	_ = 	snop  }
__scs_overlays_trampoline_lowered:
0x8: {  	[smem:$0x3FAE] =	sst s0  }
0x9: {  	[smem:$0x3FAF] =	sst s1  }
0xa: {  	[smem:$0x3FB0] =	sst s2  }
0xb: {  	[smem:$0x3FB1] =	sst s3  }
0xc: {  	[smem:$0x3FB2] =	sst s4  }
0xd: {  	[smem:$0x3FB3] =	sst s5  }
0xe: {  	[smem:$0x3FB4] =	sst s6  }
0xf: {  	[smem:$0x3FB5] =	sst s7  }
0x10: {  	[smem:$0x3FB6] =	sst s8  }
0x11: {  	[smem:$0x3FB7] =	sst s9;
	s0 =	simm.s32 @!p0 $0x0  }
0x12: {  	s1 =	sld [smem:$0x3F9D];
	s0 =	simm.s32 @p0 $0x1  }
0x13: {  	[smem:$0x3FB8] =	sst s0;
	s0 =	simm.s32 @!p1 $0x0  }
0x14: {  	s2 =	sld [smem:$0x3F9C];
	s0 =	simm.s32 @p1 $0x1  }
0x15: {  	[smem:$0x3FB9] =	sst s0;
	s0 =	simm.s32 @!p2 $0x0  }
0x16: {  	s3 =	sld [smem:$0x3FDB];
	s0 =	simm.s32 @p2 $0x1  }
0x17: {  	s4 =	simm.s32 $0x1BF5;
	[smem:$0x3FBB] =	sst s0  }
0x18: {  	s0 =	sld [smem:$0x3F9E];
	_ =	swait.ge [sflag:s4], $0x0  }
0x19: {  	s7 =	sld [smem:$0x3F9F]  }
0x1a: {  	s8 =	sadd.s32 $0xFFFFE003, lr  }
0x1b: {  	s9 =	sadd.s32 $0xFFFFFEF7, lr;
	s5 =	simm.s32 $0xFFFFFFFF;
	p2 =	slt.u32 s8, $0xFFFFF086  }
0x1c: {  	p1 =	slt.u32 s9, $0xF7A;
	s5 =	simm.s32 @!p2 $0x0  }
0x1d: {  	s5 =	simm.s32 @p1 $0x1;
	p0 =	seq.s32 s7, s2  }
0x1e: {  	s7 =	smul.u32 @!p0 $0xF7A, s2;
	p2 =	seq.s32 @!p0 s5, $0x0  }
0x1f: {  	s9 =	smul.u32 $0xF7A, s1;
	s8 =	simm.s32 @!p0 $0x1BF5;
	p2 =	por !p2, p0  }
0x20: {  	[sflag:s8] =	ssyncset.s32 @!p0 $0xFFFFF086;
	s6 =	sadd.s32 @!p0 s3, s7;
	s7 =	simm.s32 @!p0 $0x108  }
0x21: {  	s3 =	sadd.s32 s3, s9;
	s6 =	sadd.s32 @!p0 $0x88, s6;
	s7 =	simm.s32 @p2 $0x1082  }
0x22: {  	[simem:s7], [sflag:s8] =	dma.local @!p0 [hbm:s6], $0xF7A  }
0x23: {  	s9 =	sor.u32 $0xD0000000, s2;
	s6 =	simm.s32 $0x108;
	_ =	swait.ge @!p0 [sflag:s8], $0x0  }
0x24: {  	s3 =	sadd.s32 $0x88, s3;
	s6 =	simm.s32 @!p1 $0x1082;
	[sflag:s4] =	ssyncset.s32 $0xFFFFF086  }
0x25: {  	[simem:s6], [sflag:s4] =	dma.local [hbm:s3], $0xF7A  }
0x26: {  	[smem:$0x3F9F] =	sst s1;
	(tag) =	ssettag s2;
	_ =	strace s9  }
0x27: {  	s1 =	sld [smem:$0x3FAF]  }
0x28: {  	s2 =	sld [smem:$0x3FB0]  }
0x29: {  	s4 =	sld [smem:$0x3FB2]  }
0x2a: {  	p0 =	seq.s32 s5, $0x0;
	s5 =	sld [smem:$0x3FB3]  }
0x2b: {  	s6 =	sld [smem:$0x3FB4]  }
0x2c: {  	s7 =	sld [smem:$0x3FB5]  }
0x2d: {  	s3 =	simm.s32 $0x108;
	s8 =	sld [smem:$0x3FB6]  }
0x2e: {  	s3 =	simm.s32 @!p0 $0x1082;
	s9 =	sld [smem:$0x3FB7]  }
0x2f: {  	lr =	sadd.s32 s0, s3;
	s0 =	sld [smem:$0x3FAE]  }
0x30: {  	s3 =	sld [smem:$0x3FB1]  }
0x31: {  	[smem:$0x3FBA] =	sst s10  }
0x32: {  	s10 =	sld [smem:$0x3FB8];
	_ =	sdelay $0x3  }
0x33: {  	p0 =	seq.s32 s10, $0x1;
	s10 =	sld [smem:$0x3FBA];
	_ =	sdelay $0x3  }
0x34: {  	[smem:$0x3FBA] =	sst s10  }
0x35: {  	s10 =	sld [smem:$0x3FB9];
	_ =	sdelay $0x3  }
0x36: {  	p1 =	seq.s32 s10, $0x1;
	s10 =	sld [smem:$0x3FBA];
	_ =	sdelay $0x3  }
0x37: {  	[smem:$0x3FBA] =	sst s10  }
0x38: {  	s10 =	sld [smem:$0x3FBB]  }
0x39: {  	_ = 	snop;
	(pc) =	sbr.ind lr, $3  }
0x3a: {  	_ = 	snop  }
0x3b: {  	_ = 	snop  }
0x3c: {  	p2 =	seq.s32 s10, $0x1;
	s10 =	sld [smem:$0x3FBA]  }
0x3d: {  	_ =	shalt  }
0x3e: {  	_ =	shalt  }
0x3f: {  	_ =	shalt  }
0x40: {  	_ =	shalt  }
0x41: {  	_ =	shalt  }
0x42: {  	_ =	shalt  }
0x43: {  	_ =	shalt  }
0x44: {  	_ =	shalt  }
0x45: {  	_ =	shalt  }
0x46: {  	_ =	shalt  }
0x47: {  	_ =	shalt  }
0x48: {  	_ =	shalt  }
0x49: {  	_ =	shalt  }
0x4a: {  	_ =	shalt  }
0x4b: {  	_ =	shalt  }
0x4c: {  	_ =	shalt  }
0x4d: {  	_ =	shalt  }
0x4e: {  	_ =	shalt  }
0x4f: {  	_ =	shalt  }
0x50: {  	_ =	shalt  }
0x51: {  	_ =	shalt  }
0x52: {  	_ =	shalt  }
0x53: {  	_ =	shalt  }
0x54: {  	_ =	shalt  }
0x55: {  	_ =	shalt  }
0x56: {  	_ =	shalt  }
0x57: {  	_ =	shalt  }
0x58: {  	_ =	shalt  }
0x59: {  	_ =	shalt  }
0x5a: {  	_ =	shalt  }
0x5b: {  	_ =	shalt  }
0x5c: {  	_ =	shalt  }
0x5d: {  	_ =	shalt  }
0x5e: {  	_ =	shalt  }
0x5f: {  	_ =	shalt  }
0x60: {  	_ =	shalt  }
0x61: {  	_ =	shalt  }
0x62: {  	_ =	shalt  }
0x63: {  	_ =	shalt  }
0x64: {  	_ =	shalt  }
0x65: {  	_ =	shalt  }
0x66: {  	_ =	shalt  }
0x67: {  	_ =	shalt  }
0x68: {  	_ =	shalt  }
0x69: {  	_ =	shalt  }
0x6a: {  	_ =	shalt  }
0x6b: {  	_ =	shalt  }
0x6c: {  	_ =	shalt  }
0x6d: {  	_ =	shalt  }
0x6e: {  	_ =	shalt  }
0x6f: {  	_ =	shalt  }
0x70: {  	_ =	shalt  }
0x71: {  	_ =	shalt  }
0x72: {  	_ =	shalt  }
0x73: {  	_ =	shalt  }
0x74: {  	_ =	shalt  }
0x75: {  	_ =	shalt  }
0x76: {  	_ =	shalt  }
0x77: {  	_ =	shalt  }
0x78: {  	_ =	shalt  }
0x79: {  	_ =	shalt  }
0x7a: {  	_ =	shalt  }
0x7b: {  	_ =	shalt  }
0x7c: {  	_ =	shalt  }
0x7d: {  	_ =	shalt  }
0x7e: {  	_ =	shalt  }
0x7f: {  	_ =	shalt  }
0x80: {  	_ =	shalt  }
0x81: {  	_ =	shalt  }
0x82: {  	_ =	shalt  }
0x83: {  	_ =	shalt  }
0x84: {  	_ =	shalt  }
0x85: {  	_ =	shalt  }
0x86: {  	_ =	shalt  }
0x87: {  	_ =	shalt  }
.Lfunc_end0:
.L_simem_size_0:
called_computation.1_lowered:
.L_overlay_start_0:
0x88: {  	s2 =	sld [smem:$0x3FD9]  }
0x89: {  	s3 =	sld [smem:$0x3FFE];
	_ =	sdelay $0x1  }
0x8a: {  	s1 =	srdreg.scid  }
0x8b: {  	s0 =	sand.u32 $0x1, s1  }
0x8c: {  	s17 =	sshll.u32 s0, $0xA;
	s2 =	sadd.s32 s3, s2  }
0x8d: {  	s2 =	sadd.s32 s2, s17  }
0x8e: {  	[smem:$0x3FC6] =	sst s2  }
0x8f: {  	_ = 	snop  }
0x90: {  	s2 =	sld [smem:$0x3FD0];
	(tm) =	ssettm $0x1  }
0x91: {  	s18 =	sld [smem:$0x3FFB];
	_ =	sdelay $0x3  }
0x92: {  	_ =	strace s18  }
0x93: {  	s3 =	sld [smem:$0x3FFC];
	_ =	sdelay $0x3  }
0x94: {  	_ =	strace s3  }
0x95: {  	s3 =	sld [smem:$0x3FFD];
	_ =	sdelay $0x3  }
0x96: {  	_ =	strace s3  }
0x97: {  	_ =	strace $0x8FFFFFFF  }
0x98: {  	s19 =	sld [smem:$0x3FDB];
	_ =	sdelay $0x1  }
0x99: {  	s4 =	simm.s32 $_scs_section_size  }
0x9a: {  	s5 =	simm.s32 $_size__tile_overlayer_lowered;
	s6 =	simm.s32 $_tile_overlayer_lowered  }
0x9b: {  	s22 =	simm.s32 $0x1BFF;
	s21 =	sshll.u32 s6, $0x1;
	s3 =	sadd.s32 s4, s19  }
0x9c: {  	s7 =	simm.s32 $0x0;
	s20 =	sshll.u32 s5, $0x1;
	s5 =	sadd.s32 s21, s3  }
0x9d: {  	[timem:s7], [sflag:s22] =	dma.local [hbm:s5], s20  }
0x9e: {  	_ =	swait.ge [sflag:s22], s20  }
0x9f: {  	s4 =	ssub.s32 $0x0, s20;
	[sflag:s22] =	ssyncset.done $0x0  }
0xa0: {  	[sflag:s22] =	ssyncadd.s32 s4;
	_ =	sdelay $0x1  }
0xa1: {  	s23 =	simm.s32 $0x1B8B  }
0xa2: {  	_ =	swait.ge [sflag:s23], $0x1  }
0xa3: {  	[sflag:s23] =	ssyncset.done $0x0  }
0xa4: {  	s25 =	simm.s32 $0x1B8E;
	s24 =	sld [smem:$0x3FFE];
	[sflag:s23] =	ssyncadd.s32 $0xFFFFFFFF  }
0xa5: {  	s26 =	simm.s32 $execute0_lowered;
	[smem:$0x3FD2] =	sst s25  }
0xa6: {  	s5 =	sshll.u32 s26, $0x1;
	_ =	strace $0x80000046;
	[dreg:$0x1] =	wrdreg $0xFFFFFFFF  }
0xa7: {  	s28 =	simm.s32 $_size_execute0_lowered;
	s3 =	sadd.s32 s3, s5;
	[dreg:$0x0] =	wrdreg $0x0  }
0xa8: {  	s5 =	sshll.u32 s28, $0x1;
	[dreg:$0x2] =	wrdreg s3  }
0xa9: {  	[dreg:$0x3] =	wrdreg s5  }
0xaa: {  	[dreg:$0x4] =	wrdreg $0xC0  }
0xab: {  	_ =	task [dreg:s7], $0x5FFFF  }
0xac: {  	[dreg:$0x1] =	wrdreg $0xFFFFFFFF  }
0xad: {  	[dreg:$0x0] =	wrdreg $0x60  }
0xae: {  	[dreg:$0x2] =	wrdreg s2  }
0xaf: {  	[dreg:$0x3] =	wrdreg s24  }
0xb0: {  	[dreg:$0x4] =	wrdreg $0x9  }
0xb1: {  	_ =	task.clear_ibuf [dreg:s7], $0x5FFFF;
	_ =	strace $0x90000046  }
0xb2: {  	s29 =	simm.s32 $0x9;
	_ =	strace $0x80000048  }
0xb3: {  	_ =	swait.ge [sflag:s29], $0x1  }
0xb4: {  	[sflag:s29] =	ssyncadd.s32 $0xFFFFFFFF  }
0xb5: {  	_ =	strace $0x90000048  }
0xb6: {  	_ =	sfence  }
0xb7: {  	s30 =	sld [smem:$0x0];
	_ =	sdelay $0x2  }
0xb8: {  	s31 =	sshll.u32 s1, $0xD;
	s1 =	sshrl.u32 s1, $0x2  }
0xb9: {  	s3 =	sand.u32 $0x4000, s31;
	s1 =	sadd.s32 s1, s30  }
0xba: {  	s0 =	sor.u32 s3, s0;
	s1 =	sshll.u32 s1, $0x11  }
0xbb: {  	s0 =	sor.u32 s1, s0  }
0xbc: {  	s0 =	sadd.s32 $0x8F2B, s0  }
0xbd: {  	[sflag:s0] =	ssyncadd.remote.s32 $0x1  }
0xbe: {  	_ =	sfence.sel $0xFFFF  }
0xbf: {  	[dreg:$0x0] =	wrdreg $0xFFFFFFFF;
	(pc) =	sbr.abs _section_cstart, $3  }
0xc0: {  	[dreg:$0x1] =	wrdreg $0xFFFFFFFF  }
0xc1: {  	_ =	task.clear_ibuf [dreg:s7], $0x2FFFF;
	_ =	strace $0x9FFFFFFF  }
0xc2: {  	(tm) =	ssettm $0x7FFFFFFF  }
0xc3: {  	_ =	shalt  }
tec
execute0_lowered:
.L_overlay_start_1:
0x0: {  	(tag) =	ssettag $0x1  }
0x1: {  	s0 =	rddreg [dreg:$0x0]  }
0x2: {  	s1 =	rddreg [dreg:$0x1]  }
0x3: {  	s2 =	srdreg.scid;
	s3 =	stileid.u32;
	s4 =	simm.s32 $0x0  }
0x4: {  	s13 =	simm.s32 $0x80;
	s30 =	simm.s32 $0xE400;
	s19 =	simm.s32 $0x12400  }
0x5: {  	s28 =	simm.s32 $0x1;
	s29 =	simm.s32 $0x20;
	s31 =	simm.s32 $0x16400  }
0x6: {  	s15 =	simm.s32 $0x19400;
	s16 =	simm.s32 $0x2;
	s17 =	simm.s32 $0x6  }
0x7: {  	s18 =	simm.s32 $0x3;
	s20 =	simm.s32 $0x7;
	s23 =	simm.s32 $0x4  }
0x8: {  	s14 =	simm.s32 $0x0;
	s2 =	sand.u32 $0x1, s2;
	s3 =	sshll.u32 s3, $0x1  }
0x9: {  	[smem:$0x7FF] =	sst s4;
	s4 =	sadd.s32 $0xF42E00, s1;
	s5 =	sor.u32 s2, s3  }
0xa: {  	s6 =	sadd.s32 $0xA00, s1;
	s2 =	ssub.s32 $0x2, s2;
	s3 =	smul.u32 $0x6400, s5  }
0xb: {  	_ =	strace $0x80000047;
	s5 =	smul.u32 $0x320000, s5;
	s25 =	sshrl.u32 s2, $0x1  }
.Ltmp0:
0xc: {  	s1 =	ssub.s32 s2, s25;
	s25 =	simm.s32 $0x8;
	(pc) =	sbr.rel .LBB2_1-.Ltmp0, $4  }
0xd: {  	s2 =	simm.s32 $0x5;
	s7 =	sshrl.u32 s3, $0x3;
	s8 =	sor.u32 $0x10000, s5  }
0xe: {  	s9 =	sadd.s32 $0x20000, s5;
	s10 =	sadd.s32 $0x30000, s5;
	s26 =	smax.u32 s1, $0x1  }
0xf: {  	s1 =	simm.s32 $0x18400;
	s0 =	sadd.s32 s0, s7;
	[dreg:$0x4] =	wrdreg s26  }
0x10: {  	s7 =	simm.s32 $0x9;
	[dreg:$0x3] =	wrdreg s0;
	s0 =	simm.s32 $0x17400  }
.LBB2_14:
0x11: {  	s12 =	simm.s32 $0xA  }
0x12: {  	_ =	swait.ge [sflag:s12], $0x4000  }
0x13: {  	s14 =	rddreg [dreg:$0x5]  }
0x14: {  	s11 =	rddreg [dreg:$0x4];
	s14 =	sadd.s32 $0x1, s14  }
0x15: {  	p0 =	sne.s32 s14, s11  }
.Ltmp1:
0x16: {  	_ = 	snop;
	(pc) =	sbr.rel @!p0 .LBB2_15-.Ltmp1, $3  }
0x17: {  	_ =	sdelay $0x1  }
0x18: {  	[sflag:s12] =	ssyncset.done $0x0  }
0x19: {  	[sflag:s12] =	ssyncadd.s32 $0xFFFFC000  }
.LBB2_1:
0x1a: {  	[dreg:$0x5] =	wrdreg s14  }
0x1b: {  	s11 =	simm.s32 $0x0;
	s12 =	rddreg [dreg:$0x3];
	s24 =	simm.s32 $0xB  }
0x1c: {  	[tilespmem:s11], [sflag:$0xB] =	stream.linear.gather [hbm4b:s12+s11], $0x6400, $0x38;
	[tilespmem:$0x1A400] =	vst v63  }
0x1d: {  	_ =	swait.ge [sflag:s24], $0x6400  }
0x1e: {  	[sflag:s24] =	ssyncset.done $0x0  }
0x1f: {  	s26 =	simm.s32 $0x6400;
	[sflag:s24] =	ssyncadd.s32 $0xFFFF9C00  }
0x20: {  	[tilespmem:s26], [sflag:$0x1] =	stream.indirect.gather [hbm4b:s4+s13], $0x20, s11, s13, $0xb8;
	[tilespmem:$0x1A400] =	vst v63  }
0x21: {  	s14 =	simm.s32 $0x7400  }
0x22: {  	[tilespmem:s14], [sflag:$0x1] =	stream.indirect.gather [hbm4b:s4+s13], $0x20, s13, s13, $0xb8;
	[tilespmem:$0x1A400] =	vst v63  }
0x23: {  	s21 =	simm.s32 $0x100;
	s22 =	simm.s32 $0x8400  }
0x24: {  	[tilespmem:s22], [sflag:$0x1] =	stream.indirect.gather [hbm4b:s4+s13], $0x20, s21, s13, $0xb8;
	[tilespmem:$0x1A400] =	vst v63  }
0x25: {  	s24 =	simm.s32 $0x180;
	s26 =	simm.s32 $0x9400  }
0x26: {  	[tilespmem:s26], [sflag:$0x1] =	stream.indirect.gather [hbm4b:s4+s13], $0x20, s24, s13, $0xb8;
	[tilespmem:$0x1A400] =	vst v63  }
0x27: {  	s12 =	simm.s32 $0x200;
	s14 =	simm.s32 $0xA400  }
0x28: {  	[tilespmem:s14], [sflag:$0x2] =	stream.indirect.gather [hbm4b:s4+s13], $0x20, s12, s13, $0xb8;
	[tilespmem:$0x1A400] =	vst v63  }
0x29: {  	s21 =	simm.s32 $0x280;
	s22 =	simm.s32 $0xB400  }
0x2a: {  	[tilespmem:s22], [sflag:$0x2] =	stream.indirect.gather [hbm4b:s4+s13], $0x20, s21, s13, $0xb8;
	[tilespmem:$0x1A400] =	vst v63  }
0x2b: {  	s24 =	simm.s32 $0x300;
	s26 =	simm.s32 $0xC400  }
0x2c: {  	[tilespmem:s26], [sflag:$0x2] =	stream.indirect.gather [hbm4b:s4+s13], $0x20, s24, s13, $0xb8;
	[tilespmem:$0x1A400] =	vst v63  }
0x2d: {  	s14 =	simm.s32 $0x380;
	s21 =	simm.s32 $0xD400  }
0x2e: {  	[tilespmem:s21], [sflag:$0x2] =	stream.indirect.gather [hbm4b:s4+s13], $0x20, s14, s13, $0xb8;
	[tilespmem:$0x1A400] =	vst v63  }
0x2f: {  	s22 =	simm.s32 $0x400  }
0x30: {  	[tilespmem:s30], [sflag:$0x3] =	stream.indirect.gather [hbm4b:s4+s13], $0x20, s22, s13, $0xb8;
	[tilespmem:$0x1A400] =	vst v63  }
0x31: {  	s24 =	simm.s32 $0x480;
	s26 =	simm.s32 $0xF400  }
0x32: {  	[tilespmem:s26], [sflag:$0x3] =	stream.indirect.gather [hbm4b:s4+s13], $0x20, s24, s13, $0xb8;
	[tilespmem:$0x1A400] =	vst v63  }
0x33: {  	s14 =	simm.s32 $0x500;
	s21 =	simm.s32 $0x10400  }
0x34: {  	[tilespmem:s21], [sflag:$0x3] =	stream.indirect.gather [hbm4b:s4+s13], $0x20, s14, s13, $0xb8;
	[tilespmem:$0x1A400] =	vst v63  }
0x35: {  	s22 =	simm.s32 $0x580;
	s24 =	simm.s32 $0x11400  }
0x36: {  	[tilespmem:s24], [sflag:$0x3] =	stream.indirect.gather [hbm4b:s4+s13], $0x20, s22, s13, $0xb8;
	[tilespmem:$0x1A400] =	vst v63  }
0x37: {  	s26 =	simm.s32 $0x600  }
0x38: {  	[tilespmem:s19], [sflag:$0x4] =	stream.indirect.gather [hbm4b:s4+s13], $0x20, s26, s13, $0xb8;
	[tilespmem:$0x1A400] =	vst v63  }
0x39: {  	s12 =	simm.s32 $0x680;
	s14 =	simm.s32 $0x13400  }
0x3a: {  	[tilespmem:s14], [sflag:$0x4] =	stream.indirect.gather [hbm4b:s4+s13], $0x20, s12, s13, $0xb8;
	[tilespmem:$0x1A400] =	vst v63  }
0x3b: {  	s21 =	simm.s32 $0x700;
	s22 =	simm.s32 $0x14400  }
0x3c: {  	[tilespmem:s22], [sflag:$0x4] =	stream.indirect.gather [hbm4b:s4+s13], $0x20, s21, s13, $0xb8;
	[tilespmem:$0x1A400] =	vst v63  }
0x3d: {  	s11 =	simm.s32 $0x0;
	s24 =	simm.s32 $0x780;
	s26 =	simm.s32 $0x15400  }
0x3e: {  	[tilespmem:s26], [sflag:$0x4] =	stream.indirect.gather [hbm4b:s4+s13], $0x20, s24, s13, $0xb8;
	[tilespmem:$0x1A400] =	vst v63  }
.LBB2_2:
0x3f: {  	_ =	swait.ge [sflag:s28], $0x4000  }
0x40: {  	[sflag:s28] =	ssyncset.done $0x0  }
0x41: {  	s12 =	simm.s32 $0x6480;
	[sflag:s28] =	ssyncadd.s32 $0xFFFFC000  }
0x42: {  	v0 =	vld [tilespmem:s12+$0xFFFFFF80]  }
0x43: {  	v1 =	vld [tilespmem:s12+$0xFFFFFF90]  }
0x44: {  	v2 =	vld [tilespmem:s12+$0xFFFFFFA0]  }
0x45: {  	v3 =	vld [tilespmem:s12+$0xFFFFFFB0]  }
0x46: {  	v4 =	vld [tilespmem:s12+$0xFFFFFFC0]  }
0x47: {  	v5 =	vld [tilespmem:s12+$0xFFFFFFD0];
	v0 =	vmul.f32 $5.656854150e+00, v0  }
0x48: {  	v6 =	vld [tilespmem:s12+$0xFFFFFFE0];
	v1 =	vmul.f32 $5.656854150e+00, v1  }
0x49: {  	[tilespmem:s12+$0xFFFFFF80] =	vst v0;
	v0 =	vmul.f32 $5.656854150e+00, v2;
	v2 =	vld [tilespmem:s12+$0x0]  }
0x4a: {  	[tilespmem:s12+$0xFFFFFF90] =	vst v1;
	v1 =	vmul.f32 $5.656854150e+00, v3;
	v3 =	vld [tilespmem:s12+$0x10]  }
0x4b: {  	[tilespmem:s12+$0xFFFFFFA0] =	vst v0;
	v0 =	vmul.f32 $5.656854150e+00, v4;
	v4 =	vld [tilespmem:s12+$0x20]  }
0x4c: {  	v7 =	vld [tilespmem:s12+$0x30];
	[tilespmem:s12+$0xFFFFFFB0] =	vst v1;
	v1 =	vmul.f32 $5.656854150e+00, v5  }
0x4d: {  	v5 =	vmul.f32 $5.656854150e+00, v6;
	[tilespmem:s12+$0xFFFFFFC0] =	vst v0;
	v0 =	vld [tilespmem:s12+$0x40]  }
0x4e: {  	[tilespmem:s12+$0xFFFFFFD0] =	vst v1;
	v1 =	vmul.f32 $5.656854150e+00, v2;
	v2 =	vld [tilespmem:s12+$0x50]  }
0x4f: {  	[tilespmem:s12+$0xFFFFFFE0] =	vst v5;
	v6 =	vmul.f32 $5.656854150e+00, v3;
	v3 =	vld [tilespmem:s12+$0x60]  }
0x50: {  	[tilespmem:s12+$0x0] =	vst v1;
	v5 =	vmul.f32 $5.656854150e+00, v4;
	v4 =	vld [tilespmem:s12+$0x70]  }
0x51: {  	s14 =	simm.s32 $0x0;
	s22 =	simm.s32 $0x6580;
	v1 =	vld [tilespmem:s12+$0xFFFFFFF0];
	[tilespmem:s12+$0x10] =	vst v6;
	v6 =	vmul.f32 $5.656854150e+00, v7  }
.LBB2_3:
0x52: {  	v7 =	vld [tilespmem:s22+$0xFFFFFF80];
	[tilespmem:s12+$0x20] =	vst v5;
	v0 =	vmul.f32 $5.656854150e+00, v0  }
0x53: {  	v5 =	vld [tilespmem:s22+$0xFFFFFF90];
	[tilespmem:s12+$0x30] =	vst v6;
	v2 =	vmul.f32 $5.656854150e+00, v2  }
0x54: {  	v6 =	vld [tilespmem:s22+$0xFFFFFFA0];
	[tilespmem:s12+$0x40] =	vst v0;
	v0 =	vmul.f32 $5.656854150e+00, v3  }
0x55: {  	v3 =	vld [tilespmem:s22+$0xFFFFFFB0];
	[tilespmem:s12+$0x50] =	vst v2;
	v2 =	vmul.f32 $5.656854150e+00, v4  }
0x56: {  	v4 =	vld [tilespmem:s22+$0xFFFFFFC0];
	v1 =	vmul.f32 $5.656854150e+00, v1;
	[tilespmem:s12+$0x60] =	vst v0  }
0x57: {  	v0 =	vmul.f32 $5.656854150e+00, v7;
	v7 =	vld [tilespmem:s22+$0xFFFFFFD0];
	[tilespmem:s12+$0x70] =	vst v2  }
0x58: {  	v2 =	vmul.f32 $5.656854150e+00, v5;
	v5 =	vld [tilespmem:s22+$0xFFFFFFE0];
	[tilespmem:s12+$0xFFFFFFF0] =	vst v1;
	s12 =	smov.u32 s22  }
0x59: {  	[tilespmem:s22+$0xFFFFFF80] =	vst v0;
	v0 =	vmul.f32 $5.656854150e+00, v6;
	v1 =	vld [tilespmem:s22+$0x0]  }
0x5a: {  	[tilespmem:s22+$0xFFFFFF90] =	vst v2;
	v2 =	vmul.f32 $5.656854150e+00, v3;
	v3 =	vld [tilespmem:s22+$0x10]  }
0x5b: {  	s14 =	sadd.s32 $0x8, s14;
	[tilespmem:s22+$0xFFFFFFA0] =	vst v0;
	v0 =	vmul.f32 $5.656854150e+00, v4;
	v4 =	vld [tilespmem:s22+$0x20]  }
0x5c: {  	p0 =	slt.u32 s14, $0x1F8;
	[tilespmem:s22+$0xFFFFFFB0] =	vst v2;
	v2 =	vmul.f32 $5.656854150e+00, v7;
	v6 =	vld [tilespmem:s22+$0x30]  }
.Ltmp2:
0x5d: {  	[tilespmem:s22+$0xFFFFFFC0] =	vst v0;
	v5 =	vmul.f32 $5.656854150e+00, v5;
	v0 =	vld [tilespmem:s22+$0x40];
	(pc) =	sbr.rel @p0 .LBB2_3-.Ltmp2, $4  }
0x5e: {  	[tilespmem:s22+$0xFFFFFFD0] =	vst v2;
	v1 =	vmul.f32 $5.656854150e+00, v1;
	v2 =	vld [tilespmem:s22+$0x50]  }
0x5f: {  	[tilespmem:s22+$0xFFFFFFE0] =	vst v5;
	v7 =	vmul.f32 $5.656854150e+00, v3;
	v3 =	vld [tilespmem:s22+$0x60]  }
0x60: {  	[tilespmem:s22+$0x0] =	vst v1;
	v5 =	vmul.f32 $5.656854150e+00, v4;
	v4 =	vld [tilespmem:s22+$0x70]  }
0x61: {  	s22 =	sadd.s32 $0x100, s22;
	v1 =	vld [tilespmem:s12+$0xFFFFFFF0];
	[tilespmem:s12+$0x10] =	vst v7;
	v6 =	vmul.f32 $5.656854150e+00, v6  }
0x62: {  	[tilespmem:s12+$0x20] =	vst v5;
	v0 =	vmul.f32 $5.656854150e+00, v0  }
0x63: {  	[tilespmem:s12+$0x30] =	vst v6;
	v2 =	vmul.f32 $5.656854150e+00, v2  }
0x64: {  	s14 =	smul.u32 $0xA00, s11;
	[tilespmem:s12+$0x40] =	vst v0;
	v0 =	vmul.f32 $5.656854150e+00, v3  }
0x65: {  	[tilespmem:s12+$0x50] =	vst v2;
	v2 =	vmul.f32 $5.656854150e+00, v4  }
0x66: {  	s14 =	sadd.s32 s3, s14;
	v1 =	vmul.f32 $5.656854150e+00, v1;
	[tilespmem:s12+$0x60] =	vst v0  }
0x67: {  	s21 =	simm.s32 $0x6400;
	s14 =	sshll.u32 s14, $0x4;
	[tilespmem:s12+$0x70] =	vst v2  }
0x68: {  	s22 =	smul.u32 $0x5, s11;
	p0 =	seq.s32 s11, $0x0;
	s14 =	sadd.s32 s6, s14;
	[tilespmem:s12+$0xFFFFFFF0] =	vst v1  }
0x69: {  	[hbm4b:s14+s29] =	stream.strided.scatter [tilespmem:s21], [sflag:$0x6], $0x4000, s13, s29, $0x38;
	[tilespmem:$0x1A400] =	vst v63  }
0x6a: {  	s14 =	simm.s32 @!p0 $0xA  }
0x6b: {  	s12 =	sadd.s32 $0x4, s22;
	_ =	swait.ge @!p0 [sflag:s14], $0x4000  }
0x6c: {  	s21 =	sshll.u32 s12, $0x9;
	[sflag:s14] =	ssyncset.done @!p0 $0x0  }
0x6d: {  	s24 =	sand.u32 $0x3FFFFE00, s21;
	[sflag:s14] =	ssyncadd.s32 @!p0 $0xFFFFC000  }
0x6e: {  	[tilespmem:s31], [sflag:$0x5] =	stream.indirect.gather [hbm4b:s4+s13], $0x20, s24, s13, $0xb8;
	[tilespmem:$0x1A400] =	vst v63  }
0x6f: {  	s21 =	sor.u32 $0x80, s24  }
0x70: {  	[tilespmem:s0], [sflag:$0x5] =	stream.indirect.gather [hbm4b:s4+s13], $0x20, s21, s13, $0xb8;
	[tilespmem:$0x1A400] =	vst v63  }
0x71: {  	s26 =	sor.u32 $0x100, s24  }
0x72: {  	[tilespmem:s1], [sflag:$0x5] =	stream.indirect.gather [hbm4b:s4+s13], $0x20, s26, s13, $0xb8;
	[tilespmem:$0x1A400] =	vst v63  }
0x73: {  	s14 =	sor.u32 $0x180, s24  }
0x74: {  	[tilespmem:s15], [sflag:$0x5] =	stream.indirect.gather [hbm4b:s4+s13], $0x20, s14, s13, $0xb8;
	[tilespmem:$0x1A400] =	vst v63  }
0x75: {  	_ =	swait.ge [sflag:s16], $0x4000  }
0x76: {  	[sflag:s16] =	ssyncset.done $0x0  }
0x77: {  	s22 =	simm.s32 $0xA480;
	[sflag:s16] =	ssyncadd.s32 $0xFFFFC000  }
0x78: {  	v0 =	vld [tilespmem:s22+$0xFFFFFF80]  }
0x79: {  	v1 =	vld [tilespmem:s22+$0xFFFFFF90]  }
0x7a: {  	v2 =	vld [tilespmem:s22+$0xFFFFFFA0]  }
0x7b: {  	v3 =	vld [tilespmem:s22+$0xFFFFFFB0]  }
0x7c: {  	v4 =	vld [tilespmem:s22+$0xFFFFFFC0]  }
0x7d: {  	v5 =	vld [tilespmem:s22+$0xFFFFFFD0];
	v0 =	vmul.f32 $5.656854150e+00, v0  }
0x7e: {  	v6 =	vld [tilespmem:s22+$0xFFFFFFE0];
	v1 =	vmul.f32 $5.656854150e+00, v1  }
0x7f: {  	[tilespmem:s22+$0xFFFFFF80] =	vst v0;
	v0 =	vmul.f32 $5.656854150e+00, v2;
	v2 =	vld [tilespmem:s22+$0x0]  }
0x80: {  	[tilespmem:s22+$0xFFFFFF90] =	vst v1;
	v1 =	vmul.f32 $5.656854150e+00, v3;
	v3 =	vld [tilespmem:s22+$0x10]  }
0x81: {  	[tilespmem:s22+$0xFFFFFFA0] =	vst v0;
	v0 =	vmul.f32 $5.656854150e+00, v4;
	v4 =	vld [tilespmem:s22+$0x20]  }
0x82: {  	v7 =	vld [tilespmem:s22+$0x30];
	[tilespmem:s22+$0xFFFFFFB0] =	vst v1;
	v1 =	vmul.f32 $5.656854150e+00, v5  }
0x83: {  	v5 =	vmul.f32 $5.656854150e+00, v6;
	[tilespmem:s22+$0xFFFFFFC0] =	vst v0;
	v0 =	vld [tilespmem:s22+$0x40]  }
0x84: {  	[tilespmem:s22+$0xFFFFFFD0] =	vst v1;
	v1 =	vmul.f32 $5.656854150e+00, v2;
	v2 =	vld [tilespmem:s22+$0x50]  }
0x85: {  	[tilespmem:s22+$0xFFFFFFE0] =	vst v5;
	v6 =	vmul.f32 $5.656854150e+00, v3;
	v3 =	vld [tilespmem:s22+$0x60]  }
0x86: {  	[tilespmem:s22+$0x0] =	vst v1;
	v5 =	vmul.f32 $5.656854150e+00, v4;
	v4 =	vld [tilespmem:s22+$0x70]  }
0x87: {  	s24 =	simm.s32 $0xA580;
	s14 =	simm.s32 $0x0;
	v1 =	vld [tilespmem:s22+$0xFFFFFFF0];
	[tilespmem:s22+$0x10] =	vst v6;
	v6 =	vmul.f32 $5.656854150e+00, v7  }
.LBB2_5:
0x88: {  	v7 =	vld [tilespmem:s24+$0xFFFFFF80];
	[tilespmem:s22+$0x20] =	vst v5;
	v0 =	vmul.f32 $5.656854150e+00, v0  }
0x89: {  	v5 =	vld [tilespmem:s24+$0xFFFFFF90];
	[tilespmem:s22+$0x30] =	vst v6;
	v2 =	vmul.f32 $5.656854150e+00, v2  }
0x8a: {  	v6 =	vld [tilespmem:s24+$0xFFFFFFA0];
	[tilespmem:s22+$0x40] =	vst v0;
	v0 =	vmul.f32 $5.656854150e+00, v3  }
0x8b: {  	v3 =	vld [tilespmem:s24+$0xFFFFFFB0];
	[tilespmem:s22+$0x50] =	vst v2;
	v2 =	vmul.f32 $5.656854150e+00, v4  }
0x8c: {  	v4 =	vld [tilespmem:s24+$0xFFFFFFC0];
	v1 =	vmul.f32 $5.656854150e+00, v1;
	[tilespmem:s22+$0x60] =	vst v0  }
0x8d: {  	v0 =	vmul.f32 $5.656854150e+00, v7;
	v7 =	vld [tilespmem:s24+$0xFFFFFFD0];
	[tilespmem:s22+$0x70] =	vst v2  }
0x8e: {  	v2 =	vmul.f32 $5.656854150e+00, v5;
	v5 =	vld [tilespmem:s24+$0xFFFFFFE0];
	[tilespmem:s22+$0xFFFFFFF0] =	vst v1;
	s22 =	smov.u32 s24  }
0x8f: {  	[tilespmem:s24+$0xFFFFFF80] =	vst v0;
	v0 =	vmul.f32 $5.656854150e+00, v6;
	v1 =	vld [tilespmem:s24+$0x0]  }
0x90: {  	[tilespmem:s24+$0xFFFFFF90] =	vst v2;
	v2 =	vmul.f32 $5.656854150e+00, v3;
	v3 =	vld [tilespmem:s24+$0x10]  }
0x91: {  	s14 =	sadd.s32 $0x8, s14;
	[tilespmem:s24+$0xFFFFFFA0] =	vst v0;
	v0 =	vmul.f32 $5.656854150e+00, v4;
	v4 =	vld [tilespmem:s24+$0x20]  }
0x92: {  	p0 =	slt.u32 s14, $0x1F8;
	[tilespmem:s24+$0xFFFFFFB0] =	vst v2;
	v2 =	vmul.f32 $5.656854150e+00, v7;
	v6 =	vld [tilespmem:s24+$0x30]  }
.Ltmp3:
0x93: {  	[tilespmem:s24+$0xFFFFFFC0] =	vst v0;
	v5 =	vmul.f32 $5.656854150e+00, v5;
	v0 =	vld [tilespmem:s24+$0x40];
	(pc) =	sbr.rel @p0 .LBB2_5-.Ltmp3, $4  }
0x94: {  	[tilespmem:s24+$0xFFFFFFD0] =	vst v2;
	v1 =	vmul.f32 $5.656854150e+00, v1;
	v2 =	vld [tilespmem:s24+$0x50]  }
0x95: {  	[tilespmem:s24+$0xFFFFFFE0] =	vst v5;
	v7 =	vmul.f32 $5.656854150e+00, v3;
	v3 =	vld [tilespmem:s24+$0x60]  }
0x96: {  	[tilespmem:s24+$0x0] =	vst v1;
	v5 =	vmul.f32 $5.656854150e+00, v4;
	v4 =	vld [tilespmem:s24+$0x70]  }
0x97: {  	s24 =	sadd.s32 $0x100, s24;
	v1 =	vld [tilespmem:s22+$0xFFFFFFF0];
	[tilespmem:s22+$0x10] =	vst v7;
	v6 =	vmul.f32 $5.656854150e+00, v6  }
0x98: {  	[tilespmem:s22+$0x20] =	vst v5;
	v0 =	vmul.f32 $5.656854150e+00, v0  }
0x99: {  	[tilespmem:s22+$0x30] =	vst v6;
	v2 =	vmul.f32 $5.656854150e+00, v2  }
0x9a: {  	s14 =	smul.u32 $0x50000, s11;
	[tilespmem:s22+$0x40] =	vst v0;
	v0 =	vmul.f32 $5.656854150e+00, v3  }
0x9b: {  	[tilespmem:s22+$0x50] =	vst v2;
	v2 =	vmul.f32 $5.656854150e+00, v4  }
0x9c: {  	s21 =	sadd.s32 s8, s14;
	v1 =	vmul.f32 $5.656854150e+00, v1;
	[tilespmem:s22+$0x60] =	vst v0  }
0x9d: {  	s21 =	sshrl.u32 s21, $0x3;
	[tilespmem:s22+$0x70] =	vst v2  }
0x9e: {  	s26 =	simm.s32 $0xA400;
	p0 =	seq.s32 s11, $0x9;
	s21 =	sadd.s32 s6, s21;
	[tilespmem:s22+$0xFFFFFFF0] =	vst v1  }
0x9f: {  	[hbm4b:s21+s29] =	stream.strided.scatter [tilespmem:s26], [sflag:$0x7], $0x4000, s13, s29, $0x38;
	[tilespmem:$0x1A400] =	vst v63  }
0xa0: {  	s21 =	smul.u32 @!p0 $0x2800, s11  }
0xa1: {  	_ =	swait.ge [sflag:s17], $0x4000  }
0xa2: {  	s24 =	simm.s32 @!p0 $0x80;
	[sflag:s17] =	ssyncset.done $0x0;
	s22 =	sshra.s32 @!p0 s21, $0x2  }
0xa3: {  	s26 =	simm.s32 @!p0 $0x6400;
	[sflag:s17] =	ssyncadd.s32 $0xFFFFC000;
	s21 =	sadd.s32 @!p0 $0xA00, s22  }
0xa4: {  	[tilespmem:s26], [sflag:$0x1] =	stream.indirect.gather @!p0 [hbm4b:s4+s24], $0x20, s21, s24, $0xb8;
	[tilespmem:$0x1A400] =	vst v63  }
0xa5: {  	s21 =	sadd.s32 @!p0 $0xA80, s22;
	s26 =	simm.s32 @!p0 $0x7400  }
0xa6: {  	[tilespmem:s26], [sflag:$0x1] =	stream.indirect.gather @!p0 [hbm4b:s4+s24], $0x20, s21, s24, $0xb8;
	[tilespmem:$0x1A400] =	vst v63  }
0xa7: {  	s21 =	sadd.s32 @!p0 $0xB00, s22;
	s26 =	simm.s32 @!p0 $0x8400  }
0xa8: {  	[tilespmem:s26], [sflag:$0x1] =	stream.indirect.gather @!p0 [hbm4b:s4+s24], $0x20, s21, s24, $0xb8;
	[tilespmem:$0x1A400] =	vst v63  }
0xa9: {  	s21 =	sadd.s32 @!p0 $0xB80, s22;
	s26 =	simm.s32 @!p0 $0x9400  }
0xaa: {  	[tilespmem:s26], [sflag:$0x1] =	stream.indirect.gather @!p0 [hbm4b:s4+s24], $0x20, s21, s24, $0xb8;
	[tilespmem:$0x1A400] =	vst v63  }
0xab: {  	_ =	swait.ge [sflag:s18], $0x4000  }
0xac: {  	[sflag:s18] =	ssyncset.done $0x0  }
0xad: {  	s24 =	simm.s32 $0xE480;
	[sflag:s18] =	ssyncadd.s32 $0xFFFFC000  }
0xae: {  	v0 =	vld [tilespmem:s24+$0xFFFFFF80]  }
0xaf: {  	v1 =	vld [tilespmem:s24+$0xFFFFFF90]  }
0xb0: {  	v2 =	vld [tilespmem:s24+$0xFFFFFFA0]  }
0xb1: {  	v3 =	vld [tilespmem:s24+$0xFFFFFFB0]  }
0xb2: {  	v4 =	vld [tilespmem:s24+$0xFFFFFFC0]  }
0xb3: {  	v5 =	vld [tilespmem:s24+$0xFFFFFFD0];
	v0 =	vmul.f32 $5.656854150e+00, v0  }
0xb4: {  	v6 =	vld [tilespmem:s24+$0xFFFFFFE0];
	v1 =	vmul.f32 $5.656854150e+00, v1  }
0xb5: {  	[tilespmem:s24+$0xFFFFFF80] =	vst v0;
	v0 =	vmul.f32 $5.656854150e+00, v2;
	v2 =	vld [tilespmem:s24+$0x0]  }
0xb6: {  	[tilespmem:s24+$0xFFFFFF90] =	vst v1;
	v1 =	vmul.f32 $5.656854150e+00, v3;
	v3 =	vld [tilespmem:s24+$0x10]  }
0xb7: {  	[tilespmem:s24+$0xFFFFFFA0] =	vst v0;
	v0 =	vmul.f32 $5.656854150e+00, v4;
	v4 =	vld [tilespmem:s24+$0x20]  }
0xb8: {  	v7 =	vld [tilespmem:s24+$0x30];
	[tilespmem:s24+$0xFFFFFFB0] =	vst v1;
	v1 =	vmul.f32 $5.656854150e+00, v5  }
0xb9: {  	v5 =	vmul.f32 $5.656854150e+00, v6;
	[tilespmem:s24+$0xFFFFFFC0] =	vst v0;
	v0 =	vld [tilespmem:s24+$0x40]  }
0xba: {  	[tilespmem:s24+$0xFFFFFFD0] =	vst v1;
	v1 =	vld [tilespmem:s24+$0x50];
	v2 =	vmul.f32 $5.656854150e+00, v2  }
0xbb: {  	[tilespmem:s24+$0xFFFFFFE0] =	vst v5;
	v6 =	vmul.f32 $5.656854150e+00, v3;
	v3 =	vld [tilespmem:s24+$0x60]  }
0xbc: {  	[tilespmem:s24+$0x0] =	vst v2;
	v5 =	vmul.f32 $5.656854150e+00, v4;
	v4 =	vld [tilespmem:s24+$0x70]  }
0xbd: {  	s26 =	simm.s32 $0x0;
	s21 =	simm.s32 $0xE580;
	v2 =	vld [tilespmem:s24+$0xFFFFFFF0];
	[tilespmem:s24+$0x10] =	vst v6;
	v6 =	vmul.f32 $5.656854150e+00, v7  }
.LBB2_7:
0xbe: {  	v7 =	vld [tilespmem:s21+$0xFFFFFF80];
	[tilespmem:s24+$0x20] =	vst v5;
	v0 =	vmul.f32 $5.656854150e+00, v0  }
0xbf: {  	v5 =	vld [tilespmem:s21+$0xFFFFFF90];
	[tilespmem:s24+$0x30] =	vst v6;
	v1 =	vmul.f32 $5.656854150e+00, v1  }
0xc0: {  	v6 =	vld [tilespmem:s21+$0xFFFFFFA0];
	[tilespmem:s24+$0x40] =	vst v0;
	v0 =	vmul.f32 $5.656854150e+00, v3  }
0xc1: {  	v3 =	vld [tilespmem:s21+$0xFFFFFFB0];
	[tilespmem:s24+$0x50] =	vst v1;
	v1 =	vmul.f32 $5.656854150e+00, v4  }
0xc2: {  	v4 =	vld [tilespmem:s21+$0xFFFFFFC0];
	v2 =	vmul.f32 $5.656854150e+00, v2;
	[tilespmem:s24+$0x60] =	vst v0  }
0xc3: {  	v0 =	vmul.f32 $5.656854150e+00, v7;
	v7 =	vld [tilespmem:s21+$0xFFFFFFD0];
	[tilespmem:s24+$0x70] =	vst v1  }
0xc4: {  	v1 =	vmul.f32 $5.656854150e+00, v5;
	v5 =	vld [tilespmem:s21+$0xFFFFFFE0];
	[tilespmem:s24+$0xFFFFFFF0] =	vst v2;
	s24 =	smov.u32 s21  }
0xc5: {  	[tilespmem:s21+$0xFFFFFF80] =	vst v0;
	v0 =	vmul.f32 $5.656854150e+00, v6;
	v2 =	vld [tilespmem:s21+$0x0]  }
0xc6: {  	[tilespmem:s21+$0xFFFFFF90] =	vst v1;
	v1 =	vmul.f32 $5.656854150e+00, v3;
	v3 =	vld [tilespmem:s21+$0x10]  }
0xc7: {  	s26 =	sadd.s32 $0x8, s26;
	[tilespmem:s21+$0xFFFFFFA0] =	vst v0;
	v0 =	vmul.f32 $5.656854150e+00, v4;
	v4 =	vld [tilespmem:s21+$0x20]  }
0xc8: {  	p1 =	slt.u32 s26, $0x1F8;
	[tilespmem:s21+$0xFFFFFFB0] =	vst v1;
	v1 =	vmul.f32 $5.656854150e+00, v7;
	v6 =	vld [tilespmem:s21+$0x30]  }
.Ltmp4:
0xc9: {  	[tilespmem:s21+$0xFFFFFFC0] =	vst v0;
	v5 =	vmul.f32 $5.656854150e+00, v5;
	v0 =	vld [tilespmem:s21+$0x40];
	(pc) =	sbr.rel @p1 .LBB2_7-.Ltmp4, $4  }
0xca: {  	[tilespmem:s21+$0xFFFFFFD0] =	vst v1;
	v2 =	vmul.f32 $5.656854150e+00, v2;
	v1 =	vld [tilespmem:s21+$0x50]  }
0xcb: {  	[tilespmem:s21+$0xFFFFFFE0] =	vst v5;
	v7 =	vmul.f32 $5.656854150e+00, v3;
	v3 =	vld [tilespmem:s21+$0x60]  }
0xcc: {  	[tilespmem:s21+$0x0] =	vst v2;
	v5 =	vmul.f32 $5.656854150e+00, v4;
	v4 =	vld [tilespmem:s21+$0x70]  }
0xcd: {  	s21 =	sadd.s32 $0x100, s21;
	v2 =	vld [tilespmem:s24+$0xFFFFFFF0];
	[tilespmem:s24+$0x10] =	vst v7;
	v6 =	vmul.f32 $5.656854150e+00, v6  }
0xce: {  	[tilespmem:s24+$0x20] =	vst v5;
	v0 =	vmul.f32 $5.656854150e+00, v0  }
0xcf: {  	[tilespmem:s24+$0x30] =	vst v6;
	v1 =	vmul.f32 $5.656854150e+00, v1  }
0xd0: {  	[tilespmem:s24+$0x40] =	vst v0;
	v0 =	vmul.f32 $5.656854150e+00, v3  }
0xd1: {  	[tilespmem:s24+$0x50] =	vst v1;
	v1 =	vmul.f32 $5.656854150e+00, v4  }
0xd2: {  	s21 =	sadd.s32 s9, s14;
	v2 =	vmul.f32 $5.656854150e+00, v2;
	[tilespmem:s24+$0x60] =	vst v0  }
0xd3: {  	s21 =	sshrl.u32 s21, $0x3;
	[tilespmem:s24+$0x70] =	vst v1  }
0xd4: {  	s21 =	sadd.s32 s6, s21;
	[tilespmem:s24+$0xFFFFFFF0] =	vst v2  }
0xd5: {  	[hbm4b:s21+s29] =	stream.strided.scatter [tilespmem:s30], [sflag:$0x8], $0x4000, s13, s29, $0x38;
	[tilespmem:$0x1A400] =	vst v63  }
0xd6: {  	_ =	swait.ge [sflag:s20], $0x4000  }
0xd7: {  	s26 =	simm.s32 @!p0 $0xA400;
	[sflag:s20] =	ssyncset.done $0x0  }
0xd8: {  	s24 =	simm.s32 @!p0 $0x80;
	s21 =	sadd.s32 @!p0 $0xC00, s22;
	[sflag:s20] =	ssyncadd.s32 $0xFFFFC000  }
0xd9: {  	[tilespmem:s26], [sflag:$0x2] =	stream.indirect.gather @!p0 [hbm4b:s4+s24], $0x20, s21, s24, $0xb8;
	[tilespmem:$0x1A400] =	vst v63  }
0xda: {  	s21 =	sadd.s32 @!p0 $0xC80, s22;
	s26 =	simm.s32 @!p0 $0xB400  }
0xdb: {  	[tilespmem:s26], [sflag:$0x2] =	stream.indirect.gather @!p0 [hbm4b:s4+s24], $0x20, s21, s24, $0xb8;
	[tilespmem:$0x1A400] =	vst v63  }
0xdc: {  	s21 =	sadd.s32 @!p0 $0xD00, s22;
	s26 =	simm.s32 @!p0 $0xC400  }
0xdd: {  	[tilespmem:s26], [sflag:$0x2] =	stream.indirect.gather @!p0 [hbm4b:s4+s24], $0x20, s21, s24, $0xb8;
	[tilespmem:$0x1A400] =	vst v63  }
0xde: {  	s21 =	sadd.s32 @!p0 $0xD80, s22;
	s26 =	simm.s32 @!p0 $0xD400  }
0xdf: {  	[tilespmem:s26], [sflag:$0x2] =	stream.indirect.gather @!p0 [hbm4b:s4+s24], $0x20, s21, s24, $0xb8;
	[tilespmem:$0x1A400] =	vst v63  }
0xe0: {  	_ =	swait.ge [sflag:s23], $0x4000  }
0xe1: {  	[sflag:s23] =	ssyncset.done $0x0  }
0xe2: {  	s24 =	simm.s32 $0x12480;
	[sflag:s23] =	ssyncadd.s32 $0xFFFFC000  }
0xe3: {  	v0 =	vld [tilespmem:s24+$0xFFFFFF80]  }
0xe4: {  	v1 =	vld [tilespmem:s24+$0xFFFFFF90]  }
0xe5: {  	v2 =	vld [tilespmem:s24+$0xFFFFFFA0]  }
0xe6: {  	v3 =	vld [tilespmem:s24+$0xFFFFFFB0]  }
0xe7: {  	v4 =	vld [tilespmem:s24+$0xFFFFFFC0]  }
0xe8: {  	v5 =	vld [tilespmem:s24+$0xFFFFFFD0];
	v0 =	vmul.f32 $5.656854150e+00, v0  }
0xe9: {  	v6 =	vld [tilespmem:s24+$0xFFFFFFE0];
	v1 =	vmul.f32 $5.656854150e+00, v1  }
0xea: {  	[tilespmem:s24+$0xFFFFFF80] =	vst v0;
	v0 =	vmul.f32 $5.656854150e+00, v2;
	v2 =	vld [tilespmem:s24+$0x0]  }
0xeb: {  	[tilespmem:s24+$0xFFFFFF90] =	vst v1;
	v1 =	vmul.f32 $5.656854150e+00, v3;
	v3 =	vld [tilespmem:s24+$0x10]  }
0xec: {  	[tilespmem:s24+$0xFFFFFFA0] =	vst v0;
	v0 =	vmul.f32 $5.656854150e+00, v4;
	v4 =	vld [tilespmem:s24+$0x20]  }
0xed: {  	v7 =	vld [tilespmem:s24+$0x30];
	[tilespmem:s24+$0xFFFFFFB0] =	vst v1;
	v1 =	vmul.f32 $5.656854150e+00, v5  }
0xee: {  	v5 =	vmul.f32 $5.656854150e+00, v6;
	[tilespmem:s24+$0xFFFFFFC0] =	vst v0;
	v0 =	vld [tilespmem:s24+$0x40]  }
0xef: {  	[tilespmem:s24+$0xFFFFFFD0] =	vst v1;
	v1 =	vld [tilespmem:s24+$0x50];
	v2 =	vmul.f32 $5.656854150e+00, v2  }
0xf0: {  	[tilespmem:s24+$0xFFFFFFE0] =	vst v5;
	v6 =	vmul.f32 $5.656854150e+00, v3;
	v3 =	vld [tilespmem:s24+$0x60]  }
0xf1: {  	[tilespmem:s24+$0x0] =	vst v2;
	v5 =	vmul.f32 $5.656854150e+00, v4;
	v4 =	vld [tilespmem:s24+$0x70]  }
0xf2: {  	s26 =	simm.s32 $0x0;
	s21 =	simm.s32 $0x12580;
	v2 =	vld [tilespmem:s24+$0xFFFFFFF0];
	[tilespmem:s24+$0x10] =	vst v6;
	v6 =	vmul.f32 $5.656854150e+00, v7  }
.LBB2_9:
0xf3: {  	v7 =	vld [tilespmem:s21+$0xFFFFFF80];
	[tilespmem:s24+$0x20] =	vst v5;
	v0 =	vmul.f32 $5.656854150e+00, v0  }
0xf4: {  	v5 =	vld [tilespmem:s21+$0xFFFFFF90];
	[tilespmem:s24+$0x30] =	vst v6;
	v1 =	vmul.f32 $5.656854150e+00, v1  }
0xf5: {  	v6 =	vld [tilespmem:s21+$0xFFFFFFA0];
	[tilespmem:s24+$0x40] =	vst v0;
	v0 =	vmul.f32 $5.656854150e+00, v3  }
0xf6: {  	v3 =	vld [tilespmem:s21+$0xFFFFFFB0];
	[tilespmem:s24+$0x50] =	vst v1;
	v1 =	vmul.f32 $5.656854150e+00, v4  }
0xf7: {  	v4 =	vld [tilespmem:s21+$0xFFFFFFC0];
	v2 =	vmul.f32 $5.656854150e+00, v2;
	[tilespmem:s24+$0x60] =	vst v0  }
0xf8: {  	v0 =	vmul.f32 $5.656854150e+00, v7;
	v7 =	vld [tilespmem:s21+$0xFFFFFFD0];
	[tilespmem:s24+$0x70] =	vst v1  }
0xf9: {  	v1 =	vmul.f32 $5.656854150e+00, v5;
	v5 =	vld [tilespmem:s21+$0xFFFFFFE0];
	[tilespmem:s24+$0xFFFFFFF0] =	vst v2;
	s24 =	smov.u32 s21  }
0xfa: {  	[tilespmem:s21+$0xFFFFFF80] =	vst v0;
	v0 =	vmul.f32 $5.656854150e+00, v6;
	v2 =	vld [tilespmem:s21+$0x0]  }
0xfb: {  	[tilespmem:s21+$0xFFFFFF90] =	vst v1;
	v1 =	vmul.f32 $5.656854150e+00, v3;
	v3 =	vld [tilespmem:s21+$0x10]  }
0xfc: {  	s26 =	sadd.s32 $0x8, s26;
	[tilespmem:s21+$0xFFFFFFA0] =	vst v0;
	v0 =	vmul.f32 $5.656854150e+00, v4;
	v4 =	vld [tilespmem:s21+$0x20]  }
0xfd: {  	p1 =	slt.u32 s26, $0x1F8;
	[tilespmem:s21+$0xFFFFFFB0] =	vst v1;
	v1 =	vmul.f32 $5.656854150e+00, v7;
	v6 =	vld [tilespmem:s21+$0x30]  }
.Ltmp5:
0xfe: {  	[tilespmem:s21+$0xFFFFFFC0] =	vst v0;
	v5 =	vmul.f32 $5.656854150e+00, v5;
	v0 =	vld [tilespmem:s21+$0x40];
	(pc) =	sbr.rel @p1 .LBB2_9-.Ltmp5, $4  }
0xff: {  	[tilespmem:s21+$0xFFFFFFD0] =	vst v1;
	v2 =	vmul.f32 $5.656854150e+00, v2;
	v1 =	vld [tilespmem:s21+$0x50]  }
0x100: {  	[tilespmem:s21+$0xFFFFFFE0] =	vst v5;
	v7 =	vmul.f32 $5.656854150e+00, v3;
	v3 =	vld [tilespmem:s21+$0x60]  }
0x101: {  	[tilespmem:s21+$0x0] =	vst v2;
	v5 =	vmul.f32 $5.656854150e+00, v4;
	v4 =	vld [tilespmem:s21+$0x70]  }
0x102: {  	s21 =	sadd.s32 $0x100, s21;
	v2 =	vld [tilespmem:s24+$0xFFFFFFF0];
	[tilespmem:s24+$0x10] =	vst v7;
	v6 =	vmul.f32 $5.656854150e+00, v6  }
0x103: {  	[tilespmem:s24+$0x20] =	vst v5;
	v0 =	vmul.f32 $5.656854150e+00, v0  }
0x104: {  	[tilespmem:s24+$0x30] =	vst v6;
	v1 =	vmul.f32 $5.656854150e+00, v1  }
0x105: {  	[tilespmem:s24+$0x40] =	vst v0;
	v0 =	vmul.f32 $5.656854150e+00, v3  }
0x106: {  	[tilespmem:s24+$0x50] =	vst v1;
	v1 =	vmul.f32 $5.656854150e+00, v4  }
0x107: {  	s14 =	sadd.s32 s10, s14;
	v2 =	vmul.f32 $5.656854150e+00, v2;
	[tilespmem:s24+$0x60] =	vst v0  }
0x108: {  	s14 =	sshrl.u32 s14, $0x3;
	[tilespmem:s24+$0x70] =	vst v1  }
0x109: {  	s14 =	sadd.s32 s6, s14;
	[tilespmem:s24+$0xFFFFFFF0] =	vst v2  }
0x10a: {  	[hbm4b:s14+s29] =	stream.strided.scatter [tilespmem:s19], [sflag:$0x9], $0x4000, s13, s29, $0x38;
	[tilespmem:$0x1A400] =	vst v63  }
0x10b: {  	_ =	swait.ge [sflag:s25], $0x4000  }
0x10c: {  	s21 =	simm.s32 @!p0 $0x80;
	[sflag:s25] =	ssyncset.done $0x0  }
0x10d: {  	s24 =	simm.s32 @!p0 $0xE400;
	s14 =	sadd.s32 @!p0 $0xE00, s22;
	[sflag:s25] =	ssyncadd.s32 $0xFFFFC000  }
0x10e: {  	[tilespmem:s24], [sflag:$0x3] =	stream.indirect.gather @!p0 [hbm4b:s4+s21], $0x20, s14, s21, $0xb8;
	[tilespmem:$0x1A400] =	vst v63  }
0x10f: {  	s14 =	sadd.s32 @!p0 $0xE80, s22;
	s24 =	simm.s32 @!p0 $0xF400  }
0x110: {  	[tilespmem:s24], [sflag:$0x3] =	stream.indirect.gather @!p0 [hbm4b:s4+s21], $0x20, s14, s21, $0xb8;
	[tilespmem:$0x1A400] =	vst v63  }
0x111: {  	s14 =	sadd.s32 @!p0 $0xF00, s22;
	s24 =	simm.s32 @!p0 $0x10400  }
0x112: {  	[tilespmem:s24], [sflag:$0x3] =	stream.indirect.gather @!p0 [hbm4b:s4+s21], $0x20, s14, s21, $0xb8;
	[tilespmem:$0x1A400] =	vst v63  }
0x113: {  	s14 =	sadd.s32 @!p0 $0xF80, s22;
	s22 =	simm.s32 @!p0 $0x11400  }
0x114: {  	[tilespmem:s22], [sflag:$0x3] =	stream.indirect.gather @!p0 [hbm4b:s4+s21], $0x20, s14, s21, $0xb8;
	[tilespmem:$0x1A400] =	vst v63  }
0x115: {  	_ =	swait.ge [sflag:s2], $0x4000  }
0x116: {  	[sflag:s2] =	ssyncset.done $0x0  }
0x117: {  	s14 =	simm.s32 $0x16480;
	[sflag:s2] =	ssyncadd.s32 $0xFFFFC000  }
0x118: {  	v0 =	vld [tilespmem:s14+$0xFFFFFF80]  }
0x119: {  	v1 =	vld [tilespmem:s14+$0xFFFFFF90]  }
0x11a: {  	v2 =	vld [tilespmem:s14+$0xFFFFFFA0]  }
0x11b: {  	v3 =	vld [tilespmem:s14+$0xFFFFFFB0]  }
0x11c: {  	v4 =	vld [tilespmem:s14+$0xFFFFFFC0]  }
0x11d: {  	v5 =	vld [tilespmem:s14+$0xFFFFFFD0];
	v0 =	vmul.f32 $5.656854150e+00, v0  }
0x11e: {  	v6 =	vld [tilespmem:s14+$0xFFFFFFE0];
	v1 =	vmul.f32 $5.656854150e+00, v1  }
0x11f: {  	[tilespmem:s14+$0xFFFFFF80] =	vst v0;
	v0 =	vmul.f32 $5.656854150e+00, v2;
	v2 =	vld [tilespmem:s14+$0x0]  }
0x120: {  	[tilespmem:s14+$0xFFFFFF90] =	vst v1;
	v1 =	vmul.f32 $5.656854150e+00, v3;
	v3 =	vld [tilespmem:s14+$0x10]  }
0x121: {  	[tilespmem:s14+$0xFFFFFFA0] =	vst v0;
	v0 =	vmul.f32 $5.656854150e+00, v4;
	v4 =	vld [tilespmem:s14+$0x20]  }
0x122: {  	v7 =	vld [tilespmem:s14+$0x30];
	[tilespmem:s14+$0xFFFFFFB0] =	vst v1;
	v1 =	vmul.f32 $5.656854150e+00, v5  }
0x123: {  	v5 =	vmul.f32 $5.656854150e+00, v6;
	[tilespmem:s14+$0xFFFFFFC0] =	vst v0;
	v0 =	vld [tilespmem:s14+$0x40]  }
0x124: {  	[tilespmem:s14+$0xFFFFFFD0] =	vst v1;
	v1 =	vmul.f32 $5.656854150e+00, v2;
	v2 =	vld [tilespmem:s14+$0x50]  }
0x125: {  	[tilespmem:s14+$0xFFFFFFE0] =	vst v5;
	v6 =	vmul.f32 $5.656854150e+00, v3;
	v3 =	vld [tilespmem:s14+$0x60]  }
0x126: {  	[tilespmem:s14+$0x0] =	vst v1;
	v5 =	vmul.f32 $5.656854150e+00, v4;
	v4 =	vld [tilespmem:s14+$0x70]  }
0x127: {  	s22 =	simm.s32 $0x0;
	s21 =	simm.s32 $0x16580;
	v1 =	vld [tilespmem:s14+$0xFFFFFFF0];
	[tilespmem:s14+$0x10] =	vst v6;
	v6 =	vmul.f32 $5.656854150e+00, v7  }
.LBB2_11:
0x128: {  	v7 =	vld [tilespmem:s21+$0xFFFFFF80];
	[tilespmem:s14+$0x20] =	vst v5;
	v0 =	vmul.f32 $5.656854150e+00, v0  }
0x129: {  	v5 =	vld [tilespmem:s21+$0xFFFFFF90];
	[tilespmem:s14+$0x30] =	vst v6;
	v2 =	vmul.f32 $5.656854150e+00, v2  }
0x12a: {  	v6 =	vld [tilespmem:s21+$0xFFFFFFA0];
	[tilespmem:s14+$0x40] =	vst v0;
	v0 =	vmul.f32 $5.656854150e+00, v3  }
0x12b: {  	v3 =	vld [tilespmem:s21+$0xFFFFFFB0];
	[tilespmem:s14+$0x50] =	vst v2;
	v2 =	vmul.f32 $5.656854150e+00, v4  }
0x12c: {  	v4 =	vld [tilespmem:s21+$0xFFFFFFC0];
	v1 =	vmul.f32 $5.656854150e+00, v1;
	[tilespmem:s14+$0x60] =	vst v0  }
0x12d: {  	v0 =	vmul.f32 $5.656854150e+00, v7;
	v7 =	vld [tilespmem:s21+$0xFFFFFFD0];
	[tilespmem:s14+$0x70] =	vst v2  }
0x12e: {  	v2 =	vmul.f32 $5.656854150e+00, v5;
	v5 =	vld [tilespmem:s21+$0xFFFFFFE0];
	[tilespmem:s14+$0xFFFFFFF0] =	vst v1;
	s14 =	smov.u32 s21  }
0x12f: {  	[tilespmem:s21+$0xFFFFFF80] =	vst v0;
	v0 =	vmul.f32 $5.656854150e+00, v6;
	v1 =	vld [tilespmem:s21+$0x0]  }
0x130: {  	[tilespmem:s21+$0xFFFFFF90] =	vst v2;
	v2 =	vmul.f32 $5.656854150e+00, v3;
	v3 =	vld [tilespmem:s21+$0x10]  }
0x131: {  	s22 =	sadd.s32 $0x8, s22;
	[tilespmem:s21+$0xFFFFFFA0] =	vst v0;
	v0 =	vmul.f32 $5.656854150e+00, v4;
	v4 =	vld [tilespmem:s21+$0x20]  }
0x132: {  	p1 =	slt.u32 s22, $0x1F8;
	[tilespmem:s21+$0xFFFFFFB0] =	vst v2;
	v2 =	vmul.f32 $5.656854150e+00, v7;
	v6 =	vld [tilespmem:s21+$0x30]  }
.Ltmp6:
0x133: {  	[tilespmem:s21+$0xFFFFFFC0] =	vst v0;
	v5 =	vmul.f32 $5.656854150e+00, v5;
	v0 =	vld [tilespmem:s21+$0x40];
	(pc) =	sbr.rel @p1 .LBB2_11-.Ltmp6, $4  }
0x134: {  	[tilespmem:s21+$0xFFFFFFD0] =	vst v2;
	v1 =	vmul.f32 $5.656854150e+00, v1;
	v2 =	vld [tilespmem:s21+$0x50]  }
0x135: {  	[tilespmem:s21+$0xFFFFFFE0] =	vst v5;
	v7 =	vmul.f32 $5.656854150e+00, v3;
	v3 =	vld [tilespmem:s21+$0x60]  }
0x136: {  	[tilespmem:s21+$0x0] =	vst v1;
	v5 =	vmul.f32 $5.656854150e+00, v4;
	v4 =	vld [tilespmem:s21+$0x70]  }
0x137: {  	s21 =	sadd.s32 $0x100, s21;
	v1 =	vld [tilespmem:s14+$0xFFFFFFF0];
	[tilespmem:s14+$0x10] =	vst v7;
	v6 =	vmul.f32 $5.656854150e+00, v6  }
0x138: {  	[tilespmem:s14+$0x20] =	vst v5;
	v0 =	vmul.f32 $5.656854150e+00, v0  }
0x139: {  	[tilespmem:s14+$0x30] =	vst v6;
	v2 =	vmul.f32 $5.656854150e+00, v2  }
0x13a: {  	[tilespmem:s14+$0x40] =	vst v0;
	v62 =	vmul.f32 $5.656854150e+00, v3  }
0x13b: {  	s12 =	sshll.u32 s12, $0x10;
	[tilespmem:s14+$0x50] =	vst v2;
	v63 =	vmul.f32 $5.656854150e+00, v4  }
0x13c: {  	s12 =	sadd.s32 s5, s12;
	v1 =	vmul.f32 $5.656854150e+00, v1;
	[tilespmem:s14+$0x60] =	vst v62  }
0x13d: {  	s12 =	sshrl.u32 s12, $0x3;
	[tilespmem:s14+$0x70] =	vst v63  }
.Ltmp7:
0x13e: {  	s12 =	sadd.s32 s6, s12;
	[tilespmem:s14+$0xFFFFFFF0] =	vst v1;
	(pc) =	sbr.rel @p0 .LBB2_14-.Ltmp7, $4  }
0x13f: {  	[hbm4b:s12+s29] =	stream.strided.scatter [tilespmem:s31], [sflag:$0xA], $0x4000, s13, s29, $0x38;
	[tilespmem:$0x1A400] =	vst v63  }
0x140: {  	_ =	swait.ge [sflag:s7], $0x4000  }
0x141: {  	[sflag:s7] =	ssyncset.done $0x0  }
0x142: {  	[sflag:s7] =	ssyncadd.s32 $0xFFFFC000  }
0x143: {  	s12 =	smul.u32 $0x2800, s11;
	_ =	sdelay $0x1  }
0x144: {  	s12 =	sshra.s32 s12, $0x2  }
0x145: {  	s14 =	sadd.s32 $0x1000, s12  }
0x146: {  	[tilespmem:s19], [sflag:$0x4] =	stream.indirect.gather [hbm4b:s4+s13], $0x20, s14, s13, $0xb8;
	[tilespmem:$0x1A400] =	vst v63  }
0x147: {  	s21 =	simm.s32 $0x13400;
	s26 =	sadd.s32 $0x1080, s12  }
0x148: {  	[tilespmem:s21], [sflag:$0x4] =	stream.indirect.gather [hbm4b:s4+s13], $0x20, s26, s13, $0xb8;
	[tilespmem:$0x1A400] =	vst v63  }
.Ltmp8:
0x149: {  	_ = 	snop;
	(pc) =	sbr.rel .LBB2_2-.Ltmp8, $4  }
0x14a: {  	s24 =	simm.s32 $0x14400;
	s22 =	sadd.s32 $0x1100, s12  }
0x14b: {  	[tilespmem:s24], [sflag:$0x4] =	stream.indirect.gather [hbm4b:s4+s13], $0x20, s22, s13, $0xb8;
	[tilespmem:$0x1A400] =	vst v63  }
0x14c: {  	s11 =	sadd.s32 $0x1, s11;
	s12 =	sadd.s32 $0x1180, s12;
	s26 =	simm.s32 $0x15400  }
0x14d: {  	[tilespmem:s26], [sflag:$0x4] =	stream.indirect.gather [hbm4b:s4+s13], $0x20, s12, s13, $0xb8;
	[tilespmem:$0x1A400] =	vst v63  }
.LBB2_15:
0x14e: {  	_ =	sfence.sel $0x180000  }
0x14f: {  	[bflag:$0x0] =	sbarrier.arrive $0xFFFF  }
0x150: {  	_ =	strace $0x90000047  }
0x151: {  	s0 =	stileid.u32;
	[bflag:$0x2] =	sbarrier.arrive $0xFFFF  }
0x152: {  	p0 =	sne.s32 s0, $0x0;
	s0 =	rddreg [dreg:$0x2]  }
0x153: {  	s0 =	sadd.s32 @!p0 $0x100000, s0  }
0x154: {  	[sflag:s0] =	ssyncadd.tile.s32 @!p0 $0x1;
	_ =	shalt  }
.Lfunc_end2:
_tile_overlayer_lowered:
.L_overlay_start_2:
0x155: {  	(tag) =	ssettag $0x2  }
0x156: {  	s0 =	rddreg [dreg:$0x0];
	s2 =	stileid.u32  }
0x157: {  	s1 =	rddreg [dreg:$0x1];
	p0 =	sne.s32 s2, $0x0  }
0x158: {  	s3 =	rddreg [dreg:$0x2];
	[bflag:$0x3] =	sbarrier.arrive $0xFFFF;
	s2 =	simm.s32 @!p0 $0x1C0B  }
0x159: {  	[timem:s3], [sflag:s2] =	dma.local @!p0 [hbm:s0], s1  }
0x15a: {  	s0 =	simm.s32 @!p0 $0xB  }
0x15b: {  	_ =	swait.ge @!p0 [sflag:s0], s1  }
0x15c: {  	s1 =	ssub.s32 @!p0 $0x0, s1;
	[sflag:s0] =	ssyncset.done @!p0 $0x0  }
0x15d: {  	[sflag:s0] =	ssyncadd.s32 @!p0 s1  }
0x15e: {  	[bflag:$0x3] =	sbarrier.arrive $0xFFFF  }
0x15f: {  	_ =	shalt  }

// kernel: sparse-core-data-format-call.cloned.1.call-start
scs
called_computation_lowered:
.L_overlay_start_0:
0x0: {  	s2 =	sld [smem:$0x3FD9]  }
0x1: {  	s3 =	sld [smem:$0x3FFE];
	_ =	sdelay $0x1  }
0x2: {  	s1 =	srdreg.scid  }
0x3: {  	s0 =	sand.u32 $0x1, s1  }
0x4: {  	s18 =	sshll.u32 s0, $0xA;
	s2 =	sadd.s32 s3, s2  }
0x5: {  	s2 =	sadd.s32 s2, s18  }
0x6: {  	[smem:$0x3FC6] =	sst s2  }
0x7: {  	_ = 	snop  }
0x8: {  	s2 =	sld [smem:$0x3FD0];
	(tm) =	ssettm $0x1  }
0x9: {  	s19 =	sld [smem:$0x3FFB];
	_ =	sdelay $0x3  }
0xa: {  	_ =	strace s19  }
0xb: {  	s3 =	sld [smem:$0x3FFC];
	_ =	sdelay $0x3  }
0xc: {  	_ =	strace s3  }
0xd: {  	s3 =	sld [smem:$0x3FFD];
	_ =	sdelay $0x3  }
0xe: {  	_ =	strace s3  }
0xf: {  	_ =	strace $0x8FFFFFFF  }
0x10: {  	s20 =	sld [smem:$0x3FDB];
	_ =	sdelay $0x1  }
0x11: {  	s4 =	simm.s32 $_scs_section_size  }
0x12: {  	s5 =	simm.s32 $_size__tile_overlayer_lowered;
	s6 =	simm.s32 $_tile_overlayer_lowered  }
0x13: {  	s23 =	simm.s32 $0x1BFF;
	s22 =	sshll.u32 s6, $0x1;
	s3 =	sadd.s32 s4, s20  }
0x14: {  	s7 =	simm.s32 $0x0;
	s21 =	sshll.u32 s5, $0x1;
	s5 =	sadd.s32 s22, s3  }
0x15: {  	[timem:s7], [sflag:s23] =	dma.local [hbm:s5], s21  }
0x16: {  	_ =	swait.ge [sflag:s23], s21  }
0x17: {  	s4 =	ssub.s32 $0x0, s21;
	[sflag:s23] =	ssyncset.done $0x0  }
0x18: {  	[sflag:s23] =	ssyncadd.s32 s4;
	_ =	sdelay $0x1  }
0x19: {  	s24 =	simm.s32 $0x1B8B  }
0x1a: {  	_ =	swait.ge [sflag:s24], $0x1  }
0x1b: {  	[sflag:s24] =	ssyncset.done $0x0  }
0x1c: {  	s26 =	simm.s32 $0x1B8E;
	s25 =	sld [smem:$0x3FFE];
	[sflag:s24] =	ssyncadd.s32 $0xFFFFFFFF  }
0x1d: {  	s27 =	simm.s32 $execute0_lowered;
	[smem:$0x3FD2] =	sst s26  }
0x1e: {  	s5 =	sshll.u32 s27, $0x1;
	_ =	strace $0x80000049;
	[dreg:$0x1] =	wrdreg $0xFFFFFFFF  }
0x1f: {  	s28 =	simm.s32 $_size_execute0_lowered;
	s3 =	sadd.s32 s3, s5;
	[dreg:$0x0] =	wrdreg $0x0  }
0x20: {  	s5 =	sshll.u32 s28, $0x1;
	[dreg:$0x2] =	wrdreg s3  }
0x21: {  	[dreg:$0x3] =	wrdreg s5  }
0x22: {  	[dreg:$0x4] =	wrdreg $0xC0  }
0x23: {  	_ =	task [dreg:s7], $0x5FFFF  }
0x24: {  	[dreg:$0x1] =	wrdreg $0xFFFFFFFF  }
0x25: {  	[dreg:$0x0] =	wrdreg $0x60  }
0x26: {  	[dreg:$0x2] =	wrdreg s25  }
0x27: {  	[dreg:$0x3] =	wrdreg s2  }
0x28: {  	[dreg:$0x4] =	wrdreg $0x9  }
0x29: {  	_ =	task.clear_ibuf [dreg:s7], $0x5FFFF;
	_ =	strace $0x90000049  }
0x2a: {  	s29 =	simm.s32 $0x9;
	_ =	strace $0x8000004B  }
0x2b: {  	_ =	swait.ge [sflag:s29], $0x1  }
0x2c: {  	[sflag:s29] =	ssyncadd.s32 $0xFFFFFFFF  }
0x2d: {  	_ =	strace $0x9000004B  }
0x2e: {  	_ =	sfence  }
0x2f: {  	s30 =	sld [smem:$0x0];
	_ =	sdelay $0x2  }
0x30: {  	s31 =	sshll.u32 s1, $0xD;
	s1 =	sshrl.u32 s1, $0x2  }
0x31: {  	s3 =	sand.u32 $0x4000, s31;
	s1 =	sadd.s32 s1, s30  }
0x32: {  	s0 =	sor.u32 s3, s0;
	s1 =	sshll.u32 s1, $0x11  }
0x33: {  	s0 =	sor.u32 s1, s0  }
0x34: {  	s0 =	sadd.s32 $0x8F2B, s0  }
0x35: {  	[sflag:s0] =	ssyncadd.remote.s32 $0x1  }
0x36: {  	_ =	sfence.sel $0xFFFF  }
0x37: {  	[dreg:$0x0] =	wrdreg $0xFFFFFFFF;
	(pc) =	sbr.abs _section_cstart, $3  }
0x38: {  	[dreg:$0x1] =	wrdreg $0xFFFFFFFF  }
0x39: {  	_ =	task.clear_ibuf [dreg:s7], $0x2FFFF;
	_ =	strace $0x9FFFFFFF  }
0x3a: {  	(tm) =	ssettm $0x7FFFFFFF  }
0x3b: {  	_ =	shalt  }
tec
execute0_lowered:
.L_overlay_start_1:
0x0: {  	(tag) =	ssettag $0x1  }
0x1: {  	s0 =	srdreg.scid  }
0x2: {  	s1 =	sshll.u32 s0, $0x4  }
0x3: {  	s0 =	stileid.u32;
	s1 =	sand.u32 $0x10, s1  }
0x4: {  	s1 =	sor.u32 s0, s1  }
0x5: {  	s6 =	rddreg [dreg:$0x0];
	s4 =	simm.s32 $0x1;
	s2 =	sshll.u32 s1, $0x7  }
0x6: {  	s7 =	simm.s32 $0x2;
	s12 =	simm.s32 $0x0;
	s1 =	ssub.s32 $0x1000, s2  }
0x7: {  	s8 =	simm.s32 $0x8000;
	s13 =	simm.s32 $0x0;
	s3 =	sand.u32 $0xF80, s1  }
0x8: {  	s9 =	simm.s32 $0x0;
	s5 =	sshrl.u32 s1, $0xC;
	p0 =	sne.s32 s3, $0x0  }
.Ltmp0:
0x9: {  	s1 =	rddreg [dreg:$0x2];
	s4 =	simm.s32 @!p0 $0x0;
	(pc) =	sbr.rel .LBB1_1-.Ltmp0, $4  }
0xa: {  	s11 =	simm.s32 $0x0;
	s3 =	rddreg [dreg:$0x1];
	s5 =	sadd.s32 s4, s5  }
0xb: {  	_ =	strace $0x8000004A;
	s4 =	simm.s32 $0x1;
	s5 =	smul.u32 $0xC8, s5  }
0xc: {  	s6 =	sadd.s32 $0xA00, s6;
	s10 =	smov.u32 s2;
	[sflag:s4] =	ssyncpa.u1 $0x0  }
0xd: {  	p0 =	por $0x0, $0x0;
	[sflag:s7] =	ssyncpa.u1 $0x0;
	s7 =	sor.u32 $0x1, s5  }
.LBB1_4:
0xe: {  	s16 =	sshll.u32 s13, $0x3;
	s17 =	sand.u32 $0x78, s13  }
0xf: {  	s30 =	sand.u32 $0x3E00, s13;
	s12 =	sshll.u32 s12, $0xE;
	s16 =	sand.u32 $0xC00, s16  }
0x10: {  	s31 =	sand.u32 $0x7, s13;
	s16 =	sor.u32 s17, s16;
	s17 =	sadd.s32 s3, s30  }
0x11: {  	s13 =	sshll.u32 s31, $0x12;
	s16 =	sshrl.u32 s16, $0x3;
	s12 =	sadd.s32 s12, s17  }
0x12: {  	[tilespmem:s15+$0x0 ss:$0x81] =	vst.msk $0xffff, v0;
	s13 =	sor.u32 $0x400, s13;
	s12 =	sadd.s32 s16, s12  }
0x13: {  	[hbm4b:s12+s13] =	stream.strided.scatter [tilespmem:s14], [sflag:$0x2], $0x1000, s8, s13, $0x20;
	[tilespmem:$0x4040] =	vst v63  }
.LBB1_5:
0x14: {  	s14 =	sadd.s32 $0x1, s9  }
0x15: {  	s12 =	sadd.s32 $0x1000, s10;
	s16 =	smov.u32 s10;
	p2 =	sgt.s32 s14, $0xC7  }
0x16: {  	s16 =	smov.u32 @p2 s12  }
0x17: {  	s14 =	simm.s32 @p2 $0x0;
	p2 =	sgt.s32 s16, $0xFFF  }
0x18: {  	s16 =	smov.u32 @p2 s2;
	p2 =	sne.s32 s11, s7  }
.Ltmp1:
0x19: {  	p1 =	slt.u32 s11, $0x2;
	(pc) =	sbr.rel @!p2 .LBB1_6-.Ltmp1, $4  }
0x1a: {  	s15 =	simm.s32 @!p1 $0x2  }
0x1b: {  	s13 =	smov.u32 s10;
	p0 =	por !p0, !p0;
	_ =	swait.ge @!p1 [sflag:s15], $0x1000  }
0x1c: {  	s12 =	smov.u32 s9;
	[sflag:s15] =	ssyncset.done @!p1 $0x0;
	s9 =	smov.u32 s14  }
0x1d: {  	s11 =	sadd.s32 $0x1, s11;
	[sflag:s15] =	ssyncadd.s32 @!p1 $0xFFFFF000;
	s10 =	smov.u32 s16  }
.LBB1_1:
0x1e: {  	p1 =	sge.u32 s11, s5  }
0x1f: {  	s14 =	sand.u32 @!p1 $0x1FFFFFF, s9  }
0x20: {  	s15 =	smulhi.u32 @!p1 $0x147AE15, s14;
	_ =	sdelay $0x1  }
0x21: {  	s15 =	smul.u32 @!p1 $0xC8, s15  }
0x22: {  	s16 =	sxor.u32 @!p1 $0xFFFFFFFF, s11;
	s17 =	smul.u32 @!p1 $0xC80, s10  }
0x23: {  	s31 =	sadd.s32 $0xFFFFFFFF, s11;
	s16 =	sshll.u32 @!p1 s16, $0xC;
	s14 =	ssub.s32 @!p1 s14, s15  }
0x24: {  	s15 =	sand.u32 @!p1 $0x1000, s16;
	s16 =	sadd.s32 @!p1 s6, s17;
	s14 =	sshll.u32 @!p1 s14, $0x4  }
0x25: {  	s17 =	simm.s32 @!p1 $0x6400;
	s14 =	sadd.s32 @!p1 s14, s16;
	s16 =	simm.s32 @!p1 $0x20  }
0x26: {  	[tilespmem:s15], [sflag:$0x1] =	stream.strided.gather @!p1 [hbm4b:s14+s16], $0x1000, s17, s16, $0x38;
	[tilespmem:$0x4040] =	vst v63  }
0x27: {  	p1 =	sge.u32 s31, s5  }
.Ltmp2:
0x28: {  	_ = 	snop;
	(pc) =	sbr.rel @p1 .LBB1_5-.Ltmp2, $1  }
0x29: {  	_ =	sdelay $0x3  }
0x2a: {  	s14 =	simm.s32 $0x1  }
0x2b: {  	_ =	swait.ge [sflag:s4], $0x1000;
	s14 =	simm.s32 @!p0 $0x0  }
0x2c: {  	[sflag:s4] =	ssyncset.done $0x0;
	s15 =	sshll.u32 s14, $0xC  }
0x2d: {  	[sflag:s4] =	ssyncadd.s32 $0xFFFFF000;
	s18 =	sor.u32 $0x10, s15  }
0x2e: {  	s14 =	smul.u32 $0x4080, s14;
	v1 =	vld [tilespmem:s18+$0x0]  }
0x2f: {  	s30 =	sand.u32 $0x1, s11;
	v0 =	vld [tilespmem:s18+$0xFFFFFFF0]  }
0x30: {  	s15 =	smul.u32 $0x4080, s30;
	s14 =	sshrl.u32 s14, $0x2  }
0x31: {  	s16 =	sor.u32 $0x2000, s14  }
0x32: {  	s31 =	sshrl.u32 s15, $0x2;
	s15 =	sadd.s32 $0x0, s16  }
0x33: {  	s17 =	simm.s32 $0x4;
	s18 =	sadd.s32 $0x20, s18;
	s14 =	sor.u32 $0x2000, s31;
	[tilespmem:s15+$0x810 ss:$0x81] =	vst.msk $0xffff, v1  }
.LBB1_3:
0x34: {  	v1 =	vld [tilespmem:s18+$0x0];
	p1 =	sne.s32 s17, $0x1FC;
	[tilespmem:s15+$0x0 ss:$0x81] =	vst.msk $0xffff, v0;
	s15 =	smov.u32 s17;
	s17 =	sadd.s32 $0x4, s17  }
.Ltmp3:
0x35: {  	v0 =	vld [tilespmem:s18+$0xFFFFFFF0];
	(pc) =	sbr.rel @p1 .LBB1_3-.Ltmp3, $4  }
0x36: {  	_ = 	snop  }
0x37: {  	s15 =	sshra.s32 s15, $0x2  }
0x38: {  	s15 =	sadd.s32 s15, s16  }
0x39: {  	s18 =	sadd.s32 $0x20, s18;
	[tilespmem:s15+$0x810 ss:$0x81] =	vst.msk $0xffff, v1  }
.Ltmp4:
0x3a: {  	_ = 	snop;
	(pc) =	sbr.rel .LBB1_4-.Ltmp4, $1  }
0x3b: {  	_ =	sdelay $0x3  }
.LBB1_6:
0x3c: {  	_ =	sfence.sel $0x180000  }
0x3d: {  	s2 =	simm.s32 $0x1;
	[bflag:$0x0] =	sbarrier.arrive $0xFFFF  }
0x3e: {  	s31 =	simm.s32 $0x2;
	[sflag:s2] =	ssyncpa.u1 $0x1  }
0x3f: {  	[sflag:s31] =	ssyncpa.u1 $0x1  }
0x40: {  	p0 =	sne.s32 s0, $0x0;
	_ =	strace $0x9000004A  }
0x41: {  	s0 =	sadd.s32 @!p0 $0x100000, s1;
	[bflag:$0x2] =	sbarrier.arrive $0xFFFF  }
0x42: {  	[sflag:s0] =	ssyncadd.tile.s32 @!p0 $0x1;
	_ =	shalt  }
.Lfunc_end1:
_tile_overlayer_lowered:
.L_overlay_start_2:
0x43: {  	(tag) =	ssettag $0x2  }
0x44: {  	s0 =	rddreg [dreg:$0x0];
	s2 =	stileid.u32  }
0x45: {  	s1 =	rddreg [dreg:$0x1];
	p0 =	sne.s32 s2, $0x0  }
0x46: {  	s3 =	rddreg [dreg:$0x2];
	[bflag:$0x3] =	sbarrier.arrive $0xFFFF;
	s2 =	simm.s32 @!p0 $0x1C01  }
0x47: {  	[timem:s3], [sflag:s2] =	dma.local @!p0 [hbm:s0], s1  }
0x48: {  	s0 =	simm.s32 @!p0 $0x1  }
0x49: {  	_ =	swait.ge @!p0 [sflag:s0], s1  }
0x4a: {  	s1 =	ssub.s32 @!p0 $0x0, s1;
	[sflag:s0] =	ssyncset.done @!p0 $0x0  }
0x4b: {  	[sflag:s0] =	ssyncadd.s32 @!p0 s1  }
0x4c: {  	[bflag:$0x3] =	sbarrier.arrive $0xFFFF  }
0x4d: {  	_ =	shalt  }

</sc_bundles>
